<compile_context>
chip_gen: v7x
topology: tpu7x:2x2x1
jax: 0.10.2.dev20260603
libtpu: 0.0.44.dev20260713+nightly
codegen_flags: <defaults>
</compile_context>

<pallas_src>
import jax
import jax.numpy as jnp
from jax import lax
from jax.experimental import pallas as pl
from jax.experimental.pallas import tpu as pltpu
from jax.experimental.pallas import tpu_sc as plsc

_NUM_LAYERS = 64
_OUT_W = 16
_OUT_H = 16
_BOX = _NUM_LAYERS * _OUT_W * _OUT_H
_T = 200
_G = (_T + 15) // 16
_NW = 32

_MESH = dict(core_axis_name="c", subcore_axis_name="s", num_cores=2,
             num_subcores=16)


def _decode_body(xt_hbm, keys_hbm, vals_hbm,
                 in0, ok_v, ov_v, in1, sin0, sout0, sin1, sout1):
    wid = lax.axis_index("s") * 2 + lax.axis_index("c")
    blk = wid // 2
    half = wid % 2
    b_own = blk * 128 + 64 * half
    lanes = lax.iota(jnp.int32, 16)
    bcol = pl.multiple_of(blk * 128, 128)

    chunks = ((0, 56, in0, sin0), (56, 48, in1, sin1),
              (104, 48, in0, sin0), (152, 48, in1, sin1))

    def _start(t0, tl, in_v, sin):
        pltpu.async_copy(xt_hbm.at[:, pl.ds(t0, tl), pl.ds(bcol, 128)],
                         in_v.at[:, pl.ds(0, tl), :], sin)

    _start(*chunks[0])
    _start(*chunks[1])

    for ci, (t0, tl, in_v, sin) in enumerate(chunks):
        pltpu.make_async_copy(
            xt_hbm.at[:, pl.ds(t0, tl), pl.ds(bcol, 128)],
            in_v.at[:, pl.ds(0, tl), :], sin).wait()

        def _t(tloc, _):
            for bg in range(4):
                off = 64 * half + 16 * bg
                obs0 = in_v[0, tloc, pl.ds(off, 16)]
                atr = in_v[1, tloc, pl.ds(off, 16)]
                val = in_v[2, tloc, pl.ds(off, 16)]
                coords = obs0 & 255
                valid = (coords != 255) & (atr < _NUM_LAYERS)
                sidx = jnp.where(valid, atr * 256 + coords, 0)
                sval = jnp.where(valid, val.astype(jnp.float32), 0.0)
                key = sidx + (b_own + (16 * bg + lanes)) * _BOX
                oidx = (16 * bg + lanes) * _T + (t0 + tloc)
                plsc.store_scatter(ok_v, [oidx], key)
                plsc.store_scatter(ov_v, [oidx], sval)
            return 0
        lax.fori_loop(0, tl, _t, 0)

        if ci + 2 < len(chunks):
            _start(*chunks[ci + 2])

    pltpu.async_copy(ok_v, keys_hbm.at[pl.ds(b_own * _T, 64 * _T)], sout0)
    pltpu.async_copy(ov_v, vals_hbm.at[pl.ds(b_own * _T, 64 * _T)], sout1)
    pltpu.make_async_copy(
        ok_v, keys_hbm.at[pl.ds(b_own * _T, 64 * _T)], sout0).wait()
    pltpu.make_async_copy(
        ov_v, vals_hbm.at[pl.ds(b_own * _T, 64 * _T)], sout1).wait()


def _scatter_body(sk_hbm, sv_hbm, out_hbm,
                  k0v, v0v, t0v, box0, k1v, v1v, t1v, box1,
                  sin0, sout0, sin1, sout1):
    wid = lax.axis_index("s") * 2 + lax.axis_index("c")
    b_tt = out_hbm.shape[0]
    rows = b_tt // _NW
    base_row = wid * rows
    zero16 = jnp.zeros((16,), jnp.float32)
    zero16i = jnp.zeros((16,), jnp.int32)
    neg1 = jnp.full((16,), -1, jnp.int32)

    def _clear(j, _):
        box0[pl.ds(j * 16, 16)] = zero16
        box1[pl.ds(j * 16, 16)] = zero16
        return 0
    lax.fori_loop(0, _BOX // 16, _clear, 0)
    for g in range(_G):
        t0v[pl.ds(g * 16, 16)] = zero16i
        t1v[pl.ds(g * 16, 16)] = zero16i
    k0v[pl.ds(_T, 16)] = neg1
    k1v[pl.ds(_T, 16)] = neg1

    def _fetch(row, kv, vv, sin):
        pltpu.async_copy(sk_hbm.at[pl.ds(row * _T, _T)],
                         kv.at[pl.ds(0, _T)], sin)
        pltpu.async_copy(sv_hbm.at[pl.ds(row * _T, _T)],
                         vv.at[pl.ds(0, _T)], sin)

    def _row(r, kv, vv, tv, box, sin, sout):
        row = base_row + r
        pltpu.make_async_copy(sk_hbm.at[pl.ds(row * _T, _T)],
                              kv.at[pl.ds(0, _T)], sin).wait()
        pltpu.make_async_copy(sv_hbm.at[pl.ds(row * _T, _T)],
                              vv.at[pl.ds(0, _T)], sin).wait()

        @pl.when(r >= 2)
        def _():
            pltpu.make_async_copy(box, out_hbm.at[row], sout).wait()

        for g in range(_G):
            idx = tv[pl.ds(g * 16, 16)]
            plsc.store_scatter(box, [idx], zero16)
        for g in range(_G):
            k0 = kv[pl.ds(g * 16, 16)]
            k1 = kv[pl.ds(g * 16 + 1, 16)]
            v0 = vv[pl.ds(g * 16, 16)]
            idx = k0 & (_BOX - 1)
            m = (k0 != k1) & (k0 > -1)
            plsc.store_scatter(box, [idx], v0, mask=m)
            tv[pl.ds(g * 16, 16)] = idx

        pltpu.async_copy(box, out_hbm.at[row], sout)

        @pl.when(r + 2 < rows)
        def _():
            _fetch(row + 2, kv, vv, sin)

    _fetch(base_row, k0v, v0v, sin0)
    _fetch(base_row + 1, k1v, v1v, sin1)

    def _pair(rr, _):
        _row(2 * rr, k0v, v0v, t0v, box0, sin0, sout0)
        _row(2 * rr + 1, k1v, v1v, t1v, box1, sin1, sout1)
        return 0
    lax.fori_loop(0, rows // 2, _pair, 0)

    pltpu.make_async_copy(box0, out_hbm.at[base_row], sout0).wait()
    pltpu.make_async_copy(box1, out_hbm.at[base_row], sout1).wait()


def kernel(token_observations):
    b_tt = token_observations.shape[0]
    tok_t = jnp.transpose(token_observations, (2, 1, 0))

    decode = pl.kernel(
        _decode_body,
        out_type=(
            jax.ShapeDtypeStruct((b_tt * _T,), jnp.int32),
            jax.ShapeDtypeStruct((b_tt * _T,), jnp.float32),
        ),
        mesh=plsc.VectorSubcoreMesh(**_MESH),
        scratch_types=[
            pltpu.VMEM((3, 56, 128), jnp.int32),
            pltpu.VMEM((64 * _T,), jnp.int32),
            pltpu.VMEM((64 * _T,), jnp.float32),
            pltpu.VMEM((3, 48, 128), jnp.int32),
            pltpu.SemaphoreType.DMA,
            pltpu.SemaphoreType.DMA,
            pltpu.SemaphoreType.DMA,
            pltpu.SemaphoreType.DMA,
        ],
        compiler_params=pltpu.CompilerParams(needs_layout_passes=False),
    )
    keys1d, vals1d = decode(tok_t)

    sk, sv = lax.sort(
        (keys1d, vals1d), dimension=0, num_keys=1, is_stable=False,
    )

    scatter = pl.kernel(
        _scatter_body,
        out_type=jax.ShapeDtypeStruct((b_tt, _BOX), jnp.float32),
        mesh=plsc.VectorSubcoreMesh(**_MESH),
        scratch_types=[
            pltpu.VMEM((_T + 16,), jnp.int32),
            pltpu.VMEM((_G * 16,), jnp.float32),
            pltpu.VMEM((_G * 16,), jnp.int32),
            pltpu.VMEM((_BOX,), jnp.float32),
            pltpu.VMEM((_T + 16,), jnp.int32),
            pltpu.VMEM((_G * 16,), jnp.float32),
            pltpu.VMEM((_G * 16,), jnp.int32),
            pltpu.VMEM((_BOX,), jnp.float32),
            pltpu.SemaphoreType.DMA,
            pltpu.SemaphoreType.DMA,
            pltpu.SemaphoreType.DMA,
            pltpu.SemaphoreType.DMA,
        ],
        compiler_params=pltpu.CompilerParams(needs_layout_passes=False),
    )
    out = scatter(sk, sv)
    return out.reshape(b_tt, _NUM_LAYERS, _OUT_W, _OUT_H)

# --- scband reference (transcript-rebuilt; emitter-appended) ---
"""Pipeline reference for scband-obs-token-to-box-shim-58780922413464 (READ-ONLY COPY).

The authoritative reference and input builder live on the scoring server;
editing this copy changes nothing except your own understanding.
"""

import jax, jax.numpy as jnp
import numpy as np

NUM_LAYERS = 64
OUT_W = 16
OUT_H = 16


def setup_inputs(seed: int = 0) -> dict:
    key = jax.random.key(seed)
    token_observations = jax.random.randint(key, (2048, 200, 3), 0, 256, dtype=jnp.int32)
    return {"token_observations": token_observations}


def reference(token_observations):
    B_TT = token_observations.shape[0]
    coords_byte = token_observations[..., 0] & 255  # emulate .to(torch.uint8)
    x_coord_indices = (coords_byte >> 4) & 15
    y_coord_indices = coords_byte & 15
    atr_indices = token_observations[..., 1]
    atr_values = token_observations[..., 2].astype(jnp.float32)

    valid_tokens = coords_byte != 255
    valid_atr = atr_indices < NUM_LAYERS
    valid_mask = valid_tokens & valid_atr

    flat_spatial_index = x_coord_indices * OUT_H + y_coord_indices
    dim_per_layer = OUT_W * OUT_H
    combined_index = atr_indices * dim_per_layer + flat_spatial_index

    safe_index = jnp.where(valid_mask, combined_index, jnp.zeros_like(combined_index))
    safe_values = jnp.where(valid_mask, atr_values, jnp.zeros_like(atr_values))

    box_flat = jnp.zeros((B_TT, NUM_LAYERS * dim_per_layer), dtype=atr_values.dtype)
    batch_idx = jnp.broadcast_to(jnp.arange(B_TT)[:, None], safe_index.shape)
    # scatter-overwrite, matching torch Tensor.scatter_ (dim=1)
    box_flat = box_flat.at[batch_idx, safe_index].set(safe_values)
    box_obs = box_flat.reshape(B_TT, NUM_LAYERS, OUT_W, OUT_H)
    return box_obs

if __name__ == "__main__":
    import jax
    _d = setup_inputs()
    print(jax.jit(kernel)(*tuple(_d.values())))

</pallas_src>

<mosaic_0001>
#map = affine_map<(d0, d1) -> (0, 0, 0)>
#map1 = affine_map<(d0, d1) -> (0)>
module attributes {stable_mosaic.version = 14 : i64} {
  func.func @_decode_body(%arg0: i32, %arg1: i32, %arg2: memref<3x200x2048xi32, #tpu.memory_space<hbm>>, %arg3: memref<409600xi32, #tpu.memory_space<hbm>>, %arg4: memref<409600xf32, #tpu.memory_space<hbm>>, %arg5: memref<3x56x128xi32, #tpu.memory_space<vmem>>, %arg6: memref<12800xi32, #tpu.memory_space<vmem>>, %arg7: memref<12800xf32, #tpu.memory_space<vmem>>, %arg8: memref<3x48x128xi32, #tpu.memory_space<vmem>>, %arg9: memref<!tpu.dma_semaphore, #tpu.memory_space<semaphore_mem>>, %arg10: memref<!tpu.dma_semaphore, #tpu.memory_space<semaphore_mem>>, %arg11: memref<!tpu.dma_semaphore, #tpu.memory_space<semaphore_mem>>, %arg12: memref<!tpu.dma_semaphore, #tpu.memory_space<semaphore_mem>>) attributes {dimension_semantics = [#tpu.dimension_semantics<core_parallel>, #tpu.dimension_semantics<subcore_parallel>], iteration_bounds = array<i64: 2, 16>, scalar_prefetch = 0 : i64, scratch_operands = 8 : i64, tpu.core_type = #tpu.core_type<sc_vector_subcore>, window_params = [{transform_indices = #map}, {transform_indices = #map1}, {transform_indices = #map1}]} {
    %mul3A = arith.constant 2 : i32
    %mul3A_0 = arith.muli %arg1, %mul3A : i32
    %add3A = arith.addi %mul3A_0, %arg0 : i32
    %jit3A = arith.constant 2 : i32
    %div3A = arith.divsi %add3A, %jit3A : i32
    %sign3A = arith.constant 0 : i32
    %sign3A_1 = arith.cmpi sgt, %add3A, %sign3A : i32
    %sign3A_2 = arith.extui %sign3A_1 : i1 to i32
    %sign3A_3 = arith.constant 0 : i32
    %sign3A_4 = arith.cmpi slt, %add3A, %sign3A_3 : i32
    %sign3A_5 = arith.extui %sign3A_4 : i1 to i32
    %sign3A_6 = arith.subi %sign3A_2, %sign3A_5 : i32
    %sign3A_7 = arith.constant 0 : i32
    %sign3A_8 = arith.cmpi sgt, %jit3A, %sign3A_7 : i32
    %sign3A_9 = arith.extui %sign3A_8 : i1 to i32
    %sign3A_10 = arith.constant 0 : i32
    %sign3A_11 = arith.cmpi slt, %jit3A, %sign3A_10 : i32
    %sign3A_12 = arith.extui %sign3A_11 : i1 to i32
    %sign3A_13 = arith.subi %sign3A_9, %sign3A_12 : i32
    %ne3A = arith.cmpi ne, %sign3A_6, %sign3A_13 : i32
    %rem3A = arith.remsi %add3A, %jit3A : i32
    %ne3A_14 = arith.constant 0 : i32
    %ne3A_15 = arith.cmpi ne, %rem3A, %ne3A_14 : i32
    %and3A = arith.andi %ne3A, %ne3A_15 : i1
    %sub3A = arith.constant 1 : i32
    %sub3A_16 = arith.subi %div3A, %sub3A : i32
    %select_n3A = arith.select %and3A, %sub3A_16, %div3A : i32
    %jit3A_17 = arith.constant 2 : i32
    %eq3A = arith.constant 0 : i32
    %eq3A_18 = arith.cmpi eq, %jit3A_17, %eq3A : i32
    %jit3A_19 = arith.constant 1 : i32
    %select_n3A_20 = arith.select %eq3A_18, %jit3A_19, %jit3A_17 : i32
    %rem3A_21 = arith.remsi %add3A, %select_n3A_20 : i32
    %ne3A_22 = arith.constant 0 : i32
    %ne3A_23 = arith.cmpi ne, %rem3A_21, %ne3A_22 : i32
    %lt3A = arith.constant 0 : i32
    %lt3A_24 = arith.cmpi slt, %rem3A_21, %lt3A : i32
    %lt3A_25 = arith.constant 0 : i32
    %lt3A_26 = arith.cmpi slt, %select_n3A_20, %lt3A_25 : i32
    %ne3A_27 = arith.xori %lt3A_24, %lt3A_26 : i1
    %and3A_28 = arith.andi %ne3A_27, %ne3A_23 : i1
    %add3A_29 = arith.addi %rem3A_21, %select_n3A_20 : i32
    %select_n3A_30 = arith.select %and3A_28, %add3A_29, %rem3A_21 : i32
    %mul3A_31 = arith.constant 128 : i32
    %mul3A_32 = arith.muli %select_n3A, %mul3A_31 : i32
    %mul3A_33 = arith.constant 64 : i32
    %mul3A_34 = arith.muli %mul3A_33, %select_n3A_30 : i32
    %add3A_35 = arith.addi %mul3A_32, %mul3A_34 : i32
    %iota3A = tpu.iota {dimensions = array<i32: 0>} : vector<16xi32>
    %mul3A_36 = arith.constant 128 : i32
    %mul3A_37 = arith.muli %select_n3A, %mul3A_36 : i32
    %multiple_of3A = tpu.assume_multiple %mul3A_37, 128 : i32
    %dma_start3A = arith.constant 0 : i32
    %dma_start3A_38 = arith.constant 0 : i32
    %dma_start3A_39 = arith.constant 0 : i32
    %dma_start3A_40 = tpu.memref_slice %arg5[%dma_start3A, %dma_start3A_38, %dma_start3A_39] : memref<3x56x128xi32, #tpu.memory_space<vmem>> -> memref<3x56x128xi32, #tpu.memory_space<vmem>>
    %dma_start3A_41 = arith.constant 0 : i32
    %dma_start3A_42 = arith.constant 0 : i32
    %dma_start3A_43 = tpu.memref_slice %arg2[%dma_start3A_41, %dma_start3A_42, %multiple_of3A] : memref<3x200x2048xi32, #tpu.memory_space<hbm>> -> memref<3x56x128xi32, #tpu.memory_space<hbm>>
    %dma_start3A_44 = arith.constant 0 : i32
    %dma_start3A_45 = arith.constant 0 : i32
    %dma_start3A_46 = arith.constant 0 : i32
    %dma_start3A_47 = tpu.memref_slice %arg5[%dma_start3A_44, %dma_start3A_45, %dma_start3A_46] : memref<3x56x128xi32, #tpu.memory_space<vmem>> -> memref<3x56x128xi32, #tpu.memory_space<vmem>>
    %dma_start3A_48 = arith.constant 0 : i32
    %dma_start3A_49 = arith.constant 0 : i32
    %dma_start3A_50 = tpu.memref_slice %arg2[%dma_start3A_48, %dma_start3A_49, %multiple_of3A] : memref<3x200x2048xi32, #tpu.memory_space<hbm>> -> memref<3x56x128xi32, #tpu.memory_space<hbm>>
    tpu.enqueue_dma source(%dma_start3A_50 : memref<3x56x128xi32, #tpu.memory_space<hbm>>) target(%dma_start3A_47 : memref<3x56x128xi32, #tpu.memory_space<vmem>>) target_semaphore(%arg9 : memref<!tpu.dma_semaphore, #tpu.memory_space<semaphore_mem>>)
    %dma_start3A_51 = arith.constant 0 : i32
    %dma_start3A_52 = arith.constant 0 : i32
    %dma_start3A_53 = arith.constant 0 : i32
    %dma_start3A_54 = tpu.memref_slice %arg8[%dma_start3A_51, %dma_start3A_52, %dma_start3A_53] : memref<3x48x128xi32, #tpu.memory_space<vmem>> -> memref<3x48x128xi32, #tpu.memory_space<vmem>>
    %dma_start3A_55 = arith.constant 0 : i32
    %dma_start3A_56 = arith.constant 56 : i32
    %dma_start3A_57 = tpu.memref_slice %arg2[%dma_start3A_55, %dma_start3A_56, %multiple_of3A] : memref<3x200x2048xi32, #tpu.memory_space<hbm>> -> memref<3x48x128xi32, #tpu.memory_space<hbm>>
    %dma_start3A_58 = arith.constant 0 : i32
    %dma_start3A_59 = arith.constant 0 : i32
    %dma_start3A_60 = arith.constant 0 : i32
    %dma_start3A_61 = tpu.memref_slice %arg8[%dma_start3A_58, %dma_start3A_59, %dma_start3A_60] : memref<3x48x128xi32, #tpu.memory_space<vmem>> -> memref<3x48x128xi32, #tpu.memory_space<vmem>>
    %dma_start3A_62 = arith.constant 0 : i32
    %dma_start3A_63 = arith.constant 56 : i32
    %dma_start3A_64 = tpu.memref_slice %arg2[%dma_start3A_62, %dma_start3A_63, %multiple_of3A] : memref<3x200x2048xi32, #tpu.memory_space<hbm>> -> memref<3x48x128xi32, #tpu.memory_space<hbm>>
    tpu.enqueue_dma source(%dma_start3A_64 : memref<3x48x128xi32, #tpu.memory_space<hbm>>) target(%dma_start3A_61 : memref<3x48x128xi32, #tpu.memory_space<vmem>>) target_semaphore(%arg11 : memref<!tpu.dma_semaphore, #tpu.memory_space<semaphore_mem>>)
    %dma_wait3A = arith.constant 0 : i32
    %dma_wait3A_65 = arith.constant 0 : i32
    %dma_wait3A_66 = arith.constant 0 : i32
    %dma_wait3A_67 = tpu.memref_slice %arg5[%dma_wait3A, %dma_wait3A_65, %dma_wait3A_66] : memref<3x56x128xi32, #tpu.memory_space<vmem>> -> memref<3x56x128xi32, #tpu.memory_space<vmem>>
    %dma_wait3A_68 = arith.constant 0 : i32
    %dma_wait3A_69 = arith.constant 0 : i32
    %dma_wait3A_70 = tpu.memref_slice %arg2[%dma_wait3A_68, %dma_wait3A_69, %multiple_of3A] : memref<3x200x2048xi32, #tpu.memory_space<hbm>> -> memref<3x56x128xi32, #tpu.memory_space<hbm>>
    %dma_wait3A_71 = arith.constant 0 : i32
    %dma_wait3A_72 = arith.constant 0 : i32
    %dma_wait3A_73 = arith.constant 0 : i32
    %dma_wait3A_74 = tpu.memref_slice %arg5[%dma_wait3A_71, %dma_wait3A_72, %dma_wait3A_73] : memref<3x56x128xi32, #tpu.memory_space<vmem>> -> memref<3x56x128xi32, #tpu.memory_space<vmem>>
    %dma_wait3A_75 = arith.constant 0 : i32
    %dma_wait3A_76 = arith.constant 0 : i32
    %dma_wait3A_77 = tpu.memref_slice %arg2[%dma_wait3A_75, %dma_wait3A_76, %multiple_of3A] : memref<3x200x2048xi32, #tpu.memory_space<hbm>> -> memref<3x56x128xi32, #tpu.memory_space<hbm>>
    tpu.wait_dma2 semaphore(%arg9 : memref<!tpu.dma_semaphore, #tpu.memory_space<semaphore_mem>>) src(%dma_wait3A_77 : memref<3x56x128xi32, #tpu.memory_space<hbm>>) dst(%dma_wait3A_74 : memref<3x56x128xi32, #tpu.memory_space<vmem>>)
    %scan3A = arith.constant 0 : i32
    %scan3A_78 = arith.constant 0 : i32
    %scan3A_79 = arith.constant 56 : i32
    %scan3A_80 = arith.addi %scan3A_78, %scan3A_79 : i32
    %scan3A_81 = arith.constant 1 : i32
    %scan3A_82 = scf.for %scan3A_191 = %scan3A_78 to %scan3A_80 step %scan3A_81 iter_args(%scan3A_192 = %scan3A) -> (i32)  : i32 {
      %mul3A_193 = arith.constant 64 : i32
      %mul3A_194 = arith.muli %mul3A_193, %select_n3A_30 : i32
      %add3A_195 = arith.constant 0 : i32
      %add3A_196 = arith.addi %mul3A_194, %add3A_195 : i32
      %get3A = arith.constant 0 : i32
      %get3A_197 = arith.index_cast %get3A : i32 to index
      %get3A_198 = arith.index_cast %scan3A_191 : i32 to index
      %get3A_199 = arith.index_cast %add3A_196 : i32 to index
      %get3A_200 = tpu.vector_load %arg5[%get3A_197, %get3A_198, %get3A_199] {strides = array<i32>} : memref<3x56x128xi32, #tpu.memory_space<vmem>>, vector<16xi32>,
      %get3A_201 = arith.constant 1 : i32
      %get3A_202 = arith.index_cast %get3A_201 : i32 to index
      %get3A_203 = arith.index_cast %scan3A_191 : i32 to index
      %get3A_204 = arith.index_cast %add3A_196 : i32 to index
      %get3A_205 = tpu.vector_load %arg5[%get3A_202, %get3A_203, %get3A_204] {strides = array<i32>} : memref<3x56x128xi32, #tpu.memory_space<vmem>>, vector<16xi32>,
      %get3A_206 = arith.constant 2 : i32
      %get3A_207 = arith.index_cast %get3A_206 : i32 to index
      %get3A_208 = arith.index_cast %scan3A_191 : i32 to index
      %get3A_209 = arith.index_cast %add3A_196 : i32 to index
      %get3A_210 = tpu.vector_load %arg5[%get3A_207, %get3A_208, %get3A_209] {strides = array<i32>} : memref<3x56x128xi32, #tpu.memory_space<vmem>>, vector<16xi32>,
      %and3A_211 = arith.constant 255 : i32
      %and3A_212 = vector.broadcast %and3A_211 : i32 to vector<16xi32>
      %and3A_213 = arith.andi %get3A_200, %and3A_212 : vector<16xi32>
      %ne3A_214 = arith.constant 255 : i32
      %ne3A_215 = vector.broadcast %ne3A_214 : i32 to vector<16xi32>
      %ne3A_216 = arith.cmpi ne, %and3A_213, %ne3A_215 : vector<16xi32>
      %lt3A_217 = arith.constant 64 : i32
      %lt3A_218 = vector.broadcast %lt3A_217 : i32 to vector<16xi32>
      %lt3A_219 = arith.cmpi slt, %get3A_205, %lt3A_218 : vector<16xi32>
      %and3A_220 = arith.andi %ne3A_216, %lt3A_219 : vector<16xi1>
      %mul3A_221 = arith.constant 256 : i32
      %mul3A_222 = vector.broadcast %mul3A_221 : i32 to vector<16xi32>
      %mul3A_223 = arith.muli %get3A_205, %mul3A_222 : vector<16xi32>
      %add3A_224 = arith.addi %mul3A_223, %and3A_213 : vector<16xi32>
      %jit3A_225 = arith.constant 0 : i32
      %broadcast_in_dim3A = vector.broadcast %jit3A_225 : i32 to vector<16xi32>
      %select_n3A_226 = arith.select %and3A_220, %add3A_224, %broadcast_in_dim3A : vector<16xi1>, vector<16xi32>
      %convert_element_type3A = arith.sitofp %get3A_210 : vector<16xi32> to vector<16xf32>
      %jit3A_227 = arith.constant 0.000000e+00 : f32
      %broadcast_in_dim3A_228 = vector.broadcast %jit3A_227 : f32 to vector<16xf32>
      %select_n3A_229 = arith.select %and3A_220, %convert_element_type3A, %broadcast_in_dim3A_228 : vector<16xi1>, vector<16xf32>
      %add3A_230 = arith.constant 0 : i32
      %add3A_231 = vector.broadcast %add3A_230 : i32 to vector<16xi32>
      %add3A_232 = arith.addi %add3A_231, %iota3A : vector<16xi32>
      %add3A_233 = vector.broadcast %add3A_35 : i32 to vector<16xi32>
      %add3A_234 = arith.addi %add3A_233, %add3A_232 : vector<16xi32>
      %mul3A_235 = arith.constant 16384 : i32
      %mul3A_236 = vector.broadcast %mul3A_235 : i32 to vector<16xi32>
      %mul3A_237 = arith.muli %add3A_234, %mul3A_236 : vector<16xi32>
      %add3A_238 = arith.addi %select_n3A_226, %mul3A_237 : vector<16xi32>
      %add3A_239 = arith.constant 0 : i32
      %add3A_240 = vector.broadcast %add3A_239 : i32 to vector<16xi32>
      %add3A_241 = arith.addi %add3A_240, %iota3A : vector<16xi32>
      %mul3A_242 = arith.constant 200 : i32
      %mul3A_243 = vector.broadcast %mul3A_242 : i32 to vector<16xi32>
      %mul3A_244 = arith.muli %add3A_241, %mul3A_243 : vector<16xi32>
      %add3A_245 = arith.constant 0 : i32
      %add3A_246 = arith.addi %add3A_245, %scan3A_191 : i32
      %add3A_247 = vector.broadcast %add3A_246 : i32 to vector<16xi32>
      %add3A_248 = arith.addi %mul3A_244, %add3A_247 : vector<16xi32>
      tpu.vector_store_idx %arg6[%add3A_248], %add3A_238 : memref<12800xi32, #tpu.memory_space<vmem>>[vector<16xi32>], vector<16xi32>,
      tpu.vector_store_idx %arg7[%add3A_248], %select_n3A_229 : memref<12800xf32, #tpu.memory_space<vmem>>[vector<16xi32>], vector<16xf32>,
      %mul3A_249 = arith.constant 64 : i32
      %mul3A_250 = arith.muli %mul3A_249, %select_n3A_30 : i32
      %add3A_251 = arith.constant 16 : i32
      %add3A_252 = arith.addi %mul3A_250, %add3A_251 : i32
      %get3A_253 = arith.constant 0 : i32
      %get3A_254 = arith.index_cast %get3A_253 : i32 to index
      %get3A_255 = arith.index_cast %scan3A_191 : i32 to index
      %get3A_256 = arith.index_cast %add3A_252 : i32 to index
      %get3A_257 = tpu.vector_load %arg5[%get3A_254, %get3A_255, %get3A_256] {strides = array<i32>} : memref<3x56x128xi32, #tpu.memory_space<vmem>>, vector<16xi32>,
      %get3A_258 = arith.constant 1 : i32
      %get3A_259 = arith.index_cast %get3A_258 : i32 to index
      %get3A_260 = arith.index_cast %scan3A_191 : i32 to index
      %get3A_261 = arith.index_cast %add3A_252 : i32 to index
      %get3A_262 = tpu.vector_load %arg5[%get3A_259, %get3A_260, %get3A_261] {strides = array<i32>} : memref<3x56x128xi32, #tpu.memory_space<vmem>>, vector<16xi32>,
      %get3A_263 = arith.constant 2 : i32
      %get3A_264 = arith.index_cast %get3A_263 : i32 to index
      %get3A_265 = arith.index_cast %scan3A_191 : i32 to index
      %get3A_266 = arith.index_cast %add3A_252 : i32 to index
      %get3A_267 = tpu.vector_load %arg5[%get3A_264, %get3A_265, %get3A_266] {strides = array<i32>} : memref<3x56x128xi32, #tpu.memory_space<vmem>>, vector<16xi32>,
      %and3A_268 = arith.constant 255 : i32
      %and3A_269 = vector.broadcast %and3A_268 : i32 to vector<16xi32>
      %and3A_270 = arith.andi %get3A_257, %and3A_269 : vector<16xi32>
      %ne3A_271 = arith.constant 255 : i32
      %ne3A_272 = vector.broadcast %ne3A_271 : i32 to vector<16xi32>
      %ne3A_273 = arith.cmpi ne, %and3A_270, %ne3A_272 : vector<16xi32>
      %lt3A_274 = arith.constant 64 : i32
      %lt3A_275 = vector.broadcast %lt3A_274 : i32 to vector<16xi32>
      %lt3A_276 = arith.cmpi slt, %get3A_262, %lt3A_275 : vector<16xi32>
      %and3A_277 = arith.andi %ne3A_273, %lt3A_276 : vector<16xi1>
      %mul3A_278 = arith.constant 256 : i32
      %mul3A_279 = vector.broadcast %mul3A_278 : i32 to vector<16xi32>
      %mul3A_280 = arith.muli %get3A_262, %mul3A_279 : vector<16xi32>
      %add3A_281 = arith.addi %mul3A_280, %and3A_270 : vector<16xi32>
      %jit3A_282 = arith.constant 0 : i32
      %broadcast_in_dim3A_283 = vector.broadcast %jit3A_282 : i32 to vector<16xi32>
      %select_n3A_284 = arith.select %and3A_277, %add3A_281, %broadcast_in_dim3A_283 : vector<16xi1>, vector<16xi32>
      %convert_element_type3A_285 = arith.sitofp %get3A_267 : vector<16xi32> to vector<16xf32>
      %jit3A_286 = arith.constant 0.000000e+00 : f32
      %broadcast_in_dim3A_287 = vector.broadcast %jit3A_286 : f32 to vector<16xf32>
      %select_n3A_288 = arith.select %and3A_277, %convert_element_type3A_285, %broadcast_in_dim3A_287 : vector<16xi1>, vector<16xf32>
      %add3A_289 = arith.constant 16 : i32
      %add3A_290 = vector.broadcast %add3A_289 : i32 to vector<16xi32>
      %add3A_291 = arith.addi %add3A_290, %iota3A : vector<16xi32>
      %add3A_292 = vector.broadcast %add3A_35 : i32 to vector<16xi32>
      %add3A_293 = arith.addi %add3A_292, %add3A_291 : vector<16xi32>
      %mul3A_294 = arith.constant 16384 : i32
      %mul3A_295 = vector.broadcast %mul3A_294 : i32 to vector<16xi32>
      %mul3A_296 = arith.muli %add3A_293, %mul3A_295 : vector<16xi32>
      %add3A_297 = arith.addi %select_n3A_284, %mul3A_296 : vector<16xi32>
      %add3A_298 = arith.constant 16 : i32
      %add3A_299 = vector.broadcast %add3A_298 : i32 to vector<16xi32>
      %add3A_300 = arith.addi %add3A_299, %iota3A : vector<16xi32>
      %mul3A_301 = arith.constant 200 : i32
      %mul3A_302 = vector.broadcast %mul3A_301 : i32 to vector<16xi32>
      %mul3A_303 = arith.muli %add3A_300, %mul3A_302 : vector<16xi32>
      %add3A_304 = arith.constant 0 : i32
      %add3A_305 = arith.addi %add3A_304, %scan3A_191 : i32
      %add3A_306 = vector.broadcast %add3A_305 : i32 to vector<16xi32>
      %add3A_307 = arith.addi %mul3A_303, %add3A_306 : vector<16xi32>
      tpu.vector_store_idx %arg6[%add3A_307], %add3A_297 : memref<12800xi32, #tpu.memory_space<vmem>>[vector<16xi32>], vector<16xi32>,
      tpu.vector_store_idx %arg7[%add3A_307], %select_n3A_288 : memref<12800xf32, #tpu.memory_space<vmem>>[vector<16xi32>], vector<16xf32>,
      %mul3A_308 = arith.constant 64 : i32
      %mul3A_309 = arith.muli %mul3A_308, %select_n3A_30 : i32
      %add3A_310 = arith.constant 32 : i32
      %add3A_311 = arith.addi %mul3A_309, %add3A_310 : i32
      %get3A_312 = arith.constant 0 : i32
      %get3A_313 = arith.index_cast %get3A_312 : i32 to index
      %get3A_314 = arith.index_cast %scan3A_191 : i32 to index
      %get3A_315 = arith.index_cast %add3A_311 : i32 to index
      %get3A_316 = tpu.vector_load %arg5[%get3A_313, %get3A_314, %get3A_315] {strides = array<i32>} : memref<3x56x128xi32, #tpu.memory_space<vmem>>, vector<16xi32>,
      %get3A_317 = arith.constant 1 : i32
      %get3A_318 = arith.index_cast %get3A_317 : i32 to index
      %get3A_319 = arith.index_cast %scan3A_191 : i32 to index
      %get3A_320 = arith.index_cast %add3A_311 : i32 to index
      %get3A_321 = tpu.vector_load %arg5[%get3A_318, %get3A_319, %get3A_320] {strides = array<i32>} : memref<3x56x128xi32, #tpu.memory_space<vmem>>, vector<16xi32>,
      %get3A_322 = arith.constant 2 : i32
      %get3A_323 = arith.index_cast %get3A_322 : i32 to index
      %get3A_324 = arith.index_cast %scan3A_191 : i32 to index
      %get3A_325 = arith.index_cast %add3A_311 : i32 to index
      %get3A_326 = tpu.vector_load %arg5[%get3A_323, %get3A_324, %get3A_325] {strides = array<i32>} : memref<3x56x128xi32, #tpu.memory_space<vmem>>, vector<16xi32>,
      %and3A_327 = arith.constant 255 : i32
      %and3A_328 = vector.broadcast %and3A_327 : i32 to vector<16xi32>
      %and3A_329 = arith.andi %get3A_316, %and3A_328 : vector<16xi32>
      %ne3A_330 = arith.constant 255 : i32
      %ne3A_331 = vector.broadcast %ne3A_330 : i32 to vector<16xi32>
      %ne3A_332 = arith.cmpi ne, %and3A_329, %ne3A_331 : vector<16xi32>
      %lt3A_333 = arith.constant 64 : i32
      %lt3A_334 = vector.broadcast %lt3A_333 : i32 to vector<16xi32>
      %lt3A_335 = arith.cmpi slt, %get3A_321, %lt3A_334 : vector<16xi32>
      %and3A_336 = arith.andi %ne3A_332, %lt3A_335 : vector<16xi1>
      %mul3A_337 = arith.constant 256 : i32
      %mul3A_338 = vector.broadcast %mul3A_337 : i32 to vector<16xi32>
      %mul3A_339 = arith.muli %get3A_321, %mul3A_338 : vector<16xi32>
      %add3A_340 = arith.addi %mul3A_339, %and3A_329 : vector<16xi32>
      %jit3A_341 = arith.constant 0 : i32
      %broadcast_in_dim3A_342 = vector.broadcast %jit3A_341 : i32 to vector<16xi32>
      %select_n3A_343 = arith.select %and3A_336, %add3A_340, %broadcast_in_dim3A_342 : vector<16xi1>, vector<16xi32>
      %convert_element_type3A_344 = arith.sitofp %get3A_326 : vector<16xi32> to vector<16xf32>
      %jit3A_345 = arith.constant 0.000000e+00 : f32
      %broadcast_in_dim3A_346 = vector.broadcast %jit3A_345 : f32 to vector<16xf32>
      %select_n3A_347 = arith.select %and3A_336, %convert_element_type3A_344, %broadcast_in_dim3A_346 : vector<16xi1>, vector<16xf32>
      %add3A_348 = arith.constant 32 : i32
      %add3A_349 = vector.broadcast %add3A_348 : i32 to vector<16xi32>
      %add3A_350 = arith.addi %add3A_349, %iota3A : vector<16xi32>
      %add3A_351 = vector.broadcast %add3A_35 : i32 to vector<16xi32>
      %add3A_352 = arith.addi %add3A_351, %add3A_350 : vector<16xi32>
      %mul3A_353 = arith.constant 16384 : i32
      %mul3A_354 = vector.broadcast %mul3A_353 : i32 to vector<16xi32>
      %mul3A_355 = arith.muli %add3A_352, %mul3A_354 : vector<16xi32>
      %add3A_356 = arith.addi %select_n3A_343, %mul3A_355 : vector<16xi32>
      %add3A_357 = arith.constant 32 : i32
      %add3A_358 = vector.broadcast %add3A_357 : i32 to vector<16xi32>
      %add3A_359 = arith.addi %add3A_358, %iota3A : vector<16xi32>
      %mul3A_360 = arith.constant 200 : i32
      %mul3A_361 = vector.broadcast %mul3A_360 : i32 to vector<16xi32>
      %mul3A_362 = arith.muli %add3A_359, %mul3A_361 : vector<16xi32>
      %add3A_363 = arith.constant 0 : i32
      %add3A_364 = arith.addi %add3A_363, %scan3A_191 : i32
      %add3A_365 = vector.broadcast %add3A_364 : i32 to vector<16xi32>
      %add3A_366 = arith.addi %mul3A_362, %add3A_365 : vector<16xi32>
      tpu.vector_store_idx %arg6[%add3A_366], %add3A_356 : memref<12800xi32, #tpu.memory_space<vmem>>[vector<16xi32>], vector<16xi32>,
      tpu.vector_store_idx %arg7[%add3A_366], %select_n3A_347 : memref<12800xf32, #tpu.memory_space<vmem>>[vector<16xi32>], vector<16xf32>,
      %mul3A_367 = arith.constant 64 : i32
      %mul3A_368 = arith.muli %mul3A_367, %select_n3A_30 : i32
      %add3A_369 = arith.constant 48 : i32
      %add3A_370 = arith.addi %mul3A_368, %add3A_369 : i32
      %get3A_371 = arith.constant 0 : i32
      %get3A_372 = arith.index_cast %get3A_371 : i32 to index
      %get3A_373 = arith.index_cast %scan3A_191 : i32 to index
      %get3A_374 = arith.index_cast %add3A_370 : i32 to index
      %get3A_375 = tpu.vector_load %arg5[%get3A_372, %get3A_373, %get3A_374] {strides = array<i32>} : memref<3x56x128xi32, #tpu.memory_space<vmem>>, vector<16xi32>,
      %get3A_376 = arith.constant 1 : i32
      %get3A_377 = arith.index_cast %get3A_376 : i32 to index
      %get3A_378 = arith.index_cast %scan3A_191 : i32 to index
      %get3A_379 = arith.index_cast %add3A_370 : i32 to index
      %get3A_380 = tpu.vector_load %arg5[%get3A_377, %get3A_378, %get3A_379] {strides = array<i32>} : memref<3x56x128xi32, #tpu.memory_space<vmem>>, vector<16xi32>,
      %get3A_381 = arith.constant 2 : i32
      %get3A_382 = arith.index_cast %get3A_381 : i32 to index
      %get3A_383 = arith.index_cast %scan3A_191 : i32 to index
      %get3A_384 = arith.index_cast %add3A_370 : i32 to index
      %get3A_385 = tpu.vector_load %arg5[%get3A_382, %get3A_383, %get3A_384] {strides = array<i32>} : memref<3x56x128xi32, #tpu.memory_space<vmem>>, vector<16xi32>,
      %and3A_386 = arith.constant 255 : i32
      %and3A_387 = vector.broadcast %and3A_386 : i32 to vector<16xi32>
      %and3A_388 = arith.andi %get3A_375, %and3A_387 : vector<16xi32>
      %ne3A_389 = arith.constant 255 : i32
      %ne3A_390 = vector.broadcast %ne3A_389 : i32 to vector<16xi32>
      %ne3A_391 = arith.cmpi ne, %and3A_388, %ne3A_390 : vector<16xi32>
      %lt3A_392 = arith.constant 64 : i32
      %lt3A_393 = vector.broadcast %lt3A_392 : i32 to vector<16xi32>
      %lt3A_394 = arith.cmpi slt, %get3A_380, %lt3A_393 : vector<16xi32>
      %and3A_395 = arith.andi %ne3A_391, %lt3A_394 : vector<16xi1>
      %mul3A_396 = arith.constant 256 : i32
      %mul3A_397 = vector.broadcast %mul3A_396 : i32 to vector<16xi32>
      %mul3A_398 = arith.muli %get3A_380, %mul3A_397 : vector<16xi32>
      %add3A_399 = arith.addi %mul3A_398, %and3A_388 : vector<16xi32>
      %jit3A_400 = arith.constant 0 : i32
      %broadcast_in_dim3A_401 = vector.broadcast %jit3A_400 : i32 to vector<16xi32>
      %select_n3A_402 = arith.select %and3A_395, %add3A_399, %broadcast_in_dim3A_401 : vector<16xi1>, vector<16xi32>
      %convert_element_type3A_403 = arith.sitofp %get3A_385 : vector<16xi32> to vector<16xf32>
      %jit3A_404 = arith.constant 0.000000e+00 : f32
      %broadcast_in_dim3A_405 = vector.broadcast %jit3A_404 : f32 to vector<16xf32>
      %select_n3A_406 = arith.select %and3A_395, %convert_element_type3A_403, %broadcast_in_dim3A_405 : vector<16xi1>, vector<16xf32>
      %add3A_407 = arith.constant 48 : i32
      %add3A_408 = vector.broadcast %add3A_407 : i32 to vector<16xi32>
      %add3A_409 = arith.addi %add3A_408, %iota3A : vector<16xi32>
      %add3A_410 = vector.broadcast %add3A_35 : i32 to vector<16xi32>
      %add3A_411 = arith.addi %add3A_410, %add3A_409 : vector<16xi32>
      %mul3A_412 = arith.constant 16384 : i32
      %mul3A_413 = vector.broadcast %mul3A_412 : i32 to vector<16xi32>
      %mul3A_414 = arith.muli %add3A_411, %mul3A_413 : vector<16xi32>
      %add3A_415 = arith.addi %select_n3A_402, %mul3A_414 : vector<16xi32>
      %add3A_416 = arith.constant 48 : i32
      %add3A_417 = vector.broadcast %add3A_416 : i32 to vector<16xi32>
      %add3A_418 = arith.addi %add3A_417, %iota3A : vector<16xi32>
      %mul3A_419 = arith.constant 200 : i32
      %mul3A_420 = vector.broadcast %mul3A_419 : i32 to vector<16xi32>
      %mul3A_421 = arith.muli %add3A_418, %mul3A_420 : vector<16xi32>
      %add3A_422 = arith.constant 0 : i32
      %add3A_423 = arith.addi %add3A_422, %scan3A_191 : i32
      %add3A_424 = vector.broadcast %add3A_423 : i32 to vector<16xi32>
      %add3A_425 = arith.addi %mul3A_421, %add3A_424 : vector<16xi32>
      tpu.vector_store_idx %arg6[%add3A_425], %add3A_415 : memref<12800xi32, #tpu.memory_space<vmem>>[vector<16xi32>], vector<16xi32>,
      tpu.vector_store_idx %arg7[%add3A_425], %select_n3A_406 : memref<12800xf32, #tpu.memory_space<vmem>>[vector<16xi32>], vector<16xf32>,
      %scan3A_426 = arith.constant 0 : i32
      scf.yield %scan3A_426 : i32
    }
    %scan3A_83 = arith.constant 56 : i32
    %dma_start3A_84 = arith.constant 0 : i32
    %dma_start3A_85 = arith.constant 0 : i32
    %dma_start3A_86 = arith.constant 0 : i32
    %dma_start3A_87 = tpu.memref_slice %arg5[%dma_start3A_84, %dma_start3A_85, %dma_start3A_86] : memref<3x56x128xi32, #tpu.memory_space<vmem>> -> memref<3x48x128xi32, #tpu.memory_space<vmem>>
    %dma_start3A_88 = arith.constant 0 : i32
    %dma_start3A_89 = arith.constant 104 : i32
    %dma_start3A_90 = tpu.memref_slice %arg2[%dma_start3A_88, %dma_start3A_89, %multiple_of3A] : memref<3x200x2048xi32, #tpu.memory_space<hbm>> -> memref<3x48x128xi32, #tpu.memory_space<hbm>>
    %dma_start3A_91 = arith.constant 0 : i32
    %dma_start3A_92 = arith.constant 0 : i32
    %dma_start3A_93 = arith.constant 0 : i32
    %dma_start3A_94 = tpu.memref_slice %arg5[%dma_start3A_91, %dma_start3A_92, %dma_start3A_93] : memref<3x56x128xi32, #tpu.memory_space<vmem>> -> memref<3x48x128xi32, #tpu.memory_space<vmem>>
    %dma_start3A_95 = arith.constant 0 : i32
    %dma_start3A_96 = arith.constant 104 : i32
    %dma_start3A_97 = tpu.memref_slice %arg2[%dma_start3A_95, %dma_start3A_96, %multiple_of3A] : memref<3x200x2048xi32, #tpu.memory_space<hbm>> -> memref<3x48x128xi32, #tpu.memory_space<hbm>>
    tpu.enqueue_dma source(%dma_start3A_97 : memref<3x48x128xi32, #tpu.memory_space<hbm>>) target(%dma_start3A_94 : memref<3x48x128xi32, #tpu.memory_space<vmem>>) target_semaphore(%arg9 : memref<!tpu.dma_semaphore, #tpu.memory_space<semaphore_mem>>)
    %dma_wait3A_98 = arith.constant 0 : i32
    %dma_wait3A_99 = arith.constant 0 : i32
    %dma_wait3A_100 = arith.constant 0 : i32
    %dma_wait3A_101 = tpu.memref_slice %arg8[%dma_wait3A_98, %dma_wait3A_99, %dma_wait3A_100] : memref<3x48x128xi32, #tpu.memory_space<vmem>> -> memref<3x48x128xi32, #tpu.memory_space<vmem>>
    %dma_wait3A_102 = arith.constant 0 : i32
    %dma_wait3A_103 = arith.constant 56 : i32
    %dma_wait3A_104 = tpu.memref_slice %arg2[%dma_wait3A_102, %dma_wait3A_103, %multiple_of3A] : memref<3x200x2048xi32, #tpu.memory_space<hbm>> -> memref<3x48x128xi32, #tpu.memory_space<hbm>>
    %dma_wait3A_105 = arith.constant 0 : i32
    %dma_wait3A_106 = arith.constant 0 : i32
    %dma_wait3A_107 = arith.constant 0 : i32
    %dma_wait3A_108 = tpu.memref_slice %arg8[%dma_wait3A_105, %dma_wait3A_106, %dma_wait3A_107] : memref<3x48x128xi32, #tpu.memory_space<vmem>> -> memref<3x48x128xi32, #tpu.memory_space<vmem>>
    %dma_wait3A_109 = arith.constant 0 : i32
    %dma_wait3A_110 = arith.constant 56 : i32
    %dma_wait3A_111 = tpu.memref_slice %arg2[%dma_wait3A_109, %dma_wait3A_110, %multiple_of3A] : memref<3x200x2048xi32, #tpu.memory_space<hbm>> -> memref<3x48x128xi32, #tpu.memory_space<hbm>>
    tpu.wait_dma2 semaphore(%arg11 : memref<!tpu.dma_semaphore, #tpu.memory_space<semaphore_mem>>) src(%dma_wait3A_111 : memref<3x48x128xi32, #tpu.memory_space<hbm>>) dst(%dma_wait3A_108 : memref<3x48x128xi32, #tpu.memory_space<vmem>>)
    %scan3A_112 = arith.constant 0 : i32
    %scan3A_113 = arith.constant 0 : i32
    %scan3A_114 = arith.constant 48 : i32
    %scan3A_115 = arith.addi %scan3A_113, %scan3A_114 : i32
    %scan3A_116 = arith.constant 1 : i32
    %scan3A_117 = scf.for %scan3A_191 = %scan3A_113 to %scan3A_115 step %scan3A_116 iter_args(%scan3A_192 = %scan3A_112) -> (i32)  : i32 {
      %mul3A_193 = arith.constant 64 : i32
      %mul3A_194 = arith.muli %mul3A_193, %select_n3A_30 : i32
      %add3A_195 = arith.constant 0 : i32
      %add3A_196 = arith.addi %mul3A_194, %add3A_195 : i32
      %get3A = arith.constant 0 : i32
      %get3A_197 = arith.index_cast %get3A : i32 to index
      %get3A_198 = arith.index_cast %scan3A_191 : i32 to index
      %get3A_199 = arith.index_cast %add3A_196 : i32 to index
      %get3A_200 = tpu.vector_load %arg8[%get3A_197, %get3A_198, %get3A_199] {strides = array<i32>} : memref<3x48x128xi32, #tpu.memory_space<vmem>>, vector<16xi32>,
      %get3A_201 = arith.constant 1 : i32
      %get3A_202 = arith.index_cast %get3A_201 : i32 to index
      %get3A_203 = arith.index_cast %scan3A_191 : i32 to index
      %get3A_204 = arith.index_cast %add3A_196 : i32 to index
      %get3A_205 = tpu.vector_load %arg8[%get3A_202, %get3A_203, %get3A_204] {strides = array<i32>} : memref<3x48x128xi32, #tpu.memory_space<vmem>>, vector<16xi32>,
      %get3A_206 = arith.constant 2 : i32
      %get3A_207 = arith.index_cast %get3A_206 : i32 to index
      %get3A_208 = arith.index_cast %scan3A_191 : i32 to index
      %get3A_209 = arith.index_cast %add3A_196 : i32 to index
      %get3A_210 = tpu.vector_load %arg8[%get3A_207, %get3A_208, %get3A_209] {strides = array<i32>} : memref<3x48x128xi32, #tpu.memory_space<vmem>>, vector<16xi32>,
      %and3A_211 = arith.constant 255 : i32
      %and3A_212 = vector.broadcast %and3A_211 : i32 to vector<16xi32>
      %and3A_213 = arith.andi %get3A_200, %and3A_212 : vector<16xi32>
      %ne3A_214 = arith.constant 255 : i32
      %ne3A_215 = vector.broadcast %ne3A_214 : i32 to vector<16xi32>
      %ne3A_216 = arith.cmpi ne, %and3A_213, %ne3A_215 : vector<16xi32>
      %lt3A_217 = arith.constant 64 : i32
      %lt3A_218 = vector.broadcast %lt3A_217 : i32 to vector<16xi32>
      %lt3A_219 = arith.cmpi slt, %get3A_205, %lt3A_218 : vector<16xi32>
      %and3A_220 = arith.andi %ne3A_216, %lt3A_219 : vector<16xi1>
      %mul3A_221 = arith.constant 256 : i32
      %mul3A_222 = vector.broadcast %mul3A_221 : i32 to vector<16xi32>
      %mul3A_223 = arith.muli %get3A_205, %mul3A_222 : vector<16xi32>
      %add3A_224 = arith.addi %mul3A_223, %and3A_213 : vector<16xi32>
      %jit3A_225 = arith.constant 0 : i32
      %broadcast_in_dim3A = vector.broadcast %jit3A_225 : i32 to vector<16xi32>
      %select_n3A_226 = arith.select %and3A_220, %add3A_224, %broadcast_in_dim3A : vector<16xi1>, vector<16xi32>
      %convert_element_type3A = arith.sitofp %get3A_210 : vector<16xi32> to vector<16xf32>
      %jit3A_227 = arith.constant 0.000000e+00 : f32
      %broadcast_in_dim3A_228 = vector.broadcast %jit3A_227 : f32 to vector<16xf32>
      %select_n3A_229 = arith.select %and3A_220, %convert_element_type3A, %broadcast_in_dim3A_228 : vector<16xi1>, vector<16xf32>
      %add3A_230 = arith.constant 0 : i32
      %add3A_231 = vector.broadcast %add3A_230 : i32 to vector<16xi32>
      %add3A_232 = arith.addi %add3A_231, %iota3A : vector<16xi32>
      %add3A_233 = vector.broadcast %add3A_35 : i32 to vector<16xi32>
      %add3A_234 = arith.addi %add3A_233, %add3A_232 : vector<16xi32>
      %mul3A_235 = arith.constant 16384 : i32
      %mul3A_236 = vector.broadcast %mul3A_235 : i32 to vector<16xi32>
      %mul3A_237 = arith.muli %add3A_234, %mul3A_236 : vector<16xi32>
      %add3A_238 = arith.addi %select_n3A_226, %mul3A_237 : vector<16xi32>
      %add3A_239 = arith.constant 0 : i32
      %add3A_240 = vector.broadcast %add3A_239 : i32 to vector<16xi32>
      %add3A_241 = arith.addi %add3A_240, %iota3A : vector<16xi32>
      %mul3A_242 = arith.constant 200 : i32
      %mul3A_243 = vector.broadcast %mul3A_242 : i32 to vector<16xi32>
      %mul3A_244 = arith.muli %add3A_241, %mul3A_243 : vector<16xi32>
      %add3A_245 = arith.constant 56 : i32
      %add3A_246 = arith.addi %add3A_245, %scan3A_191 : i32
      %add3A_247 = vector.broadcast %add3A_246 : i32 to vector<16xi32>
      %add3A_248 = arith.addi %mul3A_244, %add3A_247 : vector<16xi32>
      tpu.vector_store_idx %arg6[%add3A_248], %add3A_238 : memref<12800xi32, #tpu.memory_space<vmem>>[vector<16xi32>], vector<16xi32>,
      tpu.vector_store_idx %arg7[%add3A_248], %select_n3A_229 : memref<12800xf32, #tpu.memory_space<vmem>>[vector<16xi32>], vector<16xf32>,
      %mul3A_249 = arith.constant 64 : i32
      %mul3A_250 = arith.muli %mul3A_249, %select_n3A_30 : i32
      %add3A_251 = arith.constant 16 : i32
      %add3A_252 = arith.addi %mul3A_250, %add3A_251 : i32
      %get3A_253 = arith.constant 0 : i32
      %get3A_254 = arith.index_cast %get3A_253 : i32 to index
      %get3A_255 = arith.index_cast %scan3A_191 : i32 to index
      %get3A_256 = arith.index_cast %add3A_252 : i32 to index
      %get3A_257 = tpu.vector_load %arg8[%get3A_254, %get3A_255, %get3A_256] {strides = array<i32>} : memref<3x48x128xi32, #tpu.memory_space<vmem>>, vector<16xi32>,
      %get3A_258 = arith.constant 1 : i32
      %get3A_259 = arith.index_cast %get3A_258 : i32 to index
      %get3A_260 = arith.index_cast %scan3A_191 : i32 to index
      %get3A_261 = arith.index_cast %add3A_252 : i32 to index
      %get3A_262 = tpu.vector_load %arg8[%get3A_259, %get3A_260, %get3A_261] {strides = array<i32>} : memref<3x48x128xi32, #tpu.memory_space<vmem>>, vector<16xi32>,
      %get3A_263 = arith.constant 2 : i32
      %get3A_264 = arith.index_cast %get3A_263 : i32 to index
      %get3A_265 = arith.index_cast %scan3A_191 : i32 to index
      %get3A_266 = arith.index_cast %add3A_252 : i32 to index
      %get3A_267 = tpu.vector_load %arg8[%get3A_264, %get3A_265, %get3A_266] {strides = array<i32>} : memref<3x48x128xi32, #tpu.memory_space<vmem>>, vector<16xi32>,
      %and3A_268 = arith.constant 255 : i32
      %and3A_269 = vector.broadcast %and3A_268 : i32 to vector<16xi32>
      %and3A_270 = arith.andi %get3A_257, %and3A_269 : vector<16xi32>
      %ne3A_271 = arith.constant 255 : i32
      %ne3A_272 = vector.broadcast %ne3A_271 : i32 to vector<16xi32>
      %ne3A_273 = arith.cmpi ne, %and3A_270, %ne3A_272 : vector<16xi32>
      %lt3A_274 = arith.constant 64 : i32
      %lt3A_275 = vector.broadcast %lt3A_274 : i32 to vector<16xi32>
      %lt3A_276 = arith.cmpi slt, %get3A_262, %lt3A_275 : vector<16xi32>
      %and3A_277 = arith.andi %ne3A_273, %lt3A_276 : vector<16xi1>
      %mul3A_278 = arith.constant 256 : i32
      %mul3A_279 = vector.broadcast %mul3A_278 : i32 to vector<16xi32>
      %mul3A_280 = arith.muli %get3A_262, %mul3A_279 : vector<16xi32>
      %add3A_281 = arith.addi %mul3A_280, %and3A_270 : vector<16xi32>
      %jit3A_282 = arith.constant 0 : i32
      %broadcast_in_dim3A_283 = vector.broadcast %jit3A_282 : i32 to vector<16xi32>
      %select_n3A_284 = arith.select %and3A_277, %add3A_281, %broadcast_in_dim3A_283 : vector<16xi1>, vector<16xi32>
      %convert_element_type3A_285 = arith.sitofp %get3A_267 : vector<16xi32> to vector<16xf32>
      %jit3A_286 = arith.constant 0.000000e+00 : f32
      %broadcast_in_dim3A_287 = vector.broadcast %jit3A_286 : f32 to vector<16xf32>
      %select_n3A_288 = arith.select %and3A_277, %convert_element_type3A_285, %broadcast_in_dim3A_287 : vector<16xi1>, vector<16xf32>
      %add3A_289 = arith.constant 16 : i32
      %add3A_290 = vector.broadcast %add3A_289 : i32 to vector<16xi32>
      %add3A_291 = arith.addi %add3A_290, %iota3A : vector<16xi32>
      %add3A_292 = vector.broadcast %add3A_35 : i32 to vector<16xi32>
      %add3A_293 = arith.addi %add3A_292, %add3A_291 : vector<16xi32>
      %mul3A_294 = arith.constant 16384 : i32
      %mul3A_295 = vector.broadcast %mul3A_294 : i32 to vector<16xi32>
      %mul3A_296 = arith.muli %add3A_293, %mul3A_295 : vector<16xi32>
      %add3A_297 = arith.addi %select_n3A_284, %mul3A_296 : vector<16xi32>
      %add3A_298 = arith.constant 16 : i32
      %add3A_299 = vector.broadcast %add3A_298 : i32 to vector<16xi32>
      %add3A_300 = arith.addi %add3A_299, %iota3A : vector<16xi32>
      %mul3A_301 = arith.constant 200 : i32
      %mul3A_302 = vector.broadcast %mul3A_301 : i32 to vector<16xi32>
      %mul3A_303 = arith.muli %add3A_300, %mul3A_302 : vector<16xi32>
      %add3A_304 = arith.constant 56 : i32
      %add3A_305 = arith.addi %add3A_304, %scan3A_191 : i32
      %add3A_306 = vector.broadcast %add3A_305 : i32 to vector<16xi32>
      %add3A_307 = arith.addi %mul3A_303, %add3A_306 : vector<16xi32>
      tpu.vector_store_idx %arg6[%add3A_307], %add3A_297 : memref<12800xi32, #tpu.memory_space<vmem>>[vector<16xi32>], vector<16xi32>,
      tpu.vector_store_idx %arg7[%add3A_307], %select_n3A_288 : memref<12800xf32, #tpu.memory_space<vmem>>[vector<16xi32>], vector<16xf32>,
      %mul3A_308 = arith.constant 64 : i32
      %mul3A_309 = arith.muli %mul3A_308, %select_n3A_30 : i32
      %add3A_310 = arith.constant 32 : i32
      %add3A_311 = arith.addi %mul3A_309, %add3A_310 : i32
      %get3A_312 = arith.constant 0 : i32
      %get3A_313 = arith.index_cast %get3A_312 : i32 to index
      %get3A_314 = arith.index_cast %scan3A_191 : i32 to index
      %get3A_315 = arith.index_cast %add3A_311 : i32 to index
      %get3A_316 = tpu.vector_load %arg8[%get3A_313, %get3A_314, %get3A_315] {strides = array<i32>} : memref<3x48x128xi32, #tpu.memory_space<vmem>>, vector<16xi32>,
      %get3A_317 = arith.constant 1 : i32
      %get3A_318 = arith.index_cast %get3A_317 : i32 to index
      %get3A_319 = arith.index_cast %scan3A_191 : i32 to index
      %get3A_320 = arith.index_cast %add3A_311 : i32 to index
      %get3A_321 = tpu.vector_load %arg8[%get3A_318, %get3A_319, %get3A_320] {strides = array<i32>} : memref<3x48x128xi32, #tpu.memory_space<vmem>>, vector<16xi32>,
      %get3A_322 = arith.constant 2 : i32
      %get3A_323 = arith.index_cast %get3A_322 : i32 to index
      %get3A_324 = arith.index_cast %scan3A_191 : i32 to index
      %get3A_325 = arith.index_cast %add3A_311 : i32 to index
      %get3A_326 = tpu.vector_load %arg8[%get3A_323, %get3A_324, %get3A_325] {strides = array<i32>} : memref<3x48x128xi32, #tpu.memory_space<vmem>>, vector<16xi32>,
      %and3A_327 = arith.constant 255 : i32
      %and3A_328 = vector.broadcast %and3A_327 : i32 to vector<16xi32>
      %and3A_329 = arith.andi %get3A_316, %and3A_328 : vector<16xi32>
      %ne3A_330 = arith.constant 255 : i32
      %ne3A_331 = vector.broadcast %ne3A_330 : i32 to vector<16xi32>
      %ne3A_332 = arith.cmpi ne, %and3A_329, %ne3A_331 : vector<16xi32>
      %lt3A_333 = arith.constant 64 : i32
      %lt3A_334 = vector.broadcast %lt3A_333 : i32 to vector<16xi32>
      %lt3A_335 = arith.cmpi slt, %get3A_321, %lt3A_334 : vector<16xi32>
      %and3A_336 = arith.andi %ne3A_332, %lt3A_335 : vector<16xi1>
      %mul3A_337 = arith.constant 256 : i32
      %mul3A_338 = vector.broadcast %mul3A_337 : i32 to vector<16xi32>
      %mul3A_339 = arith.muli %get3A_321, %mul3A_338 : vector<16xi32>
      %add3A_340 = arith.addi %mul3A_339, %and3A_329 : vector<16xi32>
      %jit3A_341 = arith.constant 0 : i32
      %broadcast_in_dim3A_342 = vector.broadcast %jit3A_341 : i32 to vector<16xi32>
      %select_n3A_343 = arith.select %and3A_336, %add3A_340, %broadcast_in_dim3A_342 : vector<16xi1>, vector<16xi32>
      %convert_element_type3A_344 = arith.sitofp %get3A_326 : vector<16xi32> to vector<16xf32>
      %jit3A_345 = arith.constant 0.000000e+00 : f32
      %broadcast_in_dim3A_346 = vector.broadcast %jit3A_345 : f32 to vector<16xf32>
      %select_n3A_347 = arith.select %and3A_336, %convert_element_type3A_344, %broadcast_in_dim3A_346 : vector<16xi1>, vector<16xf32>
      %add3A_348 = arith.constant 32 : i32
      %add3A_349 = vector.broadcast %add3A_348 : i32 to vector<16xi32>
      %add3A_350 = arith.addi %add3A_349, %iota3A : vector<16xi32>
      %add3A_351 = vector.broadcast %add3A_35 : i32 to vector<16xi32>
      %add3A_352 = arith.addi %add3A_351, %add3A_350 : vector<16xi32>
      %mul3A_353 = arith.constant 16384 : i32
      %mul3A_354 = vector.broadcast %mul3A_353 : i32 to vector<16xi32>
      %mul3A_355 = arith.muli %add3A_352, %mul3A_354 : vector<16xi32>
      %add3A_356 = arith.addi %select_n3A_343, %mul3A_355 : vector<16xi32>
      %add3A_357 = arith.constant 32 : i32
      %add3A_358 = vector.broadcast %add3A_357 : i32 to vector<16xi32>
      %add3A_359 = arith.addi %add3A_358, %iota3A : vector<16xi32>
      %mul3A_360 = arith.constant 200 : i32
      %mul3A_361 = vector.broadcast %mul3A_360 : i32 to vector<16xi32>
      %mul3A_362 = arith.muli %add3A_359, %mul3A_361 : vector<16xi32>
      %add3A_363 = arith.constant 56 : i32
      %add3A_364 = arith.addi %add3A_363, %scan3A_191 : i32
      %add3A_365 = vector.broadcast %add3A_364 : i32 to vector<16xi32>
      %add3A_366 = arith.addi %mul3A_362, %add3A_365 : vector<16xi32>
      tpu.vector_store_idx %arg6[%add3A_366], %add3A_356 : memref<12800xi32, #tpu.memory_space<vmem>>[vector<16xi32>], vector<16xi32>,
      tpu.vector_store_idx %arg7[%add3A_366], %select_n3A_347 : memref<12800xf32, #tpu.memory_space<vmem>>[vector<16xi32>], vector<16xf32>,
      %mul3A_367 = arith.constant 64 : i32
      %mul3A_368 = arith.muli %mul3A_367, %select_n3A_30 : i32
      %add3A_369 = arith.constant 48 : i32
      %add3A_370 = arith.addi %mul3A_368, %add3A_369 : i32
      %get3A_371 = arith.constant 0 : i32
      %get3A_372 = arith.index_cast %get3A_371 : i32 to index
      %get3A_373 = arith.index_cast %scan3A_191 : i32 to index
      %get3A_374 = arith.index_cast %add3A_370 : i32 to index
      %get3A_375 = tpu.vector_load %arg8[%get3A_372, %get3A_373, %get3A_374] {strides = array<i32>} : memref<3x48x128xi32, #tpu.memory_space<vmem>>, vector<16xi32>,
      %get3A_376 = arith.constant 1 : i32
      %get3A_377 = arith.index_cast %get3A_376 : i32 to index
      %get3A_378 = arith.index_cast %scan3A_191 : i32 to index
      %get3A_379 = arith.index_cast %add3A_370 : i32 to index
      %get3A_380 = tpu.vector_load %arg8[%get3A_377, %get3A_378, %get3A_379] {strides = array<i32>} : memref<3x48x128xi32, #tpu.memory_space<vmem>>, vector<16xi32>,
      %get3A_381 = arith.constant 2 : i32
      %get3A_382 = arith.index_cast %get3A_381 : i32 to index
      %get3A_383 = arith.index_cast %scan3A_191 : i32 to index
      %get3A_384 = arith.index_cast %add3A_370 : i32 to index
      %get3A_385 = tpu.vector_load %arg8[%get3A_382, %get3A_383, %get3A_384] {strides = array<i32>} : memref<3x48x128xi32, #tpu.memory_space<vmem>>, vector<16xi32>,
      %and3A_386 = arith.constant 255 : i32
      %and3A_387 = vector.broadcast %and3A_386 : i32 to vector<16xi32>
      %and3A_388 = arith.andi %get3A_375, %and3A_387 : vector<16xi32>
      %ne3A_389 = arith.constant 255 : i32
      %ne3A_390 = vector.broadcast %ne3A_389 : i32 to vector<16xi32>
      %ne3A_391 = arith.cmpi ne, %and3A_388, %ne3A_390 : vector<16xi32>
      %lt3A_392 = arith.constant 64 : i32
      %lt3A_393 = vector.broadcast %lt3A_392 : i32 to vector<16xi32>
      %lt3A_394 = arith.cmpi slt, %get3A_380, %lt3A_393 : vector<16xi32>
      %and3A_395 = arith.andi %ne3A_391, %lt3A_394 : vector<16xi1>
      %mul3A_396 = arith.constant 256 : i32
      %mul3A_397 = vector.broadcast %mul3A_396 : i32 to vector<16xi32>
      %mul3A_398 = arith.muli %get3A_380, %mul3A_397 : vector<16xi32>
      %add3A_399 = arith.addi %mul3A_398, %and3A_388 : vector<16xi32>
      %jit3A_400 = arith.constant 0 : i32
      %broadcast_in_dim3A_401 = vector.broadcast %jit3A_400 : i32 to vector<16xi32>
      %select_n3A_402 = arith.select %and3A_395, %add3A_399, %broadcast_in_dim3A_401 : vector<16xi1>, vector<16xi32>
      %convert_element_type3A_403 = arith.sitofp %get3A_385 : vector<16xi32> to vector<16xf32>
      %jit3A_404 = arith.constant 0.000000e+00 : f32
      %broadcast_in_dim3A_405 = vector.broadcast %jit3A_404 : f32 to vector<16xf32>
      %select_n3A_406 = arith.select %and3A_395, %convert_element_type3A_403, %broadcast_in_dim3A_405 : vector<16xi1>, vector<16xf32>
      %add3A_407 = arith.constant 48 : i32
      %add3A_408 = vector.broadcast %add3A_407 : i32 to vector<16xi32>
      %add3A_409 = arith.addi %add3A_408, %iota3A : vector<16xi32>
      %add3A_410 = vector.broadcast %add3A_35 : i32 to vector<16xi32>
      %add3A_411 = arith.addi %add3A_410, %add3A_409 : vector<16xi32>
      %mul3A_412 = arith.constant 16384 : i32
      %mul3A_413 = vector.broadcast %mul3A_412 : i32 to vector<16xi32>
      %mul3A_414 = arith.muli %add3A_411, %mul3A_413 : vector<16xi32>
      %add3A_415 = arith.addi %select_n3A_402, %mul3A_414 : vector<16xi32>
      %add3A_416 = arith.constant 48 : i32
      %add3A_417 = vector.broadcast %add3A_416 : i32 to vector<16xi32>
      %add3A_418 = arith.addi %add3A_417, %iota3A : vector<16xi32>
      %mul3A_419 = arith.constant 200 : i32
      %mul3A_420 = vector.broadcast %mul3A_419 : i32 to vector<16xi32>
      %mul3A_421 = arith.muli %add3A_418, %mul3A_420 : vector<16xi32>
      %add3A_422 = arith.constant 56 : i32
      %add3A_423 = arith.addi %add3A_422, %scan3A_191 : i32
      %add3A_424 = vector.broadcast %add3A_423 : i32 to vector<16xi32>
      %add3A_425 = arith.addi %mul3A_421, %add3A_424 : vector<16xi32>
      tpu.vector_store_idx %arg6[%add3A_425], %add3A_415 : memref<12800xi32, #tpu.memory_space<vmem>>[vector<16xi32>], vector<16xi32>,
      tpu.vector_store_idx %arg7[%add3A_425], %select_n3A_406 : memref<12800xf32, #tpu.memory_space<vmem>>[vector<16xi32>], vector<16xf32>,
      %scan3A_426 = arith.constant 0 : i32
      scf.yield %scan3A_426 : i32
    }
    %scan3A_118 = arith.constant 48 : i32
    %dma_start3A_119 = arith.constant 0 : i32
    %dma_start3A_120 = arith.constant 0 : i32
    %dma_start3A_121 = arith.constant 0 : i32
    %dma_start3A_122 = tpu.memref_slice %arg8[%dma_start3A_119, %dma_start3A_120, %dma_start3A_121] : memref<3x48x128xi32, #tpu.memory_space<vmem>> -> memref<3x48x128xi32, #tpu.memory_space<vmem>>
    %dma_start3A_123 = arith.constant 0 : i32
    %dma_start3A_124 = arith.constant 152 : i32
    %dma_start3A_125 = tpu.memref_slice %arg2[%dma_start3A_123, %dma_start3A_124, %multiple_of3A] : memref<3x200x2048xi32, #tpu.memory_space<hbm>> -> memref<3x48x128xi32, #tpu.memory_space<hbm>>
    %dma_start3A_126 = arith.constant 0 : i32
    %dma_start3A_127 = arith.constant 0 : i32
    %dma_start3A_128 = arith.constant 0 : i32
    %dma_start3A_129 = tpu.memref_slice %arg8[%dma_start3A_126, %dma_start3A_127, %dma_start3A_128] : memref<3x48x128xi32, #tpu.memory_space<vmem>> -> memref<3x48x128xi32, #tpu.memory_space<vmem>>
    %dma_start3A_130 = arith.constant 0 : i32
    %dma_start3A_131 = arith.constant 152 : i32
    %dma_start3A_132 = tpu.memref_slice %arg2[%dma_start3A_130, %dma_start3A_131, %multiple_of3A] : memref<3x200x2048xi32, #tpu.memory_space<hbm>> -> memref<3x48x128xi32, #tpu.memory_space<hbm>>
    tpu.enqueue_dma source(%dma_start3A_132 : memref<3x48x128xi32, #tpu.memory_space<hbm>>) target(%dma_start3A_129 : memref<3x48x128xi32, #tpu.memory_space<vmem>>) target_semaphore(%arg11 : memref<!tpu.dma_semaphore, #tpu.memory_space<semaphore_mem>>)
    %dma_wait3A_133 = arith.constant 0 : i32
    %dma_wait3A_134 = arith.constant 0 : i32
    %dma_wait3A_135 = arith.constant 0 : i32
    %dma_wait3A_136 = tpu.memref_slice %arg5[%dma_wait3A_133, %dma_wait3A_134, %dma_wait3A_135] : memref<3x56x128xi32, #tpu.memory_space<vmem>> -> memref<3x48x128xi32, #tpu.memory_space<vmem>>
    %dma_wait3A_137 = arith.constant 0 : i32
    %dma_wait3A_138 = arith.constant 104 : i32
    %dma_wait3A_139 = tpu.memref_slice %arg2[%dma_wait3A_137, %dma_wait3A_138, %multiple_of3A] : memref<3x200x2048xi32, #tpu.memory_space<hbm>> -> memref<3x48x128xi32, #tpu.memory_space<hbm>>
    %dma_wait3A_140 = arith.constant 0 : i32
    %dma_wait3A_141 = arith.constant 0 : i32
    %dma_wait3A_142 = arith.constant 0 : i32
    %dma_wait3A_143 = tpu.memref_slice %arg5[%dma_wait3A_140, %dma_wait3A_141, %dma_wait3A_142] : memref<3x56x128xi32, #tpu.memory_space<vmem>> -> memref<3x48x128xi32, #tpu.memory_space<vmem>>
    %dma_wait3A_144 = arith.constant 0 : i32
    %dma_wait3A_145 = arith.constant 104 : i32
    %dma_wait3A_146 = tpu.memref_slice %arg2[%dma_wait3A_144, %dma_wait3A_145, %multiple_of3A] : memref<3x200x2048xi32, #tpu.memory_space<hbm>> -> memref<3x48x128xi32, #tpu.memory_space<hbm>>
    tpu.wait_dma2 semaphore(%arg9 : memref<!tpu.dma_semaphore, #tpu.memory_space<semaphore_mem>>) src(%dma_wait3A_146 : memref<3x48x128xi32, #tpu.memory_space<hbm>>) dst(%dma_wait3A_143 : memref<3x48x128xi32, #tpu.memory_space<vmem>>)
    %scan3A_147 = arith.constant 0 : i32
    %scan3A_148 = arith.constant 0 : i32
    %scan3A_149 = arith.constant 48 : i32
    %scan3A_150 = arith.addi %scan3A_148, %scan3A_149 : i32
    %scan3A_151 = arith.constant 1 : i32
    %scan3A_152 = scf.for %scan3A_191 = %scan3A_148 to %scan3A_150 step %scan3A_151 iter_args(%scan3A_192 = %scan3A_147) -> (i32)  : i32 {
      %mul3A_193 = arith.constant 64 : i32
      %mul3A_194 = arith.muli %mul3A_193, %select_n3A_30 : i32
      %add3A_195 = arith.constant 0 : i32
      %add3A_196 = arith.addi %mul3A_194, %add3A_195 : i32
      %get3A = arith.constant 0 : i32
      %get3A_197 = arith.index_cast %get3A : i32 to index
      %get3A_198 = arith.index_cast %scan3A_191 : i32 to index
      %get3A_199 = arith.index_cast %add3A_196 : i32 to index
      %get3A_200 = tpu.vector_load %arg5[%get3A_197, %get3A_198, %get3A_199] {strides = array<i32>} : memref<3x56x128xi32, #tpu.memory_space<vmem>>, vector<16xi32>,
      %get3A_201 = arith.constant 1 : i32
      %get3A_202 = arith.index_cast %get3A_201 : i32 to index
      %get3A_203 = arith.index_cast %scan3A_191 : i32 to index
      %get3A_204 = arith.index_cast %add3A_196 : i32 to index
      %get3A_205 = tpu.vector_load %arg5[%get3A_202, %get3A_203, %get3A_204] {strides = array<i32>} : memref<3x56x128xi32, #tpu.memory_space<vmem>>, vector<16xi32>,
      %get3A_206 = arith.constant 2 : i32
      %get3A_207 = arith.index_cast %get3A_206 : i32 to index
      %get3A_208 = arith.index_cast %scan3A_191 : i32 to index
      %get3A_209 = arith.index_cast %add3A_196 : i32 to index
      %get3A_210 = tpu.vector_load %arg5[%get3A_207, %get3A_208, %get3A_209] {strides = array<i32>} : memref<3x56x128xi32, #tpu.memory_space<vmem>>, vector<16xi32>,
      %and3A_211 = arith.constant 255 : i32
      %and3A_212 = vector.broadcast %and3A_211 : i32 to vector<16xi32>
      %and3A_213 = arith.andi %get3A_200, %and3A_212 : vector<16xi32>
      %ne3A_214 = arith.constant 255 : i32
      %ne3A_215 = vector.broadcast %ne3A_214 : i32 to vector<16xi32>
      %ne3A_216 = arith.cmpi ne, %and3A_213, %ne3A_215 : vector<16xi32>
      %lt3A_217 = arith.constant 64 : i32
      %lt3A_218 = vector.broadcast %lt3A_217 : i32 to vector<16xi32>
      %lt3A_219 = arith.cmpi slt, %get3A_205, %lt3A_218 : vector<16xi32>
      %and3A_220 = arith.andi %ne3A_216, %lt3A_219 : vector<16xi1>
      %mul3A_221 = arith.constant 256 : i32
      %mul3A_222 = vector.broadcast %mul3A_221 : i32 to vector<16xi32>
      %mul3A_223 = arith.muli %get3A_205, %mul3A_222 : vector<16xi32>
      %add3A_224 = arith.addi %mul3A_223, %and3A_213 : vector<16xi32>
      %jit3A_225 = arith.constant 0 : i32
      %broadcast_in_dim3A = vector.broadcast %jit3A_225 : i32 to vector<16xi32>
      %select_n3A_226 = arith.select %and3A_220, %add3A_224, %broadcast_in_dim3A : vector<16xi1>, vector<16xi32>
      %convert_element_type3A = arith.sitofp %get3A_210 : vector<16xi32> to vector<16xf32>
      %jit3A_227 = arith.constant 0.000000e+00 : f32
      %broadcast_in_dim3A_228 = vector.broadcast %jit3A_227 : f32 to vector<16xf32>
      %select_n3A_229 = arith.select %and3A_220, %convert_element_type3A, %broadcast_in_dim3A_228 : vector<16xi1>, vector<16xf32>
      %add3A_230 = arith.constant 0 : i32
      %add3A_231 = vector.broadcast %add3A_230 : i32 to vector<16xi32>
      %add3A_232 = arith.addi %add3A_231, %iota3A : vector<16xi32>
      %add3A_233 = vector.broadcast %add3A_35 : i32 to vector<16xi32>
      %add3A_234 = arith.addi %add3A_233, %add3A_232 : vector<16xi32>
      %mul3A_235 = arith.constant 16384 : i32
      %mul3A_236 = vector.broadcast %mul3A_235 : i32 to vector<16xi32>
      %mul3A_237 = arith.muli %add3A_234, %mul3A_236 : vector<16xi32>
      %add3A_238 = arith.addi %select_n3A_226, %mul3A_237 : vector<16xi32>
      %add3A_239 = arith.constant 0 : i32
      %add3A_240 = vector.broadcast %add3A_239 : i32 to vector<16xi32>
      %add3A_241 = arith.addi %add3A_240, %iota3A : vector<16xi32>
      %mul3A_242 = arith.constant 200 : i32
      %mul3A_243 = vector.broadcast %mul3A_242 : i32 to vector<16xi32>
      %mul3A_244 = arith.muli %add3A_241, %mul3A_243 : vector<16xi32>
      %add3A_245 = arith.constant 104 : i32
      %add3A_246 = arith.addi %add3A_245, %scan3A_191 : i32
      %add3A_247 = vector.broadcast %add3A_246 : i32 to vector<16xi32>
      %add3A_248 = arith.addi %mul3A_244, %add3A_247 : vector<16xi32>
      tpu.vector_store_idx %arg6[%add3A_248], %add3A_238 : memref<12800xi32, #tpu.memory_space<vmem>>[vector<16xi32>], vector<16xi32>,
      tpu.vector_store_idx %arg7[%add3A_248], %select_n3A_229 : memref<12800xf32, #tpu.memory_space<vmem>>[vector<16xi32>], vector<16xf32>,
      %mul3A_249 = arith.constant 64 : i32
      %mul3A_250 = arith.muli %mul3A_249, %select_n3A_30 : i32
      %add3A_251 = arith.constant 16 : i32
      %add3A_252 = arith.addi %mul3A_250, %add3A_251 : i32
      %get3A_253 = arith.constant 0 : i32
      %get3A_254 = arith.index_cast %get3A_253 : i32 to index
      %get3A_255 = arith.index_cast %scan3A_191 : i32 to index
      %get3A_256 = arith.index_cast %add3A_252 : i32 to index
      %get3A_257 = tpu.vector_load %arg5[%get3A_254, %get3A_255, %get3A_256] {strides = array<i32>} : memref<3x56x128xi32, #tpu.memory_space<vmem>>, vector<16xi32>,
      %get3A_258 = arith.constant 1 : i32
      %get3A_259 = arith.index_cast %get3A_258 : i32 to index
      %get3A_260 = arith.index_cast %scan3A_191 : i32 to index
      %get3A_261 = arith.index_cast %add3A_252 : i32 to index
      %get3A_262 = tpu.vector_load %arg5[%get3A_259, %get3A_260, %get3A_261] {strides = array<i32>} : memref<3x56x128xi32, #tpu.memory_space<vmem>>, vector<16xi32>,
      %get3A_263 = arith.constant 2 : i32
      %get3A_264 = arith.index_cast %get3A_263 : i32 to index
      %get3A_265 = arith.index_cast %scan3A_191 : i32 to index
      %get3A_266 = arith.index_cast %add3A_252 : i32 to index
      %get3A_267 = tpu.vector_load %arg5[%get3A_264, %get3A_265, %get3A_266] {strides = array<i32>} : memref<3x56x128xi32, #tpu.memory_space<vmem>>, vector<16xi32>,
      %and3A_268 = arith.constant 255 : i32
      %and3A_269 = vector.broadcast %and3A_268 : i32 to vector<16xi32>
      %and3A_270 = arith.andi %get3A_257, %and3A_269 : vector<16xi32>
      %ne3A_271 = arith.constant 255 : i32
      %ne3A_272 = vector.broadcast %ne3A_271 : i32 to vector<16xi32>
      %ne3A_273 = arith.cmpi ne, %and3A_270, %ne3A_272 : vector<16xi32>
      %lt3A_274 = arith.constant 64 : i32
      %lt3A_275 = vector.broadcast %lt3A_274 : i32 to vector<16xi32>
      %lt3A_276 = arith.cmpi slt, %get3A_262, %lt3A_275 : vector<16xi32>
      %and3A_277 = arith.andi %ne3A_273, %lt3A_276 : vector<16xi1>
      %mul3A_278 = arith.constant 256 : i32
      %mul3A_279 = vector.broadcast %mul3A_278 : i32 to vector<16xi32>
      %mul3A_280 = arith.muli %get3A_262, %mul3A_279 : vector<16xi32>
      %add3A_281 = arith.addi %mul3A_280, %and3A_270 : vector<16xi32>
      %jit3A_282 = arith.constant 0 : i32
      %broadcast_in_dim3A_283 = vector.broadcast %jit3A_282 : i32 to vector<16xi32>
      %select_n3A_284 = arith.select %and3A_277, %add3A_281, %broadcast_in_dim3A_283 : vector<16xi1>, vector<16xi32>
      %convert_element_type3A_285 = arith.sitofp %get3A_267 : vector<16xi32> to vector<16xf32>
      %jit3A_286 = arith.constant 0.000000e+00 : f32
      %broadcast_in_dim3A_287 = vector.broadcast %jit3A_286 : f32 to vector<16xf32>
      %select_n3A_288 = arith.select %and3A_277, %convert_element_type3A_285, %broadcast_in_dim3A_287 : vector<16xi1>, vector<16xf32>
      %add3A_289 = arith.constant 16 : i32
      %add3A_290 = vector.broadcast %add3A_289 : i32 to vector<16xi32>
      %add3A_291 = arith.addi %add3A_290, %iota3A : vector<16xi32>
      %add3A_292 = vector.broadcast %add3A_35 : i32 to vector<16xi32>
      %add3A_293 = arith.addi %add3A_292, %add3A_291 : vector<16xi32>
      %mul3A_294 = arith.constant 16384 : i32
      %mul3A_295 = vector.broadcast %mul3A_294 : i32 to vector<16xi32>
      %mul3A_296 = arith.muli %add3A_293, %mul3A_295 : vector<16xi32>
      %add3A_297 = arith.addi %select_n3A_284, %mul3A_296 : vector<16xi32>
      %add3A_298 = arith.constant 16 : i32
      %add3A_299 = vector.broadcast %add3A_298 : i32 to vector<16xi32>
      %add3A_300 = arith.addi %add3A_299, %iota3A : vector<16xi32>
      %mul3A_301 = arith.constant 200 : i32
      %mul3A_302 = vector.broadcast %mul3A_301 : i32 to vector<16xi32>
      %mul3A_303 = arith.muli %add3A_300, %mul3A_302 : vector<16xi32>
      %add3A_304 = arith.constant 104 : i32
      %add3A_305 = arith.addi %add3A_304, %scan3A_191 : i32
      %add3A_306 = vector.broadcast %add3A_305 : i32 to vector<16xi32>
      %add3A_307 = arith.addi %mul3A_303, %add3A_306 : vector<16xi32>
      tpu.vector_store_idx %arg6[%add3A_307], %add3A_297 : memref<12800xi32, #tpu.memory_space<vmem>>[vector<16xi32>], vector<16xi32>,
      tpu.vector_store_idx %arg7[%add3A_307], %select_n3A_288 : memref<12800xf32, #tpu.memory_space<vmem>>[vector<16xi32>], vector<16xf32>,
      %mul3A_308 = arith.constant 64 : i32
      %mul3A_309 = arith.muli %mul3A_308, %select_n3A_30 : i32
      %add3A_310 = arith.constant 32 : i32
      %add3A_311 = arith.addi %mul3A_309, %add3A_310 : i32
      %get3A_312 = arith.constant 0 : i32
      %get3A_313 = arith.index_cast %get3A_312 : i32 to index
      %get3A_314 = arith.index_cast %scan3A_191 : i32 to index
      %get3A_315 = arith.index_cast %add3A_311 : i32 to index
      %get3A_316 = tpu.vector_load %arg5[%get3A_313, %get3A_314, %get3A_315] {strides = array<i32>} : memref<3x56x128xi32, #tpu.memory_space<vmem>>, vector<16xi32>,
      %get3A_317 = arith.constant 1 : i32
      %get3A_318 = arith.index_cast %get3A_317 : i32 to index
      %get3A_319 = arith.index_cast %scan3A_191 : i32 to index
      %get3A_320 = arith.index_cast %add3A_311 : i32 to index
      %get3A_321 = tpu.vector_load %arg5[%get3A_318, %get3A_319, %get3A_320] {strides = array<i32>} : memref<3x56x128xi32, #tpu.memory_space<vmem>>, vector<16xi32>,
      %get3A_322 = arith.constant 2 : i32
      %get3A_323 = arith.index_cast %get3A_322 : i32 to index
      %get3A_324 = arith.index_cast %scan3A_191 : i32 to index
      %get3A_325 = arith.index_cast %add3A_311 : i32 to index
      %get3A_326 = tpu.vector_load %arg5[%get3A_323, %get3A_324, %get3A_325] {strides = array<i32>} : memref<3x56x128xi32, #tpu.memory_space<vmem>>, vector<16xi32>,
      %and3A_327 = arith.constant 255 : i32
      %and3A_328 = vector.broadcast %and3A_327 : i32 to vector<16xi32>
      %and3A_329 = arith.andi %get3A_316, %and3A_328 : vector<16xi32>
      %ne3A_330 = arith.constant 255 : i32
      %ne3A_331 = vector.broadcast %ne3A_330 : i32 to vector<16xi32>
      %ne3A_332 = arith.cmpi ne, %and3A_329, %ne3A_331 : vector<16xi32>
      %lt3A_333 = arith.constant 64 : i32
      %lt3A_334 = vector.broadcast %lt3A_333 : i32 to vector<16xi32>
      %lt3A_335 = arith.cmpi slt, %get3A_321, %lt3A_334 : vector<16xi32>
      %and3A_336 = arith.andi %ne3A_332, %lt3A_335 : vector<16xi1>
      %mul3A_337 = arith.constant 256 : i32
      %mul3A_338 = vector.broadcast %mul3A_337 : i32 to vector<16xi32>
      %mul3A_339 = arith.muli %get3A_321, %mul3A_338 : vector<16xi32>
      %add3A_340 = arith.addi %mul3A_339, %and3A_329 : vector<16xi32>
      %jit3A_341 = arith.constant 0 : i32
      %broadcast_in_dim3A_342 = vector.broadcast %jit3A_341 : i32 to vector<16xi32>
      %select_n3A_343 = arith.select %and3A_336, %add3A_340, %broadcast_in_dim3A_342 : vector<16xi1>, vector<16xi32>
      %convert_element_type3A_344 = arith.sitofp %get3A_326 : vector<16xi32> to vector<16xf32>
      %jit3A_345 = arith.constant 0.000000e+00 : f32
      %broadcast_in_dim3A_346 = vector.broadcast %jit3A_345 : f32 to vector<16xf32>
      %select_n3A_347 = arith.select %and3A_336, %convert_element_type3A_344, %broadcast_in_dim3A_346 : vector<16xi1>, vector<16xf32>
      %add3A_348 = arith.constant 32 : i32
      %add3A_349 = vector.broadcast %add3A_348 : i32 to vector<16xi32>
      %add3A_350 = arith.addi %add3A_349, %iota3A : vector<16xi32>
      %add3A_351 = vector.broadcast %add3A_35 : i32 to vector<16xi32>
      %add3A_352 = arith.addi %add3A_351, %add3A_350 : vector<16xi32>
      %mul3A_353 = arith.constant 16384 : i32
      %mul3A_354 = vector.broadcast %mul3A_353 : i32 to vector<16xi32>
      %mul3A_355 = arith.muli %add3A_352, %mul3A_354 : vector<16xi32>
      %add3A_356 = arith.addi %select_n3A_343, %mul3A_355 : vector<16xi32>
      %add3A_357 = arith.constant 32 : i32
      %add3A_358 = vector.broadcast %add3A_357 : i32 to vector<16xi32>
      %add3A_359 = arith.addi %add3A_358, %iota3A : vector<16xi32>
      %mul3A_360 = arith.constant 200 : i32
      %mul3A_361 = vector.broadcast %mul3A_360 : i32 to vector<16xi32>
      %mul3A_362 = arith.muli %add3A_359, %mul3A_361 : vector<16xi32>
      %add3A_363 = arith.constant 104 : i32
      %add3A_364 = arith.addi %add3A_363, %scan3A_191 : i32
      %add3A_365 = vector.broadcast %add3A_364 : i32 to vector<16xi32>
      %add3A_366 = arith.addi %mul3A_362, %add3A_365 : vector<16xi32>
      tpu.vector_store_idx %arg6[%add3A_366], %add3A_356 : memref<12800xi32, #tpu.memory_space<vmem>>[vector<16xi32>], vector<16xi32>,
      tpu.vector_store_idx %arg7[%add3A_366], %select_n3A_347 : memref<12800xf32, #tpu.memory_space<vmem>>[vector<16xi32>], vector<16xf32>,
      %mul3A_367 = arith.constant 64 : i32
      %mul3A_368 = arith.muli %mul3A_367, %select_n3A_30 : i32
      %add3A_369 = arith.constant 48 : i32
      %add3A_370 = arith.addi %mul3A_368, %add3A_369 : i32
      %get3A_371 = arith.constant 0 : i32
      %get3A_372 = arith.index_cast %get3A_371 : i32 to index
      %get3A_373 = arith.index_cast %scan3A_191 : i32 to index
      %get3A_374 = arith.index_cast %add3A_370 : i32 to index
      %get3A_375 = tpu.vector_load %arg5[%get3A_372, %get3A_373, %get3A_374] {strides = array<i32>} : memref<3x56x128xi32, #tpu.memory_space<vmem>>, vector<16xi32>,
      %get3A_376 = arith.constant 1 : i32
      %get3A_377 = arith.index_cast %get3A_376 : i32 to index
      %get3A_378 = arith.index_cast %scan3A_191 : i32 to index
      %get3A_379 = arith.index_cast %add3A_370 : i32 to index
      %get3A_380 = tpu.vector_load %arg5[%get3A_377, %get3A_378, %get3A_379] {strides = array<i32>} : memref<3x56x128xi32, #tpu.memory_space<vmem>>, vector<16xi32>,
      %get3A_381 = arith.constant 2 : i32
      %get3A_382 = arith.index_cast %get3A_381 : i32 to index
      %get3A_383 = arith.index_cast %scan3A_191 : i32 to index
      %get3A_384 = arith.index_cast %add3A_370 : i32 to index
      %get3A_385 = tpu.vector_load %arg5[%get3A_382, %get3A_383, %get3A_384] {strides = array<i32>} : memref<3x56x128xi32, #tpu.memory_space<vmem>>, vector<16xi32>,
      %and3A_386 = arith.constant 255 : i32
      %and3A_387 = vector.broadcast %and3A_386 : i32 to vector<16xi32>
      %and3A_388 = arith.andi %get3A_375, %and3A_387 : vector<16xi32>
      %ne3A_389 = arith.constant 255 : i32
      %ne3A_390 = vector.broadcast %ne3A_389 : i32 to vector<16xi32>
      %ne3A_391 = arith.cmpi ne, %and3A_388, %ne3A_390 : vector<16xi32>
      %lt3A_392 = arith.constant 64 : i32
      %lt3A_393 = vector.broadcast %lt3A_392 : i32 to vector<16xi32>
      %lt3A_394 = arith.cmpi slt, %get3A_380, %lt3A_393 : vector<16xi32>
      %and3A_395 = arith.andi %ne3A_391, %lt3A_394 : vector<16xi1>
      %mul3A_396 = arith.constant 256 : i32
      %mul3A_397 = vector.broadcast %mul3A_396 : i32 to vector<16xi32>
      %mul3A_398 = arith.muli %get3A_380, %mul3A_397 : vector<16xi32>
      %add3A_399 = arith.addi %mul3A_398, %and3A_388 : vector<16xi32>
      %jit3A_400 = arith.constant 0 : i32
      %broadcast_in_dim3A_401 = vector.broadcast %jit3A_400 : i32 to vector<16xi32>
      %select_n3A_402 = arith.select %and3A_395, %add3A_399, %broadcast_in_dim3A_401 : vector<16xi1>, vector<16xi32>
      %convert_element_type3A_403 = arith.sitofp %get3A_385 : vector<16xi32> to vector<16xf32>
      %jit3A_404 = arith.constant 0.000000e+00 : f32
      %broadcast_in_dim3A_405 = vector.broadcast %jit3A_404 : f32 to vector<16xf32>
      %select_n3A_406 = arith.select %and3A_395, %convert_element_type3A_403, %broadcast_in_dim3A_405 : vector<16xi1>, vector<16xf32>
      %add3A_407 = arith.constant 48 : i32
      %add3A_408 = vector.broadcast %add3A_407 : i32 to vector<16xi32>
      %add3A_409 = arith.addi %add3A_408, %iota3A : vector<16xi32>
      %add3A_410 = vector.broadcast %add3A_35 : i32 to vector<16xi32>
      %add3A_411 = arith.addi %add3A_410, %add3A_409 : vector<16xi32>
      %mul3A_412 = arith.constant 16384 : i32
      %mul3A_413 = vector.broadcast %mul3A_412 : i32 to vector<16xi32>
      %mul3A_414 = arith.muli %add3A_411, %mul3A_413 : vector<16xi32>
      %add3A_415 = arith.addi %select_n3A_402, %mul3A_414 : vector<16xi32>
      %add3A_416 = arith.constant 48 : i32
      %add3A_417 = vector.broadcast %add3A_416 : i32 to vector<16xi32>
      %add3A_418 = arith.addi %add3A_417, %iota3A : vector<16xi32>
      %mul3A_419 = arith.constant 200 : i32
      %mul3A_420 = vector.broadcast %mul3A_419 : i32 to vector<16xi32>
      %mul3A_421 = arith.muli %add3A_418, %mul3A_420 : vector<16xi32>
      %add3A_422 = arith.constant 104 : i32
      %add3A_423 = arith.addi %add3A_422, %scan3A_191 : i32
      %add3A_424 = vector.broadcast %add3A_423 : i32 to vector<16xi32>
      %add3A_425 = arith.addi %mul3A_421, %add3A_424 : vector<16xi32>
      tpu.vector_store_idx %arg6[%add3A_425], %add3A_415 : memref<12800xi32, #tpu.memory_space<vmem>>[vector<16xi32>], vector<16xi32>,
      tpu.vector_store_idx %arg7[%add3A_425], %select_n3A_406 : memref<12800xf32, #tpu.memory_space<vmem>>[vector<16xi32>], vector<16xf32>,
      %scan3A_426 = arith.constant 0 : i32
      scf.yield %scan3A_426 : i32
    }
    %scan3A_153 = arith.constant 48 : i32
    %dma_wait3A_154 = arith.constant 0 : i32
    %dma_wait3A_155 = arith.constant 0 : i32
    %dma_wait3A_156 = arith.constant 0 : i32
    %dma_wait3A_157 = tpu.memref_slice %arg8[%dma_wait3A_154, %dma_wait3A_155, %dma_wait3A_156] : memref<3x48x128xi32, #tpu.memory_space<vmem>> -> memref<3x48x128xi32, #tpu.memory_space<vmem>>
    %dma_wait3A_158 = arith.constant 0 : i32
    %dma_wait3A_159 = arith.constant 152 : i32
    %dma_wait3A_160 = tpu.memref_slice %arg2[%dma_wait3A_158, %dma_wait3A_159, %multiple_of3A] : memref<3x200x2048xi32, #tpu.memory_space<hbm>> -> memref<3x48x128xi32, #tpu.memory_space<hbm>>
    %dma_wait3A_161 = arith.constant 0 : i32
    %dma_wait3A_162 = arith.constant 0 : i32
    %dma_wait3A_163 = arith.constant 0 : i32
    %dma_wait3A_164 = tpu.memref_slice %arg8[%dma_wait3A_161, %dma_wait3A_162, %dma_wait3A_163] : memref<3x48x128xi32, #tpu.memory_space<vmem>> -> memref<3x48x128xi32, #tpu.memory_space<vmem>>
    %dma_wait3A_165 = arith.constant 0 : i32
    %dma_wait3A_166 = arith.constant 152 : i32
    %dma_wait3A_167 = tpu.memref_slice %arg2[%dma_wait3A_165, %dma_wait3A_166, %multiple_of3A] : memref<3x200x2048xi32, #tpu.memory_space<hbm>> -> memref<3x48x128xi32, #tpu.memory_space<hbm>>
    tpu.wait_dma2 semaphore(%arg11 : memref<!tpu.dma_semaphore, #tpu.memory_space<semaphore_mem>>) src(%dma_wait3A_167 : memref<3x48x128xi32, #tpu.memory_space<hbm>>) dst(%dma_wait3A_164 : memref<3x48x128xi32, #tpu.memory_space<vmem>>)
    %scan3A_168 = arith.constant 0 : i32
    %scan3A_169 = arith.constant 0 : i32
    %scan3A_170 = arith.constant 48 : i32
    %scan3A_171 = arith.addi %scan3A_169, %scan3A_170 : i32
    %scan3A_172 = arith.constant 1 : i32
    %scan3A_173 = scf.for %scan3A_191 = %scan3A_169 to %scan3A_171 step %scan3A_172 iter_args(%scan3A_192 = %scan3A_168) -> (i32)  : i32 {
      %mul3A_193 = arith.constant 64 : i32
      %mul3A_194 = arith.muli %mul3A_193, %select_n3A_30 : i32
      %add3A_195 = arith.constant 0 : i32
      %add3A_196 = arith.addi %mul3A_194, %add3A_195 : i32
      %get3A = arith.constant 0 : i32
      %get3A_197 = arith.index_cast %get3A : i32 to index
      %get3A_198 = arith.index_cast %scan3A_191 : i32 to index
      %get3A_199 = arith.index_cast %add3A_196 : i32 to index
      %get3A_200 = tpu.vector_load %arg8[%get3A_197, %get3A_198, %get3A_199] {strides = array<i32>} : memref<3x48x128xi32, #tpu.memory_space<vmem>>, vector<16xi32>,
      %get3A_201 = arith.constant 1 : i32
      %get3A_202 = arith.index_cast %get3A_201 : i32 to index
      %get3A_203 = arith.index_cast %scan3A_191 : i32 to index
      %get3A_204 = arith.index_cast %add3A_196 : i32 to index
      %get3A_205 = tpu.vector_load %arg8[%get3A_202, %get3A_203, %get3A_204] {strides = array<i32>} : memref<3x48x128xi32, #tpu.memory_space<vmem>>, vector<16xi32>,
      %get3A_206 = arith.constant 2 : i32
      %get3A_207 = arith.index_cast %get3A_206 : i32 to index
      %get3A_208 = arith.index_cast %scan3A_191 : i32 to index
      %get3A_209 = arith.index_cast %add3A_196 : i32 to index
      %get3A_210 = tpu.vector_load %arg8[%get3A_207, %get3A_208, %get3A_209] {strides = array<i32>} : memref<3x48x128xi32, #tpu.memory_space<vmem>>, vector<16xi32>,
      %and3A_211 = arith.constant 255 : i32
      %and3A_212 = vector.broadcast %and3A_211 : i32 to vector<16xi32>
      %and3A_213 = arith.andi %get3A_200, %and3A_212 : vector<16xi32>
      %ne3A_214 = arith.constant 255 : i32
      %ne3A_215 = vector.broadcast %ne3A_214 : i32 to vector<16xi32>
      %ne3A_216 = arith.cmpi ne, %and3A_213, %ne3A_215 : vector<16xi32>
      %lt3A_217 = arith.constant 64 : i32
      %lt3A_218 = vector.broadcast %lt3A_217 : i32 to vector<16xi32>
      %lt3A_219 = arith.cmpi slt, %get3A_205, %lt3A_218 : vector<16xi32>
      %and3A_220 = arith.andi %ne3A_216, %lt3A_219 : vector<16xi1>
      %mul3A_221 = arith.constant 256 : i32
      %mul3A_222 = vector.broadcast %mul3A_221 : i32 to vector<16xi32>
      %mul3A_223 = arith.muli %get3A_205, %mul3A_222 : vector<16xi32>
      %add3A_224 = arith.addi %mul3A_223, %and3A_213 : vector<16xi32>
      %jit3A_225 = arith.constant 0 : i32
      %broadcast_in_dim3A = vector.broadcast %jit3A_225 : i32 to vector<16xi32>
      %select_n3A_226 = arith.select %and3A_220, %add3A_224, %broadcast_in_dim3A : vector<16xi1>, vector<16xi32>
      %convert_element_type3A = arith.sitofp %get3A_210 : vector<16xi32> to vector<16xf32>
      %jit3A_227 = arith.constant 0.000000e+00 : f32
      %broadcast_in_dim3A_228 = vector.broadcast %jit3A_227 : f32 to vector<16xf32>
      %select_n3A_229 = arith.select %and3A_220, %convert_element_type3A, %broadcast_in_dim3A_228 : vector<16xi1>, vector<16xf32>
      %add3A_230 = arith.constant 0 : i32
      %add3A_231 = vector.broadcast %add3A_230 : i32 to vector<16xi32>
      %add3A_232 = arith.addi %add3A_231, %iota3A : vector<16xi32>
      %add3A_233 = vector.broadcast %add3A_35 : i32 to vector<16xi32>
      %add3A_234 = arith.addi %add3A_233, %add3A_232 : vector<16xi32>
      %mul3A_235 = arith.constant 16384 : i32
      %mul3A_236 = vector.broadcast %mul3A_235 : i32 to vector<16xi32>
      %mul3A_237 = arith.muli %add3A_234, %mul3A_236 : vector<16xi32>
      %add3A_238 = arith.addi %select_n3A_226, %mul3A_237 : vector<16xi32>
      %add3A_239 = arith.constant 0 : i32
      %add3A_240 = vector.broadcast %add3A_239 : i32 to vector<16xi32>
      %add3A_241 = arith.addi %add3A_240, %iota3A : vector<16xi32>
      %mul3A_242 = arith.constant 200 : i32
      %mul3A_243 = vector.broadcast %mul3A_242 : i32 to vector<16xi32>
      %mul3A_244 = arith.muli %add3A_241, %mul3A_243 : vector<16xi32>
      %add3A_245 = arith.constant 152 : i32
      %add3A_246 = arith.addi %add3A_245, %scan3A_191 : i32
      %add3A_247 = vector.broadcast %add3A_246 : i32 to vector<16xi32>
      %add3A_248 = arith.addi %mul3A_244, %add3A_247 : vector<16xi32>
      tpu.vector_store_idx %arg6[%add3A_248], %add3A_238 : memref<12800xi32, #tpu.memory_space<vmem>>[vector<16xi32>], vector<16xi32>,
      tpu.vector_store_idx %arg7[%add3A_248], %select_n3A_229 : memref<12800xf32, #tpu.memory_space<vmem>>[vector<16xi32>], vector<16xf32>,
      %mul3A_249 = arith.constant 64 : i32
      %mul3A_250 = arith.muli %mul3A_249, %select_n3A_30 : i32
      %add3A_251 = arith.constant 16 : i32
      %add3A_252 = arith.addi %mul3A_250, %add3A_251 : i32
      %get3A_253 = arith.constant 0 : i32
      %get3A_254 = arith.index_cast %get3A_253 : i32 to index
      %get3A_255 = arith.index_cast %scan3A_191 : i32 to index
      %get3A_256 = arith.index_cast %add3A_252 : i32 to index
      %get3A_257 = tpu.vector_load %arg8[%get3A_254, %get3A_255, %get3A_256] {strides = array<i32>} : memref<3x48x128xi32, #tpu.memory_space<vmem>>, vector<16xi32>,
      %get3A_258 = arith.constant 1 : i32
      %get3A_259 = arith.index_cast %get3A_258 : i32 to index
      %get3A_260 = arith.index_cast %scan3A_191 : i32 to index
      %get3A_261 = arith.index_cast %add3A_252 : i32 to index
      %get3A_262 = tpu.vector_load %arg8[%get3A_259, %get3A_260, %get3A_261] {strides = array<i32>} : memref<3x48x128xi32, #tpu.memory_space<vmem>>, vector<16xi32>,
      %get3A_263 = arith.constant 2 : i32
      %get3A_264 = arith.index_cast %get3A_263 : i32 to index
      %get3A_265 = arith.index_cast %scan3A_191 : i32 to index
      %get3A_266 = arith.index_cast %add3A_252 : i32 to index
      %get3A_267 = tpu.vector_load %arg8[%get3A_264, %get3A_265, %get3A_266] {strides = array<i32>} : memref<3x48x128xi32, #tpu.memory_space<vmem>>, vector<16xi32>,
      %and3A_268 = arith.constant 255 : i32
      %and3A_269 = vector.broadcast %and3A_268 : i32 to vector<16xi32>
      %and3A_270 = arith.andi %get3A_257, %and3A_269 : vector<16xi32>
      %ne3A_271 = arith.constant 255 : i32
      %ne3A_272 = vector.broadcast %ne3A_271 : i32 to vector<16xi32>
      %ne3A_273 = arith.cmpi ne, %and3A_270, %ne3A_272 : vector<16xi32>
      %lt3A_274 = arith.constant 64 : i32
      %lt3A_275 = vector.broadcast %lt3A_274 : i32 to vector<16xi32>
      %lt3A_276 = arith.cmpi slt, %get3A_262, %lt3A_275 : vector<16xi32>
      %and3A_277 = arith.andi %ne3A_273, %lt3A_276 : vector<16xi1>
      %mul3A_278 = arith.constant 256 : i32
      %mul3A_279 = vector.broadcast %mul3A_278 : i32 to vector<16xi32>
      %mul3A_280 = arith.muli %get3A_262, %mul3A_279 : vector<16xi32>
      %add3A_281 = arith.addi %mul3A_280, %and3A_270 : vector<16xi32>
      %jit3A_282 = arith.constant 0 : i32
      %broadcast_in_dim3A_283 = vector.broadcast %jit3A_282 : i32 to vector<16xi32>
      %select_n3A_284 = arith.select %and3A_277, %add3A_281, %broadcast_in_dim3A_283 : vector<16xi1>, vector<16xi32>
      %convert_element_type3A_285 = arith.sitofp %get3A_267 : vector<16xi32> to vector<16xf32>
      %jit3A_286 = arith.constant 0.000000e+00 : f32
      %broadcast_in_dim3A_287 = vector.broadcast %jit3A_286 : f32 to vector<16xf32>
      %select_n3A_288 = arith.select %and3A_277, %convert_element_type3A_285, %broadcast_in_dim3A_287 : vector<16xi1>, vector<16xf32>
      %add3A_289 = arith.constant 16 : i32
      %add3A_290 = vector.broadcast %add3A_289 : i32 to vector<16xi32>
      %add3A_291 = arith.addi %add3A_290, %iota3A : vector<16xi32>
      %add3A_292 = vector.broadcast %add3A_35 : i32 to vector<16xi32>
      %add3A_293 = arith.addi %add3A_292, %add3A_291 : vector<16xi32>
      %mul3A_294 = arith.constant 16384 : i32
      %mul3A_295 = vector.broadcast %mul3A_294 : i32 to vector<16xi32>
      %mul3A_296 = arith.muli %add3A_293, %mul3A_295 : vector<16xi32>
      %add3A_297 = arith.addi %select_n3A_284, %mul3A_296 : vector<16xi32>
      %add3A_298 = arith.constant 16 : i32
      %add3A_299 = vector.broadcast %add3A_298 : i32 to vector<16xi32>
      %add3A_300 = arith.addi %add3A_299, %iota3A : vector<16xi32>
      %mul3A_301 = arith.constant 200 : i32
      %mul3A_302 = vector.broadcast %mul3A_301 : i32 to vector<16xi32>
      %mul3A_303 = arith.muli %add3A_300, %mul3A_302 : vector<16xi32>
      %add3A_304 = arith.constant 152 : i32
      %add3A_305 = arith.addi %add3A_304, %scan3A_191 : i32
      %add3A_306 = vector.broadcast %add3A_305 : i32 to vector<16xi32>
      %add3A_307 = arith.addi %mul3A_303, %add3A_306 : vector<16xi32>
      tpu.vector_store_idx %arg6[%add3A_307], %add3A_297 : memref<12800xi32, #tpu.memory_space<vmem>>[vector<16xi32>], vector<16xi32>,
      tpu.vector_store_idx %arg7[%add3A_307], %select_n3A_288 : memref<12800xf32, #tpu.memory_space<vmem>>[vector<16xi32>], vector<16xf32>,
      %mul3A_308 = arith.constant 64 : i32
      %mul3A_309 = arith.muli %mul3A_308, %select_n3A_30 : i32
      %add3A_310 = arith.constant 32 : i32
      %add3A_311 = arith.addi %mul3A_309, %add3A_310 : i32
      %get3A_312 = arith.constant 0 : i32
      %get3A_313 = arith.index_cast %get3A_312 : i32 to index
      %get3A_314 = arith.index_cast %scan3A_191 : i32 to index
      %get3A_315 = arith.index_cast %add3A_311 : i32 to index
      %get3A_316 = tpu.vector_load %arg8[%get3A_313, %get3A_314, %get3A_315] {strides = array<i32>} : memref<3x48x128xi32, #tpu.memory_space<vmem>>, vector<16xi32>,
      %get3A_317 = arith.constant 1 : i32
      %get3A_318 = arith.index_cast %get3A_317 : i32 to index
      %get3A_319 = arith.index_cast %scan3A_191 : i32 to index
      %get3A_320 = arith.index_cast %add3A_311 : i32 to index
      %get3A_321 = tpu.vector_load %arg8[%get3A_318, %get3A_319, %get3A_320] {strides = array<i32>} : memref<3x48x128xi32, #tpu.memory_space<vmem>>, vector<16xi32>,
      %get3A_322 = arith.constant 2 : i32
      %get3A_323 = arith.index_cast %get3A_322 : i32 to index
      %get3A_324 = arith.index_cast %scan3A_191 : i32 to index
      %get3A_325 = arith.index_cast %add3A_311 : i32 to index
      %get3A_326 = tpu.vector_load %arg8[%get3A_323, %get3A_324, %get3A_325] {strides = array<i32>} : memref<3x48x128xi32, #tpu.memory_space<vmem>>, vector<16xi32>,
      %and3A_327 = arith.constant 255 : i32
      %and3A_328 = vector.broadcast %and3A_327 : i32 to vector<16xi32>
      %and3A_329 = arith.andi %get3A_316, %and3A_328 : vector<16xi32>
      %ne3A_330 = arith.constant 255 : i32
      %ne3A_331 = vector.broadcast %ne3A_330 : i32 to vector<16xi32>
      %ne3A_332 = arith.cmpi ne, %and3A_329, %ne3A_331 : vector<16xi32>
      %lt3A_333 = arith.constant 64 : i32
      %lt3A_334 = vector.broadcast %lt3A_333 : i32 to vector<16xi32>
      %lt3A_335 = arith.cmpi slt, %get3A_321, %lt3A_334 : vector<16xi32>
      %and3A_336 = arith.andi %ne3A_332, %lt3A_335 : vector<16xi1>
      %mul3A_337 = arith.constant 256 : i32
      %mul3A_338 = vector.broadcast %mul3A_337 : i32 to vector<16xi32>
      %mul3A_339 = arith.muli %get3A_321, %mul3A_338 : vector<16xi32>
      %add3A_340 = arith.addi %mul3A_339, %and3A_329 : vector<16xi32>
      %jit3A_341 = arith.constant 0 : i32
      %broadcast_in_dim3A_342 = vector.broadcast %jit3A_341 : i32 to vector<16xi32>
      %select_n3A_343 = arith.select %and3A_336, %add3A_340, %broadcast_in_dim3A_342 : vector<16xi1>, vector<16xi32>
      %convert_element_type3A_344 = arith.sitofp %get3A_326 : vector<16xi32> to vector<16xf32>
      %jit3A_345 = arith.constant 0.000000e+00 : f32
      %broadcast_in_dim3A_346 = vector.broadcast %jit3A_345 : f32 to vector<16xf32>
      %select_n3A_347 = arith.select %and3A_336, %convert_element_type3A_344, %broadcast_in_dim3A_346 : vector<16xi1>, vector<16xf32>
      %add3A_348 = arith.constant 32 : i32
      %add3A_349 = vector.broadcast %add3A_348 : i32 to vector<16xi32>
      %add3A_350 = arith.addi %add3A_349, %iota3A : vector<16xi32>
      %add3A_351 = vector.broadcast %add3A_35 : i32 to vector<16xi32>
      %add3A_352 = arith.addi %add3A_351, %add3A_350 : vector<16xi32>
      %mul3A_353 = arith.constant 16384 : i32
      %mul3A_354 = vector.broadcast %mul3A_353 : i32 to vector<16xi32>
      %mul3A_355 = arith.muli %add3A_352, %mul3A_354 : vector<16xi32>
      %add3A_356 = arith.addi %select_n3A_343, %mul3A_355 : vector<16xi32>
      %add3A_357 = arith.constant 32 : i32
      %add3A_358 = vector.broadcast %add3A_357 : i32 to vector<16xi32>
      %add3A_359 = arith.addi %add3A_358, %iota3A : vector<16xi32>
      %mul3A_360 = arith.constant 200 : i32
      %mul3A_361 = vector.broadcast %mul3A_360 : i32 to vector<16xi32>
      %mul3A_362 = arith.muli %add3A_359, %mul3A_361 : vector<16xi32>
      %add3A_363 = arith.constant 152 : i32
      %add3A_364 = arith.addi %add3A_363, %scan3A_191 : i32
      %add3A_365 = vector.broadcast %add3A_364 : i32 to vector<16xi32>
      %add3A_366 = arith.addi %mul3A_362, %add3A_365 : vector<16xi32>
      tpu.vector_store_idx %arg6[%add3A_366], %add3A_356 : memref<12800xi32, #tpu.memory_space<vmem>>[vector<16xi32>], vector<16xi32>,
      tpu.vector_store_idx %arg7[%add3A_366], %select_n3A_347 : memref<12800xf32, #tpu.memory_space<vmem>>[vector<16xi32>], vector<16xf32>,
      %mul3A_367 = arith.constant 64 : i32
      %mul3A_368 = arith.muli %mul3A_367, %select_n3A_30 : i32
      %add3A_369 = arith.constant 48 : i32
      %add3A_370 = arith.addi %mul3A_368, %add3A_369 : i32
      %get3A_371 = arith.constant 0 : i32
      %get3A_372 = arith.index_cast %get3A_371 : i32 to index
      %get3A_373 = arith.index_cast %scan3A_191 : i32 to index
      %get3A_374 = arith.index_cast %add3A_370 : i32 to index
      %get3A_375 = tpu.vector_load %arg8[%get3A_372, %get3A_373, %get3A_374] {strides = array<i32>} : memref<3x48x128xi32, #tpu.memory_space<vmem>>, vector<16xi32>,
      %get3A_376 = arith.constant 1 : i32
      %get3A_377 = arith.index_cast %get3A_376 : i32 to index
      %get3A_378 = arith.index_cast %scan3A_191 : i32 to index
      %get3A_379 = arith.index_cast %add3A_370 : i32 to index
      %get3A_380 = tpu.vector_load %arg8[%get3A_377, %get3A_378, %get3A_379] {strides = array<i32>} : memref<3x48x128xi32, #tpu.memory_space<vmem>>, vector<16xi32>,
      %get3A_381 = arith.constant 2 : i32
      %get3A_382 = arith.index_cast %get3A_381 : i32 to index
      %get3A_383 = arith.index_cast %scan3A_191 : i32 to index
      %get3A_384 = arith.index_cast %add3A_370 : i32 to index
      %get3A_385 = tpu.vector_load %arg8[%get3A_382, %get3A_383, %get3A_384] {strides = array<i32>} : memref<3x48x128xi32, #tpu.memory_space<vmem>>, vector<16xi32>,
      %and3A_386 = arith.constant 255 : i32
      %and3A_387 = vector.broadcast %and3A_386 : i32 to vector<16xi32>
      %and3A_388 = arith.andi %get3A_375, %and3A_387 : vector<16xi32>
      %ne3A_389 = arith.constant 255 : i32
      %ne3A_390 = vector.broadcast %ne3A_389 : i32 to vector<16xi32>
      %ne3A_391 = arith.cmpi ne, %and3A_388, %ne3A_390 : vector<16xi32>
      %lt3A_392 = arith.constant 64 : i32
      %lt3A_393 = vector.broadcast %lt3A_392 : i32 to vector<16xi32>
      %lt3A_394 = arith.cmpi slt, %get3A_380, %lt3A_393 : vector<16xi32>
      %and3A_395 = arith.andi %ne3A_391, %lt3A_394 : vector<16xi1>
      %mul3A_396 = arith.constant 256 : i32
      %mul3A_397 = vector.broadcast %mul3A_396 : i32 to vector<16xi32>
      %mul3A_398 = arith.muli %get3A_380, %mul3A_397 : vector<16xi32>
      %add3A_399 = arith.addi %mul3A_398, %and3A_388 : vector<16xi32>
      %jit3A_400 = arith.constant 0 : i32
      %broadcast_in_dim3A_401 = vector.broadcast %jit3A_400 : i32 to vector<16xi32>
      %select_n3A_402 = arith.select %and3A_395, %add3A_399, %broadcast_in_dim3A_401 : vector<16xi1>, vector<16xi32>
      %convert_element_type3A_403 = arith.sitofp %get3A_385 : vector<16xi32> to vector<16xf32>
      %jit3A_404 = arith.constant 0.000000e+00 : f32
      %broadcast_in_dim3A_405 = vector.broadcast %jit3A_404 : f32 to vector<16xf32>
      %select_n3A_406 = arith.select %and3A_395, %convert_element_type3A_403, %broadcast_in_dim3A_405 : vector<16xi1>, vector<16xf32>
      %add3A_407 = arith.constant 48 : i32
      %add3A_408 = vector.broadcast %add3A_407 : i32 to vector<16xi32>
      %add3A_409 = arith.addi %add3A_408, %iota3A : vector<16xi32>
      %add3A_410 = vector.broadcast %add3A_35 : i32 to vector<16xi32>
      %add3A_411 = arith.addi %add3A_410, %add3A_409 : vector<16xi32>
      %mul3A_412 = arith.constant 16384 : i32
      %mul3A_413 = vector.broadcast %mul3A_412 : i32 to vector<16xi32>
      %mul3A_414 = arith.muli %add3A_411, %mul3A_413 : vector<16xi32>
      %add3A_415 = arith.addi %select_n3A_402, %mul3A_414 : vector<16xi32>
      %add3A_416 = arith.constant 48 : i32
      %add3A_417 = vector.broadcast %add3A_416 : i32 to vector<16xi32>
      %add3A_418 = arith.addi %add3A_417, %iota3A : vector<16xi32>
      %mul3A_419 = arith.constant 200 : i32
      %mul3A_420 = vector.broadcast %mul3A_419 : i32 to vector<16xi32>
      %mul3A_421 = arith.muli %add3A_418, %mul3A_420 : vector<16xi32>
      %add3A_422 = arith.constant 152 : i32
      %add3A_423 = arith.addi %add3A_422, %scan3A_191 : i32
      %add3A_424 = vector.broadcast %add3A_423 : i32 to vector<16xi32>
      %add3A_425 = arith.addi %mul3A_421, %add3A_424 : vector<16xi32>
      tpu.vector_store_idx %arg6[%add3A_425], %add3A_415 : memref<12800xi32, #tpu.memory_space<vmem>>[vector<16xi32>], vector<16xi32>,
      tpu.vector_store_idx %arg7[%add3A_425], %select_n3A_406 : memref<12800xf32, #tpu.memory_space<vmem>>[vector<16xi32>], vector<16xf32>,
      %scan3A_426 = arith.constant 0 : i32
      scf.yield %scan3A_426 : i32
    }
    %scan3A_174 = arith.constant 48 : i32
    %mul3A_175 = arith.constant 200 : i32
    %mul3A_176 = arith.muli %add3A_35, %mul3A_175 : i32
    %dma_start3A_177 = tpu.memref_slice %arg3[%mul3A_176] : memref<409600xi32, #tpu.memory_space<hbm>> -> memref<12800xi32, #tpu.memory_space<hbm>>
    %dma_start3A_178 = tpu.memref_slice %arg3[%mul3A_176] : memref<409600xi32, #tpu.memory_space<hbm>> -> memref<12800xi32, #tpu.memory_space<hbm>>
    tpu.enqueue_dma source(%arg6 : memref<12800xi32, #tpu.memory_space<vmem>>) target(%dma_start3A_178 : memref<12800xi32, #tpu.memory_space<hbm>>) target_semaphore(%arg10 : memref<!tpu.dma_semaphore, #tpu.memory_space<semaphore_mem>>)
    %mul3A_179 = arith.constant 200 : i32
    %mul3A_180 = arith.muli %add3A_35, %mul3A_179 : i32
    %dma_start3A_181 = tpu.memref_slice %arg4[%mul3A_180] : memref<409600xf32, #tpu.memory_space<hbm>> -> memref<12800xf32, #tpu.memory_space<hbm>>
    %dma_start3A_182 = tpu.memref_slice %arg4[%mul3A_180] : memref<409600xf32, #tpu.memory_space<hbm>> -> memref<12800xf32, #tpu.memory_space<hbm>>
    tpu.enqueue_dma source(%arg7 : memref<12800xf32, #tpu.memory_space<vmem>>) target(%dma_start3A_182 : memref<12800xf32, #tpu.memory_space<hbm>>) target_semaphore(%arg12 : memref<!tpu.dma_semaphore, #tpu.memory_space<semaphore_mem>>)
    %mul3A_183 = arith.constant 200 : i32
    %mul3A_184 = arith.muli %add3A_35, %mul3A_183 : i32
    %dma_wait3A_185 = tpu.memref_slice %arg3[%mul3A_184] : memref<409600xi32, #tpu.memory_space<hbm>> -> memref<12800xi32, #tpu.memory_space<hbm>>
    %dma_wait3A_186 = tpu.memref_slice %arg3[%mul3A_184] : memref<409600xi32, #tpu.memory_space<hbm>> -> memref<12800xi32, #tpu.memory_space<hbm>>
    tpu.wait_dma2 semaphore(%arg10 : memref<!tpu.dma_semaphore, #tpu.memory_space<semaphore_mem>>) src(%arg6 : memref<12800xi32, #tpu.memory_space<vmem>>) dst(%dma_wait3A_186 : memref<12800xi32, #tpu.memory_space<hbm>>)
    %mul3A_187 = arith.constant 200 : i32
    %mul3A_188 = arith.muli %add3A_35, %mul3A_187 : i32
    %dma_wait3A_189 = tpu.memref_slice %arg4[%mul3A_188] : memref<409600xf32, #tpu.memory_space<hbm>> -> memref<12800xf32, #tpu.memory_space<hbm>>
    %dma_wait3A_190 = tpu.memref_slice %arg4[%mul3A_188] : memref<409600xf32, #tpu.memory_space<hbm>> -> memref<12800xf32, #tpu.memory_space<hbm>>
    tpu.wait_dma2 semaphore(%arg12 : memref<!tpu.dma_semaphore, #tpu.memory_space<semaphore_mem>>) src(%arg7 : memref<12800xf32, #tpu.memory_space<vmem>>) dst(%dma_wait3A_190 : memref<12800xf32, #tpu.memory_space<hbm>>)
    return
  }
}

#map = affine_map<(d0, d1) -> (0)>
#map1 = affine_map<(d0, d1) -> (0, 0)>
module attributes {stable_mosaic.version = 14 : i64} {
  func.func @_scatter_body(%arg0: i32, %arg1: i32, %arg2: memref<409600xi32, #tpu.memory_space<hbm>>, %arg3: memref<409600xf32, #tpu.memory_space<hbm>>, %arg4: memref<2048x16384xf32, #tpu.memory_space<hbm>>, %arg5: memref<216xi32, #tpu.memory_space<vmem>>, %arg6: memref<208xf32, #tpu.memory_space<vmem>>, %arg7: memref<208xi32, #tpu.memory_space<vmem>>, %arg8: memref<16384xf32, #tpu.memory_space<vmem>>, %arg9: memref<216xi32, #tpu.memory_space<vmem>>, %arg10: memref<208xf32, #tpu.memory_space<vmem>>, %arg11: memref<208xi32, #tpu.memory_space<vmem>>, %arg12: memref<16384xf32, #tpu.memory_space<vmem>>, %arg13: memref<!tpu.dma_semaphore, #tpu.memory_space<semaphore_mem>>, %arg14: memref<!tpu.dma_semaphore, #tpu.memory_space<semaphore_mem>>, %arg15: memref<!tpu.dma_semaphore, #tpu.memory_space<semaphore_mem>>, %arg16: memref<!tpu.dma_semaphore, #tpu.memory_space<semaphore_mem>>) attributes {dimension_semantics = [#tpu.dimension_semantics<core_parallel>, #tpu.dimension_semantics<subcore_parallel>], iteration_bounds = array<i64: 2, 16>, scalar_prefetch = 0 : i64, scratch_operands = 12 : i64, tpu.core_type = #tpu.core_type<sc_vector_subcore>, window_params = [{transform_indices = #map}, {transform_indices = #map}, {transform_indices = #map1}]} {
    %mul3A = arith.constant 2 : i32
    %mul3A_0 = arith.muli %arg1, %mul3A : i32
    %add3A = arith.addi %mul3A_0, %arg0 : i32
    %mul3A_1 = arith.constant 64 : i32
    %mul3A_2 = arith.muli %add3A, %mul3A_1 : i32
    %broadcast_in_dim3A = arith.constant 0.000000e+00 : f32
    %broadcast_in_dim3A_3 = vector.broadcast %broadcast_in_dim3A : f32 to vector<16xf32>
    %broadcast_in_dim3A_4 = arith.constant 0 : i32
    %broadcast_in_dim3A_5 = vector.broadcast %broadcast_in_dim3A_4 : i32 to vector<16xi32>
    %broadcast_in_dim3A_6 = arith.constant -1 : i32
    %broadcast_in_dim3A_7 = vector.broadcast %broadcast_in_dim3A_6 : i32 to vector<16xi32>
    %scan3A = arith.constant 0 : i32
    %scan3A_8 = arith.constant 0 : i32
    %scan3A_9 = arith.constant 1024 : i32
    %scan3A_10 = arith.addi %scan3A_8, %scan3A_9 : i32
    %scan3A_11 = arith.constant 1 : i32
    %scan3A_12 = scf.for %scan3A_120 = %scan3A_8 to %scan3A_10 step %scan3A_11 iter_args(%scan3A_121 = %scan3A) -> (i32)  : i32 {
      %mul3A_122 = arith.constant 16 : i32
      %mul3A_123 = arith.muli %scan3A_120, %mul3A_122 : i32
      %swap3A_124 = arith.index_cast %mul3A_123 : i32 to index
      %swap3A_125 = tpu.vector_load %arg8[%swap3A_124] {strides = array<i32>} : memref<16384xf32, #tpu.memory_space<vmem>>, vector<16xf32>,
      tpu.vector_store %arg8[%swap3A_124], %broadcast_in_dim3A_3 {strides = array<i32>} : memref<16384xf32, #tpu.memory_space<vmem>>, vector<16xf32>,
      %mul3A_126 = arith.constant 16 : i32
      %mul3A_127 = arith.muli %scan3A_120, %mul3A_126 : i32
      %swap3A_128 = arith.index_cast %mul3A_127 : i32 to index
      %swap3A_129 = tpu.vector_load %arg12[%swap3A_128] {strides = array<i32>} : memref<16384xf32, #tpu.memory_space<vmem>>, vector<16xf32>,
      tpu.vector_store %arg12[%swap3A_128], %broadcast_in_dim3A_3 {strides = array<i32>} : memref<16384xf32, #tpu.memory_space<vmem>>, vector<16xf32>,
      %scan3A_130 = arith.constant 0 : i32
      scf.yield %scan3A_130 : i32
    }
    %scan3A_13 = arith.constant 1024 : i32
    %swap3A = arith.constant 0 : index
    %swap3A_14 = tpu.vector_load %arg7[%swap3A] {strides = array<i32>} : memref<208xi32, #tpu.memory_space<vmem>>, vector<16xi32>,
    tpu.vector_store %arg7[%swap3A], %broadcast_in_dim3A_5 {strides = array<i32>} : memref<208xi32, #tpu.memory_space<vmem>>, vector<16xi32>,
    %swap3A_15 = arith.constant 0 : index
    %swap3A_16 = tpu.vector_load %arg11[%swap3A_15] {strides = array<i32>} : memref<208xi32, #tpu.memory_space<vmem>>, vector<16xi32>,
    tpu.vector_store %arg11[%swap3A_15], %broadcast_in_dim3A_5 {strides = array<i32>} : memref<208xi32, #tpu.memory_space<vmem>>, vector<16xi32>,
    %swap3A_17 = arith.constant 16 : index
    %swap3A_18 = tpu.vector_load %arg7[%swap3A_17] {strides = array<i32>} : memref<208xi32, #tpu.memory_space<vmem>>, vector<16xi32>,
    tpu.vector_store %arg7[%swap3A_17], %broadcast_in_dim3A_5 {strides = array<i32>} : memref<208xi32, #tpu.memory_space<vmem>>, vector<16xi32>,
    %swap3A_19 = arith.constant 16 : index
    %swap3A_20 = tpu.vector_load %arg11[%swap3A_19] {strides = array<i32>} : memref<208xi32, #tpu.memory_space<vmem>>, vector<16xi32>,
    tpu.vector_store %arg11[%swap3A_19], %broadcast_in_dim3A_5 {strides = array<i32>} : memref<208xi32, #tpu.memory_space<vmem>>, vector<16xi32>,
    %swap3A_21 = arith.constant 32 : index
    %swap3A_22 = tpu.vector_load %arg7[%swap3A_21] {strides = array<i32>} : memref<208xi32, #tpu.memory_space<vmem>>, vector<16xi32>,
    tpu.vector_store %arg7[%swap3A_21], %broadcast_in_dim3A_5 {strides = array<i32>} : memref<208xi32, #tpu.memory_space<vmem>>, vector<16xi32>,
    %swap3A_23 = arith.constant 32 : index
    %swap3A_24 = tpu.vector_load %arg11[%swap3A_23] {strides = array<i32>} : memref<208xi32, #tpu.memory_space<vmem>>, vector<16xi32>,
    tpu.vector_store %arg11[%swap3A_23], %broadcast_in_dim3A_5 {strides = array<i32>} : memref<208xi32, #tpu.memory_space<vmem>>, vector<16xi32>,
    %swap3A_25 = arith.constant 48 : index
    %swap3A_26 = tpu.vector_load %arg7[%swap3A_25] {strides = array<i32>} : memref<208xi32, #tpu.memory_space<vmem>>, vector<16xi32>,
    tpu.vector_store %arg7[%swap3A_25], %broadcast_in_dim3A_5 {strides = array<i32>} : memref<208xi32, #tpu.memory_space<vmem>>, vector<16xi32>,
    %swap3A_27 = arith.constant 48 : index
    %swap3A_28 = tpu.vector_load %arg11[%swap3A_27] {strides = array<i32>} : memref<208xi32, #tpu.memory_space<vmem>>, vector<16xi32>,
    tpu.vector_store %arg11[%swap3A_27], %broadcast_in_dim3A_5 {strides = array<i32>} : memref<208xi32, #tpu.memory_space<vmem>>, vector<16xi32>,
    %swap3A_29 = arith.constant 64 : index
    %swap3A_30 = tpu.vector_load %arg7[%swap3A_29] {strides = array<i32>} : memref<208xi32, #tpu.memory_space<vmem>>, vector<16xi32>,
    tpu.vector_store %arg7[%swap3A_29], %broadcast_in_dim3A_5 {strides = array<i32>} : memref<208xi32, #tpu.memory_space<vmem>>, vector<16xi32>,
    %swap3A_31 = arith.constant 64 : index
    %swap3A_32 = tpu.vector_load %arg11[%swap3A_31] {strides = array<i32>} : memref<208xi32, #tpu.memory_space<vmem>>, vector<16xi32>,
    tpu.vector_store %arg11[%swap3A_31], %broadcast_in_dim3A_5 {strides = array<i32>} : memref<208xi32, #tpu.memory_space<vmem>>, vector<16xi32>,
    %swap3A_33 = arith.constant 80 : index
    %swap3A_34 = tpu.vector_load %arg7[%swap3A_33] {strides = array<i32>} : memref<208xi32, #tpu.memory_space<vmem>>, vector<16xi32>,
    tpu.vector_store %arg7[%swap3A_33], %broadcast_in_dim3A_5 {strides = array<i32>} : memref<208xi32, #tpu.memory_space<vmem>>, vector<16xi32>,
    %swap3A_35 = arith.constant 80 : index
    %swap3A_36 = tpu.vector_load %arg11[%swap3A_35] {strides = array<i32>} : memref<208xi32, #tpu.memory_space<vmem>>, vector<16xi32>,
    tpu.vector_store %arg11[%swap3A_35], %broadcast_in_dim3A_5 {strides = array<i32>} : memref<208xi32, #tpu.memory_space<vmem>>, vector<16xi32>,
    %swap3A_37 = arith.constant 96 : index
    %swap3A_38 = tpu.vector_load %arg7[%swap3A_37] {strides = array<i32>} : memref<208xi32, #tpu.memory_space<vmem>>, vector<16xi32>,
    tpu.vector_store %arg7[%swap3A_37], %broadcast_in_dim3A_5 {strides = array<i32>} : memref<208xi32, #tpu.memory_space<vmem>>, vector<16xi32>,
    %swap3A_39 = arith.constant 96 : index
    %swap3A_40 = tpu.vector_load %arg11[%swap3A_39] {strides = array<i32>} : memref<208xi32, #tpu.memory_space<vmem>>, vector<16xi32>,
    tpu.vector_store %arg11[%swap3A_39], %broadcast_in_dim3A_5 {strides = array<i32>} : memref<208xi32, #tpu.memory_space<vmem>>, vector<16xi32>,
    %swap3A_41 = arith.constant 112 : index
    %swap3A_42 = tpu.vector_load %arg7[%swap3A_41] {strides = array<i32>} : memref<208xi32, #tpu.memory_space<vmem>>, vector<16xi32>,
    tpu.vector_store %arg7[%swap3A_41], %broadcast_in_dim3A_5 {strides = array<i32>} : memref<208xi32, #tpu.memory_space<vmem>>, vector<16xi32>,
    %swap3A_43 = arith.constant 112 : index
    %swap3A_44 = tpu.vector_load %arg11[%swap3A_43] {strides = array<i32>} : memref<208xi32, #tpu.memory_space<vmem>>, vector<16xi32>,
    tpu.vector_store %arg11[%swap3A_43], %broadcast_in_dim3A_5 {strides = array<i32>} : memref<208xi32, #tpu.memory_space<vmem>>, vector<16xi32>,
    %swap3A_45 = arith.constant 128 : index
    %swap3A_46 = tpu.vector_load %arg7[%swap3A_45] {strides = array<i32>} : memref<208xi32, #tpu.memory_space<vmem>>, vector<16xi32>,
    tpu.vector_store %arg7[%swap3A_45], %broadcast_in_dim3A_5 {strides = array<i32>} : memref<208xi32, #tpu.memory_space<vmem>>, vector<16xi32>,
    %swap3A_47 = arith.constant 128 : index
    %swap3A_48 = tpu.vector_load %arg11[%swap3A_47] {strides = array<i32>} : memref<208xi32, #tpu.memory_space<vmem>>, vector<16xi32>,
    tpu.vector_store %arg11[%swap3A_47], %broadcast_in_dim3A_5 {strides = array<i32>} : memref<208xi32, #tpu.memory_space<vmem>>, vector<16xi32>,
    %swap3A_49 = arith.constant 144 : index
    %swap3A_50 = tpu.vector_load %arg7[%swap3A_49] {strides = array<i32>} : memref<208xi32, #tpu.memory_space<vmem>>, vector<16xi32>,
    tpu.vector_store %arg7[%swap3A_49], %broadcast_in_dim3A_5 {strides = array<i32>} : memref<208xi32, #tpu.memory_space<vmem>>, vector<16xi32>,
    %swap3A_51 = arith.constant 144 : index
    %swap3A_52 = tpu.vector_load %arg11[%swap3A_51] {strides = array<i32>} : memref<208xi32, #tpu.memory_space<vmem>>, vector<16xi32>,
    tpu.vector_store %arg11[%swap3A_51], %broadcast_in_dim3A_5 {strides = array<i32>} : memref<208xi32, #tpu.memory_space<vmem>>, vector<16xi32>,
    %swap3A_53 = arith.constant 160 : index
    %swap3A_54 = tpu.vector_load %arg7[%swap3A_53] {strides = array<i32>} : memref<208xi32, #tpu.memory_space<vmem>>, vector<16xi32>,
    tpu.vector_store %arg7[%swap3A_53], %broadcast_in_dim3A_5 {strides = array<i32>} : memref<208xi32, #tpu.memory_space<vmem>>, vector<16xi32>,
    %swap3A_55 = arith.constant 160 : index
    %swap3A_56 = tpu.vector_load %arg11[%swap3A_55] {strides = array<i32>} : memref<208xi32, #tpu.memory_space<vmem>>, vector<16xi32>,
    tpu.vector_store %arg11[%swap3A_55], %broadcast_in_dim3A_5 {strides = array<i32>} : memref<208xi32, #tpu.memory_space<vmem>>, vector<16xi32>,
    %swap3A_57 = arith.constant 176 : index
    %swap3A_58 = tpu.vector_load %arg7[%swap3A_57] {strides = array<i32>} : memref<208xi32, #tpu.memory_space<vmem>>, vector<16xi32>,
    tpu.vector_store %arg7[%swap3A_57], %broadcast_in_dim3A_5 {strides = array<i32>} : memref<208xi32, #tpu.memory_space<vmem>>, vector<16xi32>,
    %swap3A_59 = arith.constant 176 : index
    %swap3A_60 = tpu.vector_load %arg11[%swap3A_59] {strides = array<i32>} : memref<208xi32, #tpu.memory_space<vmem>>, vector<16xi32>,
    tpu.vector_store %arg11[%swap3A_59], %broadcast_in_dim3A_5 {strides = array<i32>} : memref<208xi32, #tpu.memory_space<vmem>>, vector<16xi32>,
    %swap3A_61 = arith.constant 192 : index
    %swap3A_62 = tpu.vector_load %arg7[%swap3A_61] {strides = array<i32>} : memref<208xi32, #tpu.memory_space<vmem>>, vector<16xi32>,
    tpu.vector_store %arg7[%swap3A_61], %broadcast_in_dim3A_5 {strides = array<i32>} : memref<208xi32, #tpu.memory_space<vmem>>, vector<16xi32>,
    %swap3A_63 = arith.constant 192 : index
    %swap3A_64 = tpu.vector_load %arg11[%swap3A_63] {strides = array<i32>} : memref<208xi32, #tpu.memory_space<vmem>>, vector<16xi32>,
    tpu.vector_store %arg11[%swap3A_63], %broadcast_in_dim3A_5 {strides = array<i32>} : memref<208xi32, #tpu.memory_space<vmem>>, vector<16xi32>,
    %swap3A_65 = arith.constant 200 : index
    %swap3A_66 = tpu.vector_load %arg5[%swap3A_65] {strides = array<i32>} : memref<216xi32, #tpu.memory_space<vmem>>, vector<16xi32>,
    tpu.vector_store %arg5[%swap3A_65], %broadcast_in_dim3A_7 {strides = array<i32>} : memref<216xi32, #tpu.memory_space<vmem>>, vector<16xi32>,
    %swap3A_67 = arith.constant 200 : index
    %swap3A_68 = tpu.vector_load %arg9[%swap3A_67] {strides = array<i32>} : memref<216xi32, #tpu.memory_space<vmem>>, vector<16xi32>,
    tpu.vector_store %arg9[%swap3A_67], %broadcast_in_dim3A_7 {strides = array<i32>} : memref<216xi32, #tpu.memory_space<vmem>>, vector<16xi32>,
    %mul3A_69 = arith.constant 200 : i32
    %mul3A_70 = arith.muli %mul3A_2, %mul3A_69 : i32
    %dma_start3A = arith.constant 0 : i32
    %dma_start3A_71 = tpu.memref_slice %arg5[%dma_start3A] : memref<216xi32, #tpu.memory_space<vmem>> -> memref<200xi32, #tpu.memory_space<vmem>>
    %dma_start3A_72 = tpu.memref_slice %arg2[%mul3A_70] : memref<409600xi32, #tpu.memory_space<hbm>> -> memref<200xi32, #tpu.memory_space<hbm>>
    %dma_start3A_73 = arith.constant 0 : i32
    %dma_start3A_74 = tpu.memref_slice %arg5[%dma_start3A_73] : memref<216xi32, #tpu.memory_space<vmem>> -> memref<200xi32, #tpu.memory_space<vmem>>
    %dma_start3A_75 = tpu.memref_slice %arg2[%mul3A_70] : memref<409600xi32, #tpu.memory_space<hbm>> -> memref<200xi32, #tpu.memory_space<hbm>>
    tpu.enqueue_dma source(%dma_start3A_75 : memref<200xi32, #tpu.memory_space<hbm>>) target(%dma_start3A_74 : memref<200xi32, #tpu.memory_space<vmem>>) target_semaphore(%arg13 : memref<!tpu.dma_semaphore, #tpu.memory_space<semaphore_mem>>)
    %mul3A_76 = arith.constant 200 : i32
    %mul3A_77 = arith.muli %mul3A_2, %mul3A_76 : i32
    %dma_start3A_78 = arith.constant 0 : i32
    %dma_start3A_79 = tpu.memref_slice %arg6[%dma_start3A_78] : memref<208xf32, #tpu.memory_space<vmem>> -> memref<200xf32, #tpu.memory_space<vmem>>
    %dma_start3A_80 = tpu.memref_slice %arg3[%mul3A_77] : memref<409600xf32, #tpu.memory_space<hbm>> -> memref<200xf32, #tpu.memory_space<hbm>>
    %dma_start3A_81 = arith.constant 0 : i32
    %dma_start3A_82 = tpu.memref_slice %arg6[%dma_start3A_81] : memref<208xf32, #tpu.memory_space<vmem>> -> memref<200xf32, #tpu.memory_space<vmem>>
    %dma_start3A_83 = tpu.memref_slice %arg3[%mul3A_77] : memref<409600xf32, #tpu.memory_space<hbm>> -> memref<200xf32, #tpu.memory_space<hbm>>
    tpu.enqueue_dma source(%dma_start3A_83 : memref<200xf32, #tpu.memory_space<hbm>>) target(%dma_start3A_82 : memref<200xf32, #tpu.memory_space<vmem>>) target_semaphore(%arg13 : memref<!tpu.dma_semaphore, #tpu.memory_space<semaphore_mem>>)
    %add3A_84 = arith.constant 1 : i32
    %add3A_85 = arith.addi %mul3A_2, %add3A_84 : i32
    %mul3A_86 = arith.constant 200 : i32
    %mul3A_87 = arith.muli %add3A_85, %mul3A_86 : i32
    %dma_start3A_88 = arith.constant 0 : i32
    %dma_start3A_89 = tpu.memref_slice %arg9[%dma_start3A_88] : memref<216xi32, #tpu.memory_space<vmem>> -> memref<200xi32, #tpu.memory_space<vmem>>
    %dma_start3A_90 = tpu.memref_slice %arg2[%mul3A_87] : memref<409600xi32, #tpu.memory_space<hbm>> -> memref<200xi32, #tpu.memory_space<hbm>>
    %dma_start3A_91 = arith.constant 0 : i32
    %dma_start3A_92 = tpu.memref_slice %arg9[%dma_start3A_91] : memref<216xi32, #tpu.memory_space<vmem>> -> memref<200xi32, #tpu.memory_space<vmem>>
    %dma_start3A_93 = tpu.memref_slice %arg2[%mul3A_87] : memref<409600xi32, #tpu.memory_space<hbm>> -> memref<200xi32, #tpu.memory_space<hbm>>
    tpu.enqueue_dma source(%dma_start3A_93 : memref<200xi32, #tpu.memory_space<hbm>>) target(%dma_start3A_92 : memref<200xi32, #tpu.memory_space<vmem>>) target_semaphore(%arg15 : memref<!tpu.dma_semaphore, #tpu.memory_space<semaphore_mem>>)
    %mul3A_94 = arith.constant 200 : i32
    %mul3A_95 = arith.muli %add3A_85, %mul3A_94 : i32
    %dma_start3A_96 = arith.constant 0 : i32
    %dma_start3A_97 = tpu.memref_slice %arg10[%dma_start3A_96] : memref<208xf32, #tpu.memory_space<vmem>> -> memref<200xf32, #tpu.memory_space<vmem>>
    %dma_start3A_98 = tpu.memref_slice %arg3[%mul3A_95] : memref<409600xf32, #tpu.memory_space<hbm>> -> memref<200xf32, #tpu.memory_space<hbm>>
    %dma_start3A_99 = arith.constant 0 : i32
    %dma_start3A_100 = tpu.memref_slice %arg10[%dma_start3A_99] : memref<208xf32, #tpu.memory_space<vmem>> -> memref<200xf32, #tpu.memory_space<vmem>>
    %dma_start3A_101 = tpu.memref_slice %arg3[%mul3A_95] : memref<409600xf32, #tpu.memory_space<hbm>> -> memref<200xf32, #tpu.memory_space<hbm>>
    tpu.enqueue_dma source(%dma_start3A_101 : memref<200xf32, #tpu.memory_space<hbm>>) target(%dma_start3A_100 : memref<200xf32, #tpu.memory_space<vmem>>) target_semaphore(%arg15 : memref<!tpu.dma_semaphore, #tpu.memory_space<semaphore_mem>>)
    %scan3A_102 = arith.constant 0 : i32
    %scan3A_103 = arith.constant 0 : i32
    %scan3A_104 = arith.constant 32 : i32
    %scan3A_105 = arith.addi %scan3A_103, %scan3A_104 : i32
    %scan3A_106 = arith.constant 1 : i32
    %scan3A_107 = scf.for %scan3A_120 = %scan3A_103 to %scan3A_105 step %scan3A_106 iter_args(%scan3A_121 = %scan3A_102) -> (i32)  : i32 {
      %mul3A_122 = arith.constant 2 : i32
      %mul3A_123 = arith.muli %mul3A_122, %scan3A_120 : i32
      %add3A_124 = arith.addi %mul3A_2, %mul3A_123 : i32
      %mul3A_125 = arith.constant 200 : i32
      %mul3A_126 = arith.muli %add3A_124, %mul3A_125 : i32
      %dma_wait3A_127 = arith.constant 0 : i32
      %dma_wait3A_128 = tpu.memref_slice %arg5[%dma_wait3A_127] : memref<216xi32, #tpu.memory_space<vmem>> -> memref<200xi32, #tpu.memory_space<vmem>>
      %dma_wait3A_129 = tpu.memref_slice %arg2[%mul3A_126] : memref<409600xi32, #tpu.memory_space<hbm>> -> memref<200xi32, #tpu.memory_space<hbm>>
      %dma_wait3A_130 = arith.constant 0 : i32
      %dma_wait3A_131 = tpu.memref_slice %arg5[%dma_wait3A_130] : memref<216xi32, #tpu.memory_space<vmem>> -> memref<200xi32, #tpu.memory_space<vmem>>
      %dma_wait3A_132 = tpu.memref_slice %arg2[%mul3A_126] : memref<409600xi32, #tpu.memory_space<hbm>> -> memref<200xi32, #tpu.memory_space<hbm>>
      tpu.wait_dma2 semaphore(%arg13 : memref<!tpu.dma_semaphore, #tpu.memory_space<semaphore_mem>>) src(%dma_wait3A_132 : memref<200xi32, #tpu.memory_space<hbm>>) dst(%dma_wait3A_131 : memref<200xi32, #tpu.memory_space<vmem>>)
      %mul3A_133 = arith.constant 200 : i32
      %mul3A_134 = arith.muli %add3A_124, %mul3A_133 : i32
      %dma_wait3A_135 = arith.constant 0 : i32
      %dma_wait3A_136 = tpu.memref_slice %arg6[%dma_wait3A_135] : memref<208xf32, #tpu.memory_space<vmem>> -> memref<200xf32, #tpu.memory_space<vmem>>
      %dma_wait3A_137 = tpu.memref_slice %arg3[%mul3A_134] : memref<409600xf32, #tpu.memory_space<hbm>> -> memref<200xf32, #tpu.memory_space<hbm>>
      %dma_wait3A_138 = arith.constant 0 : i32
      %dma_wait3A_139 = tpu.memref_slice %arg6[%dma_wait3A_138] : memref<208xf32, #tpu.memory_space<vmem>> -> memref<200xf32, #tpu.memory_space<vmem>>
      %dma_wait3A_140 = tpu.memref_slice %arg3[%mul3A_134] : memref<409600xf32, #tpu.memory_space<hbm>> -> memref<200xf32, #tpu.memory_space<hbm>>
      tpu.wait_dma2 semaphore(%arg13 : memref<!tpu.dma_semaphore, #tpu.memory_space<semaphore_mem>>) src(%dma_wait3A_140 : memref<200xf32, #tpu.memory_space<hbm>>) dst(%dma_wait3A_139 : memref<200xf32, #tpu.memory_space<vmem>>)
      %ge3A = arith.constant 2 : i32
      %ge3A_141 = arith.cmpi sge, %mul3A_123, %ge3A : i32
      %convert_element_type3A = arith.extui %ge3A_141 : i1 to i32
      %cond3A = arith.constant 0 : i32
      %cond3A_142 = arith.cmpi ne, %convert_element_type3A, %cond3A : i32
      scf.if %cond3A_142 {
        %dma_wait3A_659 = arith.constant 0 : i32
        %dma_wait3A_660 = tpu.memref_slice %arg4[%add3A_124, %dma_wait3A_659] : memref<2048x16384xf32, #tpu.memory_space<hbm>> -> memref<1x16384xf32, #tpu.memory_space<hbm>>
        %dma_wait3A_661 = tpu.memref_squeeze %dma_wait3A_660 : memref<1x16384xf32, #tpu.memory_space<hbm>> -> memref<16384xf32, #tpu.memory_space<hbm>>
        %dma_wait3A_662 = arith.constant 0 : i32
        %dma_wait3A_663 = tpu.memref_slice %arg4[%add3A_124, %dma_wait3A_662] : memref<2048x16384xf32, #tpu.memory_space<hbm>> -> memref<1x16384xf32, #tpu.memory_space<hbm>>
        %dma_wait3A_664 = tpu.memref_squeeze %dma_wait3A_663 : memref<1x16384xf32, #tpu.memory_space<hbm>> -> memref<16384xf32, #tpu.memory_space<hbm>>
        tpu.wait_dma2 semaphore(%arg14 : memref<!tpu.dma_semaphore, #tpu.memory_space<semaphore_mem>>) src(%arg8 : memref<16384xf32, #tpu.memory_space<vmem>>) dst(%dma_wait3A_664 : memref<16384xf32, #tpu.memory_space<hbm>>)
      } else {
      }
      %get3A = arith.constant 0 : index
      %get3A_143 = tpu.vector_load %arg7[%get3A] {strides = array<i32>} : memref<208xi32, #tpu.memory_space<vmem>>, vector<16xi32>,
      tpu.vector_store_idx %arg8[%get3A_143], %broadcast_in_dim3A_3 : memref<16384xf32, #tpu.memory_space<vmem>>[vector<16xi32>], vector<16xf32>,
      %get3A_144 = arith.constant 16 : index
      %get3A_145 = tpu.vector_load %arg7[%get3A_144] {strides = array<i32>} : memref<208xi32, #tpu.memory_space<vmem>>, vector<16xi32>,
      tpu.vector_store_idx %arg8[%get3A_145], %broadcast_in_dim3A_3 : memref<16384xf32, #tpu.memory_space<vmem>>[vector<16xi32>], vector<16xf32>,
      %get3A_146 = arith.constant 32 : index
      %get3A_147 = tpu.vector_load %arg7[%get3A_146] {strides = array<i32>} : memref<208xi32, #tpu.memory_space<vmem>>, vector<16xi32>,
      tpu.vector_store_idx %arg8[%get3A_147], %broadcast_in_dim3A_3 : memref<16384xf32, #tpu.memory_space<vmem>>[vector<16xi32>], vector<16xf32>,
      %get3A_148 = arith.constant 48 : index
      %get3A_149 = tpu.vector_load %arg7[%get3A_148] {strides = array<i32>} : memref<208xi32, #tpu.memory_space<vmem>>, vector<16xi32>,
      tpu.vector_store_idx %arg8[%get3A_149], %broadcast_in_dim3A_3 : memref<16384xf32, #tpu.memory_space<vmem>>[vector<16xi32>], vector<16xf32>,
      %get3A_150 = arith.constant 64 : index
      %get3A_151 = tpu.vector_load %arg7[%get3A_150] {strides = array<i32>} : memref<208xi32, #tpu.memory_space<vmem>>, vector<16xi32>,
      tpu.vector_store_idx %arg8[%get3A_151], %broadcast_in_dim3A_3 : memref<16384xf32, #tpu.memory_space<vmem>>[vector<16xi32>], vector<16xf32>,
      %get3A_152 = arith.constant 80 : index
      %get3A_153 = tpu.vector_load %arg7[%get3A_152] {strides = array<i32>} : memref<208xi32, #tpu.memory_space<vmem>>, vector<16xi32>,
      tpu.vector_store_idx %arg8[%get3A_153], %broadcast_in_dim3A_3 : memref<16384xf32, #tpu.memory_space<vmem>>[vector<16xi32>], vector<16xf32>,
      %get3A_154 = arith.constant 96 : index
      %get3A_155 = tpu.vector_load %arg7[%get3A_154] {strides = array<i32>} : memref<208xi32, #tpu.memory_space<vmem>>, vector<16xi32>,
      tpu.vector_store_idx %arg8[%get3A_155], %broadcast_in_dim3A_3 : memref<16384xf32, #tpu.memory_space<vmem>>[vector<16xi32>], vector<16xf32>,
      %get3A_156 = arith.constant 112 : index
      %get3A_157 = tpu.vector_load %arg7[%get3A_156] {strides = array<i32>} : memref<208xi32, #tpu.memory_space<vmem>>, vector<16xi32>,
      tpu.vector_store_idx %arg8[%get3A_157], %broadcast_in_dim3A_3 : memref<16384xf32, #tpu.memory_space<vmem>>[vector<16xi32>], vector<16xf32>,
      %get3A_158 = arith.constant 128 : index
      %get3A_159 = tpu.vector_load %arg7[%get3A_158] {strides = array<i32>} : memref<208xi32, #tpu.memory_space<vmem>>, vector<16xi32>,
      tpu.vector_store_idx %arg8[%get3A_159], %broadcast_in_dim3A_3 : memref<16384xf32, #tpu.memory_space<vmem>>[vector<16xi32>], vector<16xf32>,
      %get3A_160 = arith.constant 144 : index
      %get3A_161 = tpu.vector_load %arg7[%get3A_160] {strides = array<i32>} : memref<208xi32, #tpu.memory_space<vmem>>, vector<16xi32>,
      tpu.vector_store_idx %arg8[%get3A_161], %broadcast_in_dim3A_3 : memref<16384xf32, #tpu.memory_space<vmem>>[vector<16xi32>], vector<16xf32>,
      %get3A_162 = arith.constant 160 : index
      %get3A_163 = tpu.vector_load %arg7[%get3A_162] {strides = array<i32>} : memref<208xi32, #tpu.memory_space<vmem>>, vector<16xi32>,
      tpu.vector_store_idx %arg8[%get3A_163], %broadcast_in_dim3A_3 : memref<16384xf32, #tpu.memory_space<vmem>>[vector<16xi32>], vector<16xf32>,
      %get3A_164 = arith.constant 176 : index
      %get3A_165 = tpu.vector_load %arg7[%get3A_164] {strides = array<i32>} : memref<208xi32, #tpu.memory_space<vmem>>, vector<16xi32>,
      tpu.vector_store_idx %arg8[%get3A_165], %broadcast_in_dim3A_3 : memref<16384xf32, #tpu.memory_space<vmem>>[vector<16xi32>], vector<16xf32>,
      %get3A_166 = arith.constant 192 : index
      %get3A_167 = tpu.vector_load %arg7[%get3A_166] {strides = array<i32>} : memref<208xi32, #tpu.memory_space<vmem>>, vector<16xi32>,
      tpu.vector_store_idx %arg8[%get3A_167], %broadcast_in_dim3A_3 : memref<16384xf32, #tpu.memory_space<vmem>>[vector<16xi32>], vector<16xf32>,
      %get3A_168 = arith.constant 0 : index
      %get3A_169 = tpu.vector_load %arg5[%get3A_168] {strides = array<i32>} : memref<216xi32, #tpu.memory_space<vmem>>, vector<16xi32>,
      %get3A_170 = arith.constant 1 : index
      %get3A_171 = tpu.vector_load %arg5[%get3A_170] {strides = array<i32>} : memref<216xi32, #tpu.memory_space<vmem>>, vector<16xi32>,
      %get3A_172 = arith.constant 0 : index
      %get3A_173 = tpu.vector_load %arg6[%get3A_172] {strides = array<i32>} : memref<208xf32, #tpu.memory_space<vmem>>, vector<16xf32>,
      %and3A = arith.constant 16383 : i32
      %and3A_174 = vector.broadcast %and3A : i32 to vector<16xi32>
      %and3A_175 = arith.andi %get3A_169, %and3A_174 : vector<16xi32>
      %ne3A = arith.cmpi ne, %get3A_169, %get3A_171 : vector<16xi32>
      %gt3A = arith.constant -1 : i32
      %gt3A_176 = vector.broadcast %gt3A : i32 to vector<16xi32>
      %gt3A_177 = arith.cmpi sgt, %get3A_169, %gt3A_176 : vector<16xi32>
      %and3A_178 = arith.andi %ne3A, %gt3A_177 : vector<16xi1>
      tpu.vector_store_idx %arg8[%and3A_175], %get3A_173 masked %and3A_178 : memref<16384xf32, #tpu.memory_space<vmem>>[vector<16xi32>], vector<16xf32>, vector<16xi1>
      %swap3A_179 = arith.constant 0 : index
      %swap3A_180 = tpu.vector_load %arg7[%swap3A_179] {strides = array<i32>} : memref<208xi32, #tpu.memory_space<vmem>>, vector<16xi32>,
      tpu.vector_store %arg7[%swap3A_179], %and3A_175 {strides = array<i32>} : memref<208xi32, #tpu.memory_space<vmem>>, vector<16xi32>,
      %get3A_181 = arith.constant 16 : index
      %get3A_182 = tpu.vector_load %arg5[%get3A_181] {strides = array<i32>} : memref<216xi32, #tpu.memory_space<vmem>>, vector<16xi32>,
      %get3A_183 = arith.constant 17 : index
      %get3A_184 = tpu.vector_load %arg5[%get3A_183] {strides = array<i32>} : memref<216xi32, #tpu.memory_space<vmem>>, vector<16xi32>,
      %get3A_185 = arith.constant 16 : index
      %get3A_186 = tpu.vector_load %arg6[%get3A_185] {strides = array<i32>} : memref<208xf32, #tpu.memory_space<vmem>>, vector<16xf32>,
      %and3A_187 = arith.constant 16383 : i32
      %and3A_188 = vector.broadcast %and3A_187 : i32 to vector<16xi32>
      %and3A_189 = arith.andi %get3A_182, %and3A_188 : vector<16xi32>
      %ne3A_190 = arith.cmpi ne, %get3A_182, %get3A_184 : vector<16xi32>
      %gt3A_191 = arith.constant -1 : i32
      %gt3A_192 = vector.broadcast %gt3A_191 : i32 to vector<16xi32>
      %gt3A_193 = arith.cmpi sgt, %get3A_182, %gt3A_192 : vector<16xi32>
      %and3A_194 = arith.andi %ne3A_190, %gt3A_193 : vector<16xi1>
      tpu.vector_store_idx %arg8[%and3A_189], %get3A_186 masked %and3A_194 : memref<16384xf32, #tpu.memory_space<vmem>>[vector<16xi32>], vector<16xf32>, vector<16xi1>
      %swap3A_195 = arith.constant 16 : index
      %swap3A_196 = tpu.vector_load %arg7[%swap3A_195] {strides = array<i32>} : memref<208xi32, #tpu.memory_space<vmem>>, vector<16xi32>,
      tpu.vector_store %arg7[%swap3A_195], %and3A_189 {strides = array<i32>} : memref<208xi32, #tpu.memory_space<vmem>>, vector<16xi32>,
      %get3A_197 = arith.constant 32 : index
      %get3A_198 = tpu.vector_load %arg5[%get3A_197] {strides = array<i32>} : memref<216xi32, #tpu.memory_space<vmem>>, vector<16xi32>,
      %get3A_199 = arith.constant 33 : index
      %get3A_200 = tpu.vector_load %arg5[%get3A_199] {strides = array<i32>} : memref<216xi32, #tpu.memory_space<vmem>>, vector<16xi32>,
      %get3A_201 = arith.constant 32 : index
      %get3A_202 = tpu.vector_load %arg6[%get3A_201] {strides = array<i32>} : memref<208xf32, #tpu.memory_space<vmem>>, vector<16xf32>,
      %and3A_203 = arith.constant 16383 : i32
      %and3A_204 = vector.broadcast %and3A_203 : i32 to vector<16xi32>
      %and3A_205 = arith.andi %get3A_198, %and3A_204 : vector<16xi32>
      %ne3A_206 = arith.cmpi ne, %get3A_198, %get3A_200 : vector<16xi32>
      %gt3A_207 = arith.constant -1 : i32
      %gt3A_208 = vector.broadcast %gt3A_207 : i32 to vector<16xi32>
      %gt3A_209 = arith.cmpi sgt, %get3A_198, %gt3A_208 : vector<16xi32>
      %and3A_210 = arith.andi %ne3A_206, %gt3A_209 : vector<16xi1>
      tpu.vector_store_idx %arg8[%and3A_205], %get3A_202 masked %and3A_210 : memref<16384xf32, #tpu.memory_space<vmem>>[vector<16xi32>], vector<16xf32>, vector<16xi1>
      %swap3A_211 = arith.constant 32 : index
      %swap3A_212 = tpu.vector_load %arg7[%swap3A_211] {strides = array<i32>} : memref<208xi32, #tpu.memory_space<vmem>>, vector<16xi32>,
      tpu.vector_store %arg7[%swap3A_211], %and3A_205 {strides = array<i32>} : memref<208xi32, #tpu.memory_space<vmem>>, vector<16xi32>,
      %get3A_213 = arith.constant 48 : index
      %get3A_214 = tpu.vector_load %arg5[%get3A_213] {strides = array<i32>} : memref<216xi32, #tpu.memory_space<vmem>>, vector<16xi32>,
      %get3A_215 = arith.constant 49 : index
      %get3A_216 = tpu.vector_load %arg5[%get3A_215] {strides = array<i32>} : memref<216xi32, #tpu.memory_space<vmem>>, vector<16xi32>,
      %get3A_217 = arith.constant 48 : index
      %get3A_218 = tpu.vector_load %arg6[%get3A_217] {strides = array<i32>} : memref<208xf32, #tpu.memory_space<vmem>>, vector<16xf32>,
      %and3A_219 = arith.constant 16383 : i32
      %and3A_220 = vector.broadcast %and3A_219 : i32 to vector<16xi32>
      %and3A_221 = arith.andi %get3A_214, %and3A_220 : vector<16xi32>
      %ne3A_222 = arith.cmpi ne, %get3A_214, %get3A_216 : vector<16xi32>
      %gt3A_223 = arith.constant -1 : i32
      %gt3A_224 = vector.broadcast %gt3A_223 : i32 to vector<16xi32>
      %gt3A_225 = arith.cmpi sgt, %get3A_214, %gt3A_224 : vector<16xi32>
      %and3A_226 = arith.andi %ne3A_222, %gt3A_225 : vector<16xi1>
      tpu.vector_store_idx %arg8[%and3A_221], %get3A_218 masked %and3A_226 : memref<16384xf32, #tpu.memory_space<vmem>>[vector<16xi32>], vector<16xf32>, vector<16xi1>
      %swap3A_227 = arith.constant 48 : index
      %swap3A_228 = tpu.vector_load %arg7[%swap3A_227] {strides = array<i32>} : memref<208xi32, #tpu.memory_space<vmem>>, vector<16xi32>,
      tpu.vector_store %arg7[%swap3A_227], %and3A_221 {strides = array<i32>} : memref<208xi32, #tpu.memory_space<vmem>>, vector<16xi32>,
      %get3A_229 = arith.constant 64 : index
      %get3A_230 = tpu.vector_load %arg5[%get3A_229] {strides = array<i32>} : memref<216xi32, #tpu.memory_space<vmem>>, vector<16xi32>,
      %get3A_231 = arith.constant 65 : index
      %get3A_232 = tpu.vector_load %arg5[%get3A_231] {strides = array<i32>} : memref<216xi32, #tpu.memory_space<vmem>>, vector<16xi32>,
      %get3A_233 = arith.constant 64 : index
      %get3A_234 = tpu.vector_load %arg6[%get3A_233] {strides = array<i32>} : memref<208xf32, #tpu.memory_space<vmem>>, vector<16xf32>,
      %and3A_235 = arith.constant 16383 : i32
      %and3A_236 = vector.broadcast %and3A_235 : i32 to vector<16xi32>
      %and3A_237 = arith.andi %get3A_230, %and3A_236 : vector<16xi32>
      %ne3A_238 = arith.cmpi ne, %get3A_230, %get3A_232 : vector<16xi32>
      %gt3A_239 = arith.constant -1 : i32
      %gt3A_240 = vector.broadcast %gt3A_239 : i32 to vector<16xi32>
      %gt3A_241 = arith.cmpi sgt, %get3A_230, %gt3A_240 : vector<16xi32>
      %and3A_242 = arith.andi %ne3A_238, %gt3A_241 : vector<16xi1>
      tpu.vector_store_idx %arg8[%and3A_237], %get3A_234 masked %and3A_242 : memref<16384xf32, #tpu.memory_space<vmem>>[vector<16xi32>], vector<16xf32>, vector<16xi1>
      %swap3A_243 = arith.constant 64 : index
      %swap3A_244 = tpu.vector_load %arg7[%swap3A_243] {strides = array<i32>} : memref<208xi32, #tpu.memory_space<vmem>>, vector<16xi32>,
      tpu.vector_store %arg7[%swap3A_243], %and3A_237 {strides = array<i32>} : memref<208xi32, #tpu.memory_space<vmem>>, vector<16xi32>,
      %get3A_245 = arith.constant 80 : index
      %get3A_246 = tpu.vector_load %arg5[%get3A_245] {strides = array<i32>} : memref<216xi32, #tpu.memory_space<vmem>>, vector<16xi32>,
      %get3A_247 = arith.constant 81 : index
      %get3A_248 = tpu.vector_load %arg5[%get3A_247] {strides = array<i32>} : memref<216xi32, #tpu.memory_space<vmem>>, vector<16xi32>,
      %get3A_249 = arith.constant 80 : index
      %get3A_250 = tpu.vector_load %arg6[%get3A_249] {strides = array<i32>} : memref<208xf32, #tpu.memory_space<vmem>>, vector<16xf32>,
      %and3A_251 = arith.constant 16383 : i32
      %and3A_252 = vector.broadcast %and3A_251 : i32 to vector<16xi32>
      %and3A_253 = arith.andi %get3A_246, %and3A_252 : vector<16xi32>
      %ne3A_254 = arith.cmpi ne, %get3A_246, %get3A_248 : vector<16xi32>
      %gt3A_255 = arith.constant -1 : i32
      %gt3A_256 = vector.broadcast %gt3A_255 : i32 to vector<16xi32>
      %gt3A_257 = arith.cmpi sgt, %get3A_246, %gt3A_256 : vector<16xi32>
      %and3A_258 = arith.andi %ne3A_254, %gt3A_257 : vector<16xi1>
      tpu.vector_store_idx %arg8[%and3A_253], %get3A_250 masked %and3A_258 : memref<16384xf32, #tpu.memory_space<vmem>>[vector<16xi32>], vector<16xf32>, vector<16xi1>
      %swap3A_259 = arith.constant 80 : index
      %swap3A_260 = tpu.vector_load %arg7[%swap3A_259] {strides = array<i32>} : memref<208xi32, #tpu.memory_space<vmem>>, vector<16xi32>,
      tpu.vector_store %arg7[%swap3A_259], %and3A_253 {strides = array<i32>} : memref<208xi32, #tpu.memory_space<vmem>>, vector<16xi32>,
      %get3A_261 = arith.constant 96 : index
      %get3A_262 = tpu.vector_load %arg5[%get3A_261] {strides = array<i32>} : memref<216xi32, #tpu.memory_space<vmem>>, vector<16xi32>,
      %get3A_263 = arith.constant 97 : index
      %get3A_264 = tpu.vector_load %arg5[%get3A_263] {strides = array<i32>} : memref<216xi32, #tpu.memory_space<vmem>>, vector<16xi32>,
      %get3A_265 = arith.constant 96 : index
      %get3A_266 = tpu.vector_load %arg6[%get3A_265] {strides = array<i32>} : memref<208xf32, #tpu.memory_space<vmem>>, vector<16xf32>,
      %and3A_267 = arith.constant 16383 : i32
      %and3A_268 = vector.broadcast %and3A_267 : i32 to vector<16xi32>
      %and3A_269 = arith.andi %get3A_262, %and3A_268 : vector<16xi32>
      %ne3A_270 = arith.cmpi ne, %get3A_262, %get3A_264 : vector<16xi32>
      %gt3A_271 = arith.constant -1 : i32
      %gt3A_272 = vector.broadcast %gt3A_271 : i32 to vector<16xi32>
      %gt3A_273 = arith.cmpi sgt, %get3A_262, %gt3A_272 : vector<16xi32>
      %and3A_274 = arith.andi %ne3A_270, %gt3A_273 : vector<16xi1>
      tpu.vector_store_idx %arg8[%and3A_269], %get3A_266 masked %and3A_274 : memref<16384xf32, #tpu.memory_space<vmem>>[vector<16xi32>], vector<16xf32>, vector<16xi1>
      %swap3A_275 = arith.constant 96 : index
      %swap3A_276 = tpu.vector_load %arg7[%swap3A_275] {strides = array<i32>} : memref<208xi32, #tpu.memory_space<vmem>>, vector<16xi32>,
      tpu.vector_store %arg7[%swap3A_275], %and3A_269 {strides = array<i32>} : memref<208xi32, #tpu.memory_space<vmem>>, vector<16xi32>,
      %get3A_277 = arith.constant 112 : index
      %get3A_278 = tpu.vector_load %arg5[%get3A_277] {strides = array<i32>} : memref<216xi32, #tpu.memory_space<vmem>>, vector<16xi32>,
      %get3A_279 = arith.constant 113 : index
      %get3A_280 = tpu.vector_load %arg5[%get3A_279] {strides = array<i32>} : memref<216xi32, #tpu.memory_space<vmem>>, vector<16xi32>,
      %get3A_281 = arith.constant 112 : index
      %get3A_282 = tpu.vector_load %arg6[%get3A_281] {strides = array<i32>} : memref<208xf32, #tpu.memory_space<vmem>>, vector<16xf32>,
      %and3A_283 = arith.constant 16383 : i32
      %and3A_284 = vector.broadcast %and3A_283 : i32 to vector<16xi32>
      %and3A_285 = arith.andi %get3A_278, %and3A_284 : vector<16xi32>
      %ne3A_286 = arith.cmpi ne, %get3A_278, %get3A_280 : vector<16xi32>
      %gt3A_287 = arith.constant -1 : i32
      %gt3A_288 = vector.broadcast %gt3A_287 : i32 to vector<16xi32>
      %gt3A_289 = arith.cmpi sgt, %get3A_278, %gt3A_288 : vector<16xi32>
      %and3A_290 = arith.andi %ne3A_286, %gt3A_289 : vector<16xi1>
      tpu.vector_store_idx %arg8[%and3A_285], %get3A_282 masked %and3A_290 : memref<16384xf32, #tpu.memory_space<vmem>>[vector<16xi32>], vector<16xf32>, vector<16xi1>
      %swap3A_291 = arith.constant 112 : index
      %swap3A_292 = tpu.vector_load %arg7[%swap3A_291] {strides = array<i32>} : memref<208xi32, #tpu.memory_space<vmem>>, vector<16xi32>,
      tpu.vector_store %arg7[%swap3A_291], %and3A_285 {strides = array<i32>} : memref<208xi32, #tpu.memory_space<vmem>>, vector<16xi32>,
      %get3A_293 = arith.constant 128 : index
      %get3A_294 = tpu.vector_load %arg5[%get3A_293] {strides = array<i32>} : memref<216xi32, #tpu.memory_space<vmem>>, vector<16xi32>,
      %get3A_295 = arith.constant 129 : index
      %get3A_296 = tpu.vector_load %arg5[%get3A_295] {strides = array<i32>} : memref<216xi32, #tpu.memory_space<vmem>>, vector<16xi32>,
      %get3A_297 = arith.constant 128 : index
      %get3A_298 = tpu.vector_load %arg6[%get3A_297] {strides = array<i32>} : memref<208xf32, #tpu.memory_space<vmem>>, vector<16xf32>,
      %and3A_299 = arith.constant 16383 : i32
      %and3A_300 = vector.broadcast %and3A_299 : i32 to vector<16xi32>
      %and3A_301 = arith.andi %get3A_294, %and3A_300 : vector<16xi32>
      %ne3A_302 = arith.cmpi ne, %get3A_294, %get3A_296 : vector<16xi32>
      %gt3A_303 = arith.constant -1 : i32
      %gt3A_304 = vector.broadcast %gt3A_303 : i32 to vector<16xi32>
      %gt3A_305 = arith.cmpi sgt, %get3A_294, %gt3A_304 : vector<16xi32>
      %and3A_306 = arith.andi %ne3A_302, %gt3A_305 : vector<16xi1>
      tpu.vector_store_idx %arg8[%and3A_301], %get3A_298 masked %and3A_306 : memref<16384xf32, #tpu.memory_space<vmem>>[vector<16xi32>], vector<16xf32>, vector<16xi1>
      %swap3A_307 = arith.constant 128 : index
      %swap3A_308 = tpu.vector_load %arg7[%swap3A_307] {strides = array<i32>} : memref<208xi32, #tpu.memory_space<vmem>>, vector<16xi32>,
      tpu.vector_store %arg7[%swap3A_307], %and3A_301 {strides = array<i32>} : memref<208xi32, #tpu.memory_space<vmem>>, vector<16xi32>,
      %get3A_309 = arith.constant 144 : index
      %get3A_310 = tpu.vector_load %arg5[%get3A_309] {strides = array<i32>} : memref<216xi32, #tpu.memory_space<vmem>>, vector<16xi32>,
      %get3A_311 = arith.constant 145 : index
      %get3A_312 = tpu.vector_load %arg5[%get3A_311] {strides = array<i32>} : memref<216xi32, #tpu.memory_space<vmem>>, vector<16xi32>,
      %get3A_313 = arith.constant 144 : index
      %get3A_314 = tpu.vector_load %arg6[%get3A_313] {strides = array<i32>} : memref<208xf32, #tpu.memory_space<vmem>>, vector<16xf32>,
      %and3A_315 = arith.constant 16383 : i32
      %and3A_316 = vector.broadcast %and3A_315 : i32 to vector<16xi32>
      %and3A_317 = arith.andi %get3A_310, %and3A_316 : vector<16xi32>
      %ne3A_318 = arith.cmpi ne, %get3A_310, %get3A_312 : vector<16xi32>
      %gt3A_319 = arith.constant -1 : i32
      %gt3A_320 = vector.broadcast %gt3A_319 : i32 to vector<16xi32>
      %gt3A_321 = arith.cmpi sgt, %get3A_310, %gt3A_320 : vector<16xi32>
      %and3A_322 = arith.andi %ne3A_318, %gt3A_321 : vector<16xi1>
      tpu.vector_store_idx %arg8[%and3A_317], %get3A_314 masked %and3A_322 : memref<16384xf32, #tpu.memory_space<vmem>>[vector<16xi32>], vector<16xf32>, vector<16xi1>
      %swap3A_323 = arith.constant 144 : index
      %swap3A_324 = tpu.vector_load %arg7[%swap3A_323] {strides = array<i32>} : memref<208xi32, #tpu.memory_space<vmem>>, vector<16xi32>,
      tpu.vector_store %arg7[%swap3A_323], %and3A_317 {strides = array<i32>} : memref<208xi32, #tpu.memory_space<vmem>>, vector<16xi32>,
      %get3A_325 = arith.constant 160 : index
      %get3A_326 = tpu.vector_load %arg5[%get3A_325] {strides = array<i32>} : memref<216xi32, #tpu.memory_space<vmem>>, vector<16xi32>,
      %get3A_327 = arith.constant 161 : index
      %get3A_328 = tpu.vector_load %arg5[%get3A_327] {strides = array<i32>} : memref<216xi32, #tpu.memory_space<vmem>>, vector<16xi32>,
      %get3A_329 = arith.constant 160 : index
      %get3A_330 = tpu.vector_load %arg6[%get3A_329] {strides = array<i32>} : memref<208xf32, #tpu.memory_space<vmem>>, vector<16xf32>,
      %and3A_331 = arith.constant 16383 : i32
      %and3A_332 = vector.broadcast %and3A_331 : i32 to vector<16xi32>
      %and3A_333 = arith.andi %get3A_326, %and3A_332 : vector<16xi32>
      %ne3A_334 = arith.cmpi ne, %get3A_326, %get3A_328 : vector<16xi32>
      %gt3A_335 = arith.constant -1 : i32
      %gt3A_336 = vector.broadcast %gt3A_335 : i32 to vector<16xi32>
      %gt3A_337 = arith.cmpi sgt, %get3A_326, %gt3A_336 : vector<16xi32>
      %and3A_338 = arith.andi %ne3A_334, %gt3A_337 : vector<16xi1>
      tpu.vector_store_idx %arg8[%and3A_333], %get3A_330 masked %and3A_338 : memref<16384xf32, #tpu.memory_space<vmem>>[vector<16xi32>], vector<16xf32>, vector<16xi1>
      %swap3A_339 = arith.constant 160 : index
      %swap3A_340 = tpu.vector_load %arg7[%swap3A_339] {strides = array<i32>} : memref<208xi32, #tpu.memory_space<vmem>>, vector<16xi32>,
      tpu.vector_store %arg7[%swap3A_339], %and3A_333 {strides = array<i32>} : memref<208xi32, #tpu.memory_space<vmem>>, vector<16xi32>,
      %get3A_341 = arith.constant 176 : index
      %get3A_342 = tpu.vector_load %arg5[%get3A_341] {strides = array<i32>} : memref<216xi32, #tpu.memory_space<vmem>>, vector<16xi32>,
      %get3A_343 = arith.constant 177 : index
      %get3A_344 = tpu.vector_load %arg5[%get3A_343] {strides = array<i32>} : memref<216xi32, #tpu.memory_space<vmem>>, vector<16xi32>,
      %get3A_345 = arith.constant 176 : index
      %get3A_346 = tpu.vector_load %arg6[%get3A_345] {strides = array<i32>} : memref<208xf32, #tpu.memory_space<vmem>>, vector<16xf32>,
      %and3A_347 = arith.constant 16383 : i32
      %and3A_348 = vector.broadcast %and3A_347 : i32 to vector<16xi32>
      %and3A_349 = arith.andi %get3A_342, %and3A_348 : vector<16xi32>
      %ne3A_350 = arith.cmpi ne, %get3A_342, %get3A_344 : vector<16xi32>
      %gt3A_351 = arith.constant -1 : i32
      %gt3A_352 = vector.broadcast %gt3A_351 : i32 to vector<16xi32>
      %gt3A_353 = arith.cmpi sgt, %get3A_342, %gt3A_352 : vector<16xi32>
      %and3A_354 = arith.andi %ne3A_350, %gt3A_353 : vector<16xi1>
      tpu.vector_store_idx %arg8[%and3A_349], %get3A_346 masked %and3A_354 : memref<16384xf32, #tpu.memory_space<vmem>>[vector<16xi32>], vector<16xf32>, vector<16xi1>
      %swap3A_355 = arith.constant 176 : index
      %swap3A_356 = tpu.vector_load %arg7[%swap3A_355] {strides = array<i32>} : memref<208xi32, #tpu.memory_space<vmem>>, vector<16xi32>,
      tpu.vector_store %arg7[%swap3A_355], %and3A_349 {strides = array<i32>} : memref<208xi32, #tpu.memory_space<vmem>>, vector<16xi32>,
      %get3A_357 = arith.constant 192 : index
      %get3A_358 = tpu.vector_load %arg5[%get3A_357] {strides = array<i32>} : memref<216xi32, #tpu.memory_space<vmem>>, vector<16xi32>,
      %get3A_359 = arith.constant 193 : index
      %get3A_360 = tpu.vector_load %arg5[%get3A_359] {strides = array<i32>} : memref<216xi32, #tpu.memory_space<vmem>>, vector<16xi32>,
      %get3A_361 = arith.constant 192 : index
      %get3A_362 = tpu.vector_load %arg6[%get3A_361] {strides = array<i32>} : memref<208xf32, #tpu.memory_space<vmem>>, vector<16xf32>,
      %and3A_363 = arith.constant 16383 : i32
      %and3A_364 = vector.broadcast %and3A_363 : i32 to vector<16xi32>
      %and3A_365 = arith.andi %get3A_358, %and3A_364 : vector<16xi32>
      %ne3A_366 = arith.cmpi ne, %get3A_358, %get3A_360 : vector<16xi32>
      %gt3A_367 = arith.constant -1 : i32
      %gt3A_368 = vector.broadcast %gt3A_367 : i32 to vector<16xi32>
      %gt3A_369 = arith.cmpi sgt, %get3A_358, %gt3A_368 : vector<16xi32>
      %and3A_370 = arith.andi %ne3A_366, %gt3A_369 : vector<16xi1>
      tpu.vector_store_idx %arg8[%and3A_365], %get3A_362 masked %and3A_370 : memref<16384xf32, #tpu.memory_space<vmem>>[vector<16xi32>], vector<16xf32>, vector<16xi1>
      %swap3A_371 = arith.constant 192 : index
      %swap3A_372 = tpu.vector_load %arg7[%swap3A_371] {strides = array<i32>} : memref<208xi32, #tpu.memory_space<vmem>>, vector<16xi32>,
      tpu.vector_store %arg7[%swap3A_371], %and3A_365 {strides = array<i32>} : memref<208xi32, #tpu.memory_space<vmem>>, vector<16xi32>,
      %dma_start3A_373 = arith.constant 0 : i32
      %dma_start3A_374 = tpu.memref_slice %arg4[%add3A_124, %dma_start3A_373] : memref<2048x16384xf32, #tpu.memory_space<hbm>> -> memref<1x16384xf32, #tpu.memory_space<hbm>>
      %dma_start3A_375 = tpu.memref_squeeze %dma_start3A_374 : memref<1x16384xf32, #tpu.memory_space<hbm>> -> memref<16384xf32, #tpu.memory_space<hbm>>
      %dma_start3A_376 = arith.constant 0 : i32
      %dma_start3A_377 = tpu.memref_slice %arg4[%add3A_124, %dma_start3A_376] : memref<2048x16384xf32, #tpu.memory_space<hbm>> -> memref<1x16384xf32, #tpu.memory_space<hbm>>
      %dma_start3A_378 = tpu.memref_squeeze %dma_start3A_377 : memref<1x16384xf32, #tpu.memory_space<hbm>> -> memref<16384xf32, #tpu.memory_space<hbm>>
      tpu.enqueue_dma source(%arg8 : memref<16384xf32, #tpu.memory_space<vmem>>) target(%dma_start3A_378 : memref<16384xf32, #tpu.memory_space<hbm>>) target_semaphore(%arg14 : memref<!tpu.dma_semaphore, #tpu.memory_space<semaphore_mem>>)
      %add3A_379 = arith.constant 2 : i32
      %add3A_380 = arith.addi %mul3A_123, %add3A_379 : i32
      %lt3A = arith.constant 64 : i32
      %lt3A_381 = arith.cmpi slt, %add3A_380, %lt3A : i32
      %convert_element_type3A_382 = arith.extui %lt3A_381 : i1 to i32
      %cond3A_383 = arith.constant 0 : i32
      %cond3A_384 = arith.cmpi ne, %convert_element_type3A_382, %cond3A_383 : i32
      scf.if %cond3A_384 {
        %add3A_659 = arith.constant 2 : i32
        %add3A_660 = arith.addi %add3A_124, %add3A_659 : i32
        %mul3A_661 = arith.constant 200 : i32
        %mul3A_662 = arith.muli %add3A_660, %mul3A_661 : i32
        %dma_start3A_663 = arith.constant 0 : i32
        %dma_start3A_664 = tpu.memref_slice %arg5[%dma_start3A_663] : memref<216xi32, #tpu.memory_space<vmem>> -> memref<200xi32, #tpu.memory_space<vmem>>
        %dma_start3A_665 = tpu.memref_slice %arg2[%mul3A_662] : memref<409600xi32, #tpu.memory_space<hbm>> -> memref<200xi32, #tpu.memory_space<hbm>>
        %dma_start3A_666 = arith.constant 0 : i32
        %dma_start3A_667 = tpu.memref_slice %arg5[%dma_start3A_666] : memref<216xi32, #tpu.memory_space<vmem>> -> memref<200xi32, #tpu.memory_space<vmem>>
        %dma_start3A_668 = tpu.memref_slice %arg2[%mul3A_662] : memref<409600xi32, #tpu.memory_space<hbm>> -> memref<200xi32, #tpu.memory_space<hbm>>
        tpu.enqueue_dma source(%dma_start3A_668 : memref<200xi32, #tpu.memory_space<hbm>>) target(%dma_start3A_667 : memref<200xi32, #tpu.memory_space<vmem>>) target_semaphore(%arg13 : memref<!tpu.dma_semaphore, #tpu.memory_space<semaphore_mem>>)
        %mul3A_669 = arith.constant 200 : i32
        %mul3A_670 = arith.muli %add3A_660, %mul3A_669 : i32
        %dma_start3A_671 = arith.constant 0 : i32
        %dma_start3A_672 = tpu.memref_slice %arg6[%dma_start3A_671] : memref<208xf32, #tpu.memory_space<vmem>> -> memref<200xf32, #tpu.memory_space<vmem>>
        %dma_start3A_673 = tpu.memref_slice %arg3[%mul3A_670] : memref<409600xf32, #tpu.memory_space<hbm>> -> memref<200xf32, #tpu.memory_space<hbm>>
        %dma_start3A_674 = arith.constant 0 : i32
        %dma_start3A_675 = tpu.memref_slice %arg6[%dma_start3A_674] : memref<208xf32, #tpu.memory_space<vmem>> -> memref<200xf32, #tpu.memory_space<vmem>>
        %dma_start3A_676 = tpu.memref_slice %arg3[%mul3A_670] : memref<409600xf32, #tpu.memory_space<hbm>> -> memref<200xf32, #tpu.memory_space<hbm>>
        tpu.enqueue_dma source(%dma_start3A_676 : memref<200xf32, #tpu.memory_space<hbm>>) target(%dma_start3A_675 : memref<200xf32, #tpu.memory_space<vmem>>) target_semaphore(%arg13 : memref<!tpu.dma_semaphore, #tpu.memory_space<semaphore_mem>>)
      } else {
      }
      %mul3A_385 = arith.constant 2 : i32
      %mul3A_386 = arith.muli %mul3A_385, %scan3A_120 : i32
      %add3A_387 = arith.constant 1 : i32
      %add3A_388 = arith.addi %mul3A_386, %add3A_387 : i32
      %add3A_389 = arith.addi %mul3A_2, %add3A_388 : i32
      %mul3A_390 = arith.constant 200 : i32
      %mul3A_391 = arith.muli %add3A_389, %mul3A_390 : i32
      %dma_wait3A_392 = arith.constant 0 : i32
      %dma_wait3A_393 = tpu.memref_slice %arg9[%dma_wait3A_392] : memref<216xi32, #tpu.memory_space<vmem>> -> memref<200xi32, #tpu.memory_space<vmem>>
      %dma_wait3A_394 = tpu.memref_slice %arg2[%mul3A_391] : memref<409600xi32, #tpu.memory_space<hbm>> -> memref<200xi32, #tpu.memory_space<hbm>>
      %dma_wait3A_395 = arith.constant 0 : i32
      %dma_wait3A_396 = tpu.memref_slice %arg9[%dma_wait3A_395] : memref<216xi32, #tpu.memory_space<vmem>> -> memref<200xi32, #tpu.memory_space<vmem>>
      %dma_wait3A_397 = tpu.memref_slice %arg2[%mul3A_391] : memref<409600xi32, #tpu.memory_space<hbm>> -> memref<200xi32, #tpu.memory_space<hbm>>
      tpu.wait_dma2 semaphore(%arg15 : memref<!tpu.dma_semaphore, #tpu.memory_space<semaphore_mem>>) src(%dma_wait3A_397 : memref<200xi32, #tpu.memory_space<hbm>>) dst(%dma_wait3A_396 : memref<200xi32, #tpu.memory_space<vmem>>)
      %mul3A_398 = arith.constant 200 : i32
      %mul3A_399 = arith.muli %add3A_389, %mul3A_398 : i32
      %dma_wait3A_400 = arith.constant 0 : i32
      %dma_wait3A_401 = tpu.memref_slice %arg10[%dma_wait3A_400] : memref<208xf32, #tpu.memory_space<vmem>> -> memref<200xf32, #tpu.memory_space<vmem>>
      %dma_wait3A_402 = tpu.memref_slice %arg3[%mul3A_399] : memref<409600xf32, #tpu.memory_space<hbm>> -> memref<200xf32, #tpu.memory_space<hbm>>
      %dma_wait3A_403 = arith.constant 0 : i32
      %dma_wait3A_404 = tpu.memref_slice %arg10[%dma_wait3A_403] : memref<208xf32, #tpu.memory_space<vmem>> -> memref<200xf32, #tpu.memory_space<vmem>>
      %dma_wait3A_405 = tpu.memref_slice %arg3[%mul3A_399] : memref<409600xf32, #tpu.memory_space<hbm>> -> memref<200xf32, #tpu.memory_space<hbm>>
      tpu.wait_dma2 semaphore(%arg15 : memref<!tpu.dma_semaphore, #tpu.memory_space<semaphore_mem>>) src(%dma_wait3A_405 : memref<200xf32, #tpu.memory_space<hbm>>) dst(%dma_wait3A_404 : memref<200xf32, #tpu.memory_space<vmem>>)
      %ge3A_406 = arith.constant 2 : i32
      %ge3A_407 = arith.cmpi sge, %add3A_388, %ge3A_406 : i32
      %convert_element_type3A_408 = arith.extui %ge3A_407 : i1 to i32
      %cond3A_409 = arith.constant 0 : i32
      %cond3A_410 = arith.cmpi ne, %convert_element_type3A_408, %cond3A_409 : i32
      scf.if %cond3A_410 {
        %dma_wait3A_659 = arith.constant 0 : i32
        %dma_wait3A_660 = tpu.memref_slice %arg4[%add3A_389, %dma_wait3A_659] : memref<2048x16384xf32, #tpu.memory_space<hbm>> -> memref<1x16384xf32, #tpu.memory_space<hbm>>
        %dma_wait3A_661 = tpu.memref_squeeze %dma_wait3A_660 : memref<1x16384xf32, #tpu.memory_space<hbm>> -> memref<16384xf32, #tpu.memory_space<hbm>>
        %dma_wait3A_662 = arith.constant 0 : i32
        %dma_wait3A_663 = tpu.memref_slice %arg4[%add3A_389, %dma_wait3A_662] : memref<2048x16384xf32, #tpu.memory_space<hbm>> -> memref<1x16384xf32, #tpu.memory_space<hbm>>
        %dma_wait3A_664 = tpu.memref_squeeze %dma_wait3A_663 : memref<1x16384xf32, #tpu.memory_space<hbm>> -> memref<16384xf32, #tpu.memory_space<hbm>>
        tpu.wait_dma2 semaphore(%arg16 : memref<!tpu.dma_semaphore, #tpu.memory_space<semaphore_mem>>) src(%arg12 : memref<16384xf32, #tpu.memory_space<vmem>>) dst(%dma_wait3A_664 : memref<16384xf32, #tpu.memory_space<hbm>>)
      } else {
      }
      %get3A_411 = arith.constant 0 : index
      %get3A_412 = tpu.vector_load %arg11[%get3A_411] {strides = array<i32>} : memref<208xi32, #tpu.memory_space<vmem>>, vector<16xi32>,
      tpu.vector_store_idx %arg12[%get3A_412], %broadcast_in_dim3A_3 : memref<16384xf32, #tpu.memory_space<vmem>>[vector<16xi32>], vector<16xf32>,
      %get3A_413 = arith.constant 16 : index
      %get3A_414 = tpu.vector_load %arg11[%get3A_413] {strides = array<i32>} : memref<208xi32, #tpu.memory_space<vmem>>, vector<16xi32>,
      tpu.vector_store_idx %arg12[%get3A_414], %broadcast_in_dim3A_3 : memref<16384xf32, #tpu.memory_space<vmem>>[vector<16xi32>], vector<16xf32>,
      %get3A_415 = arith.constant 32 : index
      %get3A_416 = tpu.vector_load %arg11[%get3A_415] {strides = array<i32>} : memref<208xi32, #tpu.memory_space<vmem>>, vector<16xi32>,
      tpu.vector_store_idx %arg12[%get3A_416], %broadcast_in_dim3A_3 : memref<16384xf32, #tpu.memory_space<vmem>>[vector<16xi32>], vector<16xf32>,
      %get3A_417 = arith.constant 48 : index
      %get3A_418 = tpu.vector_load %arg11[%get3A_417] {strides = array<i32>} : memref<208xi32, #tpu.memory_space<vmem>>, vector<16xi32>,
      tpu.vector_store_idx %arg12[%get3A_418], %broadcast_in_dim3A_3 : memref<16384xf32, #tpu.memory_space<vmem>>[vector<16xi32>], vector<16xf32>,
      %get3A_419 = arith.constant 64 : index
      %get3A_420 = tpu.vector_load %arg11[%get3A_419] {strides = array<i32>} : memref<208xi32, #tpu.memory_space<vmem>>, vector<16xi32>,
      tpu.vector_store_idx %arg12[%get3A_420], %broadcast_in_dim3A_3 : memref<16384xf32, #tpu.memory_space<vmem>>[vector<16xi32>], vector<16xf32>,
      %get3A_421 = arith.constant 80 : index
      %get3A_422 = tpu.vector_load %arg11[%get3A_421] {strides = array<i32>} : memref<208xi32, #tpu.memory_space<vmem>>, vector<16xi32>,
      tpu.vector_store_idx %arg12[%get3A_422], %broadcast_in_dim3A_3 : memref<16384xf32, #tpu.memory_space<vmem>>[vector<16xi32>], vector<16xf32>,
      %get3A_423 = arith.constant 96 : index
      %get3A_424 = tpu.vector_load %arg11[%get3A_423] {strides = array<i32>} : memref<208xi32, #tpu.memory_space<vmem>>, vector<16xi32>,
      tpu.vector_store_idx %arg12[%get3A_424], %broadcast_in_dim3A_3 : memref<16384xf32, #tpu.memory_space<vmem>>[vector<16xi32>], vector<16xf32>,
      %get3A_425 = arith.constant 112 : index
      %get3A_426 = tpu.vector_load %arg11[%get3A_425] {strides = array<i32>} : memref<208xi32, #tpu.memory_space<vmem>>, vector<16xi32>,
      tpu.vector_store_idx %arg12[%get3A_426], %broadcast_in_dim3A_3 : memref<16384xf32, #tpu.memory_space<vmem>>[vector<16xi32>], vector<16xf32>,
      %get3A_427 = arith.constant 128 : index
      %get3A_428 = tpu.vector_load %arg11[%get3A_427] {strides = array<i32>} : memref<208xi32, #tpu.memory_space<vmem>>, vector<16xi32>,
      tpu.vector_store_idx %arg12[%get3A_428], %broadcast_in_dim3A_3 : memref<16384xf32, #tpu.memory_space<vmem>>[vector<16xi32>], vector<16xf32>,
      %get3A_429 = arith.constant 144 : index
      %get3A_430 = tpu.vector_load %arg11[%get3A_429] {strides = array<i32>} : memref<208xi32, #tpu.memory_space<vmem>>, vector<16xi32>,
      tpu.vector_store_idx %arg12[%get3A_430], %broadcast_in_dim3A_3 : memref<16384xf32, #tpu.memory_space<vmem>>[vector<16xi32>], vector<16xf32>,
      %get3A_431 = arith.constant 160 : index
      %get3A_432 = tpu.vector_load %arg11[%get3A_431] {strides = array<i32>} : memref<208xi32, #tpu.memory_space<vmem>>, vector<16xi32>,
      tpu.vector_store_idx %arg12[%get3A_432], %broadcast_in_dim3A_3 : memref<16384xf32, #tpu.memory_space<vmem>>[vector<16xi32>], vector<16xf32>,
      %get3A_433 = arith.constant 176 : index
      %get3A_434 = tpu.vector_load %arg11[%get3A_433] {strides = array<i32>} : memref<208xi32, #tpu.memory_space<vmem>>, vector<16xi32>,
      tpu.vector_store_idx %arg12[%get3A_434], %broadcast_in_dim3A_3 : memref<16384xf32, #tpu.memory_space<vmem>>[vector<16xi32>], vector<16xf32>,
      %get3A_435 = arith.constant 192 : index
      %get3A_436 = tpu.vector_load %arg11[%get3A_435] {strides = array<i32>} : memref<208xi32, #tpu.memory_space<vmem>>, vector<16xi32>,
      tpu.vector_store_idx %arg12[%get3A_436], %broadcast_in_dim3A_3 : memref<16384xf32, #tpu.memory_space<vmem>>[vector<16xi32>], vector<16xf32>,
      %get3A_437 = arith.constant 0 : index
      %get3A_438 = tpu.vector_load %arg9[%get3A_437] {strides = array<i32>} : memref<216xi32, #tpu.memory_space<vmem>>, vector<16xi32>,
      %get3A_439 = arith.constant 1 : index
      %get3A_440 = tpu.vector_load %arg9[%get3A_439] {strides = array<i32>} : memref<216xi32, #tpu.memory_space<vmem>>, vector<16xi32>,
      %get3A_441 = arith.constant 0 : index
      %get3A_442 = tpu.vector_load %arg10[%get3A_441] {strides = array<i32>} : memref<208xf32, #tpu.memory_space<vmem>>, vector<16xf32>,
      %and3A_443 = arith.constant 16383 : i32
      %and3A_444 = vector.broadcast %and3A_443 : i32 to vector<16xi32>
      %and3A_445 = arith.andi %get3A_438, %and3A_444 : vector<16xi32>
      %ne3A_446 = arith.cmpi ne, %get3A_438, %get3A_440 : vector<16xi32>
      %gt3A_447 = arith.constant -1 : i32
      %gt3A_448 = vector.broadcast %gt3A_447 : i32 to vector<16xi32>
      %gt3A_449 = arith.cmpi sgt, %get3A_438, %gt3A_448 : vector<16xi32>
      %and3A_450 = arith.andi %ne3A_446, %gt3A_449 : vector<16xi1>
      tpu.vector_store_idx %arg12[%and3A_445], %get3A_442 masked %and3A_450 : memref<16384xf32, #tpu.memory_space<vmem>>[vector<16xi32>], vector<16xf32>, vector<16xi1>
      %swap3A_451 = arith.constant 0 : index
      %swap3A_452 = tpu.vector_load %arg11[%swap3A_451] {strides = array<i32>} : memref<208xi32, #tpu.memory_space<vmem>>, vector<16xi32>,
      tpu.vector_store %arg11[%swap3A_451], %and3A_445 {strides = array<i32>} : memref<208xi32, #tpu.memory_space<vmem>>, vector<16xi32>,
      %get3A_453 = arith.constant 16 : index
      %get3A_454 = tpu.vector_load %arg9[%get3A_453] {strides = array<i32>} : memref<216xi32, #tpu.memory_space<vmem>>, vector<16xi32>,
      %get3A_455 = arith.constant 17 : index
      %get3A_456 = tpu.vector_load %arg9[%get3A_455] {strides = array<i32>} : memref<216xi32, #tpu.memory_space<vmem>>, vector<16xi32>,
      %get3A_457 = arith.constant 16 : index
      %get3A_458 = tpu.vector_load %arg10[%get3A_457] {strides = array<i32>} : memref<208xf32, #tpu.memory_space<vmem>>, vector<16xf32>,
      %and3A_459 = arith.constant 16383 : i32
      %and3A_460 = vector.broadcast %and3A_459 : i32 to vector<16xi32>
      %and3A_461 = arith.andi %get3A_454, %and3A_460 : vector<16xi32>
      %ne3A_462 = arith.cmpi ne, %get3A_454, %get3A_456 : vector<16xi32>
      %gt3A_463 = arith.constant -1 : i32
      %gt3A_464 = vector.broadcast %gt3A_463 : i32 to vector<16xi32>
      %gt3A_465 = arith.cmpi sgt, %get3A_454, %gt3A_464 : vector<16xi32>
      %and3A_466 = arith.andi %ne3A_462, %gt3A_465 : vector<16xi1>
      tpu.vector_store_idx %arg12[%and3A_461], %get3A_458 masked %and3A_466 : memref<16384xf32, #tpu.memory_space<vmem>>[vector<16xi32>], vector<16xf32>, vector<16xi1>
      %swap3A_467 = arith.constant 16 : index
      %swap3A_468 = tpu.vector_load %arg11[%swap3A_467] {strides = array<i32>} : memref<208xi32, #tpu.memory_space<vmem>>, vector<16xi32>,
      tpu.vector_store %arg11[%swap3A_467], %and3A_461 {strides = array<i32>} : memref<208xi32, #tpu.memory_space<vmem>>, vector<16xi32>,
      %get3A_469 = arith.constant 32 : index
      %get3A_470 = tpu.vector_load %arg9[%get3A_469] {strides = array<i32>} : memref<216xi32, #tpu.memory_space<vmem>>, vector<16xi32>,
      %get3A_471 = arith.constant 33 : index
      %get3A_472 = tpu.vector_load %arg9[%get3A_471] {strides = array<i32>} : memref<216xi32, #tpu.memory_space<vmem>>, vector<16xi32>,
      %get3A_473 = arith.constant 32 : index
      %get3A_474 = tpu.vector_load %arg10[%get3A_473] {strides = array<i32>} : memref<208xf32, #tpu.memory_space<vmem>>, vector<16xf32>,
      %and3A_475 = arith.constant 16383 : i32
      %and3A_476 = vector.broadcast %and3A_475 : i32 to vector<16xi32>
      %and3A_477 = arith.andi %get3A_470, %and3A_476 : vector<16xi32>
      %ne3A_478 = arith.cmpi ne, %get3A_470, %get3A_472 : vector<16xi32>
      %gt3A_479 = arith.constant -1 : i32
      %gt3A_480 = vector.broadcast %gt3A_479 : i32 to vector<16xi32>
      %gt3A_481 = arith.cmpi sgt, %get3A_470, %gt3A_480 : vector<16xi32>
      %and3A_482 = arith.andi %ne3A_478, %gt3A_481 : vector<16xi1>
      tpu.vector_store_idx %arg12[%and3A_477], %get3A_474 masked %and3A_482 : memref<16384xf32, #tpu.memory_space<vmem>>[vector<16xi32>], vector<16xf32>, vector<16xi1>
      %swap3A_483 = arith.constant 32 : index
      %swap3A_484 = tpu.vector_load %arg11[%swap3A_483] {strides = array<i32>} : memref<208xi32, #tpu.memory_space<vmem>>, vector<16xi32>,
      tpu.vector_store %arg11[%swap3A_483], %and3A_477 {strides = array<i32>} : memref<208xi32, #tpu.memory_space<vmem>>, vector<16xi32>,
      %get3A_485 = arith.constant 48 : index
      %get3A_486 = tpu.vector_load %arg9[%get3A_485] {strides = array<i32>} : memref<216xi32, #tpu.memory_space<vmem>>, vector<16xi32>,
      %get3A_487 = arith.constant 49 : index
      %get3A_488 = tpu.vector_load %arg9[%get3A_487] {strides = array<i32>} : memref<216xi32, #tpu.memory_space<vmem>>, vector<16xi32>,
      %get3A_489 = arith.constant 48 : index
      %get3A_490 = tpu.vector_load %arg10[%get3A_489] {strides = array<i32>} : memref<208xf32, #tpu.memory_space<vmem>>, vector<16xf32>,
      %and3A_491 = arith.constant 16383 : i32
      %and3A_492 = vector.broadcast %and3A_491 : i32 to vector<16xi32>
      %and3A_493 = arith.andi %get3A_486, %and3A_492 : vector<16xi32>
      %ne3A_494 = arith.cmpi ne, %get3A_486, %get3A_488 : vector<16xi32>
      %gt3A_495 = arith.constant -1 : i32
      %gt3A_496 = vector.broadcast %gt3A_495 : i32 to vector<16xi32>
      %gt3A_497 = arith.cmpi sgt, %get3A_486, %gt3A_496 : vector<16xi32>
      %and3A_498 = arith.andi %ne3A_494, %gt3A_497 : vector<16xi1>
      tpu.vector_store_idx %arg12[%and3A_493], %get3A_490 masked %and3A_498 : memref<16384xf32, #tpu.memory_space<vmem>>[vector<16xi32>], vector<16xf32>, vector<16xi1>
      %swap3A_499 = arith.constant 48 : index
      %swap3A_500 = tpu.vector_load %arg11[%swap3A_499] {strides = array<i32>} : memref<208xi32, #tpu.memory_space<vmem>>, vector<16xi32>,
      tpu.vector_store %arg11[%swap3A_499], %and3A_493 {strides = array<i32>} : memref<208xi32, #tpu.memory_space<vmem>>, vector<16xi32>,
      %get3A_501 = arith.constant 64 : index
      %get3A_502 = tpu.vector_load %arg9[%get3A_501] {strides = array<i32>} : memref<216xi32, #tpu.memory_space<vmem>>, vector<16xi32>,
      %get3A_503 = arith.constant 65 : index
      %get3A_504 = tpu.vector_load %arg9[%get3A_503] {strides = array<i32>} : memref<216xi32, #tpu.memory_space<vmem>>, vector<16xi32>,
      %get3A_505 = arith.constant 64 : index
      %get3A_506 = tpu.vector_load %arg10[%get3A_505] {strides = array<i32>} : memref<208xf32, #tpu.memory_space<vmem>>, vector<16xf32>,
      %and3A_507 = arith.constant 16383 : i32
      %and3A_508 = vector.broadcast %and3A_507 : i32 to vector<16xi32>
      %and3A_509 = arith.andi %get3A_502, %and3A_508 : vector<16xi32>
      %ne3A_510 = arith.cmpi ne, %get3A_502, %get3A_504 : vector<16xi32>
      %gt3A_511 = arith.constant -1 : i32
      %gt3A_512 = vector.broadcast %gt3A_511 : i32 to vector<16xi32>
      %gt3A_513 = arith.cmpi sgt, %get3A_502, %gt3A_512 : vector<16xi32>
      %and3A_514 = arith.andi %ne3A_510, %gt3A_513 : vector<16xi1>
      tpu.vector_store_idx %arg12[%and3A_509], %get3A_506 masked %and3A_514 : memref<16384xf32, #tpu.memory_space<vmem>>[vector<16xi32>], vector<16xf32>, vector<16xi1>
      %swap3A_515 = arith.constant 64 : index
      %swap3A_516 = tpu.vector_load %arg11[%swap3A_515] {strides = array<i32>} : memref<208xi32, #tpu.memory_space<vmem>>, vector<16xi32>,
      tpu.vector_store %arg11[%swap3A_515], %and3A_509 {strides = array<i32>} : memref<208xi32, #tpu.memory_space<vmem>>, vector<16xi32>,
      %get3A_517 = arith.constant 80 : index
      %get3A_518 = tpu.vector_load %arg9[%get3A_517] {strides = array<i32>} : memref<216xi32, #tpu.memory_space<vmem>>, vector<16xi32>,
      %get3A_519 = arith.constant 81 : index
      %get3A_520 = tpu.vector_load %arg9[%get3A_519] {strides = array<i32>} : memref<216xi32, #tpu.memory_space<vmem>>, vector<16xi32>,
      %get3A_521 = arith.constant 80 : index
      %get3A_522 = tpu.vector_load %arg10[%get3A_521] {strides = array<i32>} : memref<208xf32, #tpu.memory_space<vmem>>, vector<16xf32>,
      %and3A_523 = arith.constant 16383 : i32
      %and3A_524 = vector.broadcast %and3A_523 : i32 to vector<16xi32>
      %and3A_525 = arith.andi %get3A_518, %and3A_524 : vector<16xi32>
      %ne3A_526 = arith.cmpi ne, %get3A_518, %get3A_520 : vector<16xi32>
      %gt3A_527 = arith.constant -1 : i32
      %gt3A_528 = vector.broadcast %gt3A_527 : i32 to vector<16xi32>
      %gt3A_529 = arith.cmpi sgt, %get3A_518, %gt3A_528 : vector<16xi32>
      %and3A_530 = arith.andi %ne3A_526, %gt3A_529 : vector<16xi1>
      tpu.vector_store_idx %arg12[%and3A_525], %get3A_522 masked %and3A_530 : memref<16384xf32, #tpu.memory_space<vmem>>[vector<16xi32>], vector<16xf32>, vector<16xi1>
      %swap3A_531 = arith.constant 80 : index
      %swap3A_532 = tpu.vector_load %arg11[%swap3A_531] {strides = array<i32>} : memref<208xi32, #tpu.memory_space<vmem>>, vector<16xi32>,
      tpu.vector_store %arg11[%swap3A_531], %and3A_525 {strides = array<i32>} : memref<208xi32, #tpu.memory_space<vmem>>, vector<16xi32>,
      %get3A_533 = arith.constant 96 : index
      %get3A_534 = tpu.vector_load %arg9[%get3A_533] {strides = array<i32>} : memref<216xi32, #tpu.memory_space<vmem>>, vector<16xi32>,
      %get3A_535 = arith.constant 97 : index
      %get3A_536 = tpu.vector_load %arg9[%get3A_535] {strides = array<i32>} : memref<216xi32, #tpu.memory_space<vmem>>, vector<16xi32>,
      %get3A_537 = arith.constant 96 : index
      %get3A_538 = tpu.vector_load %arg10[%get3A_537] {strides = array<i32>} : memref<208xf32, #tpu.memory_space<vmem>>, vector<16xf32>,
      %and3A_539 = arith.constant 16383 : i32
      %and3A_540 = vector.broadcast %and3A_539 : i32 to vector<16xi32>
      %and3A_541 = arith.andi %get3A_534, %and3A_540 : vector<16xi32>
      %ne3A_542 = arith.cmpi ne, %get3A_534, %get3A_536 : vector<16xi32>
      %gt3A_543 = arith.constant -1 : i32
      %gt3A_544 = vector.broadcast %gt3A_543 : i32 to vector<16xi32>
      %gt3A_545 = arith.cmpi sgt, %get3A_534, %gt3A_544 : vector<16xi32>
      %and3A_546 = arith.andi %ne3A_542, %gt3A_545 : vector<16xi1>
      tpu.vector_store_idx %arg12[%and3A_541], %get3A_538 masked %and3A_546 : memref<16384xf32, #tpu.memory_space<vmem>>[vector<16xi32>], vector<16xf32>, vector<16xi1>
      %swap3A_547 = arith.constant 96 : index
      %swap3A_548 = tpu.vector_load %arg11[%swap3A_547] {strides = array<i32>} : memref<208xi32, #tpu.memory_space<vmem>>, vector<16xi32>,
      tpu.vector_store %arg11[%swap3A_547], %and3A_541 {strides = array<i32>} : memref<208xi32, #tpu.memory_space<vmem>>, vector<16xi32>,
      %get3A_549 = arith.constant 112 : index
      %get3A_550 = tpu.vector_load %arg9[%get3A_549] {strides = array<i32>} : memref<216xi32, #tpu.memory_space<vmem>>, vector<16xi32>,
      %get3A_551 = arith.constant 113 : index
      %get3A_552 = tpu.vector_load %arg9[%get3A_551] {strides = array<i32>} : memref<216xi32, #tpu.memory_space<vmem>>, vector<16xi32>,
      %get3A_553 = arith.constant 112 : index
      %get3A_554 = tpu.vector_load %arg10[%get3A_553] {strides = array<i32>} : memref<208xf32, #tpu.memory_space<vmem>>, vector<16xf32>,
      %and3A_555 = arith.constant 16383 : i32
      %and3A_556 = vector.broadcast %and3A_555 : i32 to vector<16xi32>
      %and3A_557 = arith.andi %get3A_550, %and3A_556 : vector<16xi32>
      %ne3A_558 = arith.cmpi ne, %get3A_550, %get3A_552 : vector<16xi32>
      %gt3A_559 = arith.constant -1 : i32
      %gt3A_560 = vector.broadcast %gt3A_559 : i32 to vector<16xi32>
      %gt3A_561 = arith.cmpi sgt, %get3A_550, %gt3A_560 : vector<16xi32>
      %and3A_562 = arith.andi %ne3A_558, %gt3A_561 : vector<16xi1>
      tpu.vector_store_idx %arg12[%and3A_557], %get3A_554 masked %and3A_562 : memref<16384xf32, #tpu.memory_space<vmem>>[vector<16xi32>], vector<16xf32>, vector<16xi1>
      %swap3A_563 = arith.constant 112 : index
      %swap3A_564 = tpu.vector_load %arg11[%swap3A_563] {strides = array<i32>} : memref<208xi32, #tpu.memory_space<vmem>>, vector<16xi32>,
      tpu.vector_store %arg11[%swap3A_563], %and3A_557 {strides = array<i32>} : memref<208xi32, #tpu.memory_space<vmem>>, vector<16xi32>,
      %get3A_565 = arith.constant 128 : index
      %get3A_566 = tpu.vector_load %arg9[%get3A_565] {strides = array<i32>} : memref<216xi32, #tpu.memory_space<vmem>>, vector<16xi32>,
      %get3A_567 = arith.constant 129 : index
      %get3A_568 = tpu.vector_load %arg9[%get3A_567] {strides = array<i32>} : memref<216xi32, #tpu.memory_space<vmem>>, vector<16xi32>,
      %get3A_569 = arith.constant 128 : index
      %get3A_570 = tpu.vector_load %arg10[%get3A_569] {strides = array<i32>} : memref<208xf32, #tpu.memory_space<vmem>>, vector<16xf32>,
      %and3A_571 = arith.constant 16383 : i32
      %and3A_572 = vector.broadcast %and3A_571 : i32 to vector<16xi32>
      %and3A_573 = arith.andi %get3A_566, %and3A_572 : vector<16xi32>
      %ne3A_574 = arith.cmpi ne, %get3A_566, %get3A_568 : vector<16xi32>
      %gt3A_575 = arith.constant -1 : i32
      %gt3A_576 = vector.broadcast %gt3A_575 : i32 to vector<16xi32>
      %gt3A_577 = arith.cmpi sgt, %get3A_566, %gt3A_576 : vector<16xi32>
      %and3A_578 = arith.andi %ne3A_574, %gt3A_577 : vector<16xi1>
      tpu.vector_store_idx %arg12[%and3A_573], %get3A_570 masked %and3A_578 : memref<16384xf32, #tpu.memory_space<vmem>>[vector<16xi32>], vector<16xf32>, vector<16xi1>
      %swap3A_579 = arith.constant 128 : index
      %swap3A_580 = tpu.vector_load %arg11[%swap3A_579] {strides = array<i32>} : memref<208xi32, #tpu.memory_space<vmem>>, vector<16xi32>,
      tpu.vector_store %arg11[%swap3A_579], %and3A_573 {strides = array<i32>} : memref<208xi32, #tpu.memory_space<vmem>>, vector<16xi32>,
      %get3A_581 = arith.constant 144 : index
      %get3A_582 = tpu.vector_load %arg9[%get3A_581] {strides = array<i32>} : memref<216xi32, #tpu.memory_space<vmem>>, vector<16xi32>,
      %get3A_583 = arith.constant 145 : index
      %get3A_584 = tpu.vector_load %arg9[%get3A_583] {strides = array<i32>} : memref<216xi32, #tpu.memory_space<vmem>>, vector<16xi32>,
      %get3A_585 = arith.constant 144 : index
      %get3A_586 = tpu.vector_load %arg10[%get3A_585] {strides = array<i32>} : memref<208xf32, #tpu.memory_space<vmem>>, vector<16xf32>,
      %and3A_587 = arith.constant 16383 : i32
      %and3A_588 = vector.broadcast %and3A_587 : i32 to vector<16xi32>
      %and3A_589 = arith.andi %get3A_582, %and3A_588 : vector<16xi32>
      %ne3A_590 = arith.cmpi ne, %get3A_582, %get3A_584 : vector<16xi32>
      %gt3A_591 = arith.constant -1 : i32
      %gt3A_592 = vector.broadcast %gt3A_591 : i32 to vector<16xi32>
      %gt3A_593 = arith.cmpi sgt, %get3A_582, %gt3A_592 : vector<16xi32>
      %and3A_594 = arith.andi %ne3A_590, %gt3A_593 : vector<16xi1>
      tpu.vector_store_idx %arg12[%and3A_589], %get3A_586 masked %and3A_594 : memref<16384xf32, #tpu.memory_space<vmem>>[vector<16xi32>], vector<16xf32>, vector<16xi1>
      %swap3A_595 = arith.constant 144 : index
      %swap3A_596 = tpu.vector_load %arg11[%swap3A_595] {strides = array<i32>} : memref<208xi32, #tpu.memory_space<vmem>>, vector<16xi32>,
      tpu.vector_store %arg11[%swap3A_595], %and3A_589 {strides = array<i32>} : memref<208xi32, #tpu.memory_space<vmem>>, vector<16xi32>,
      %get3A_597 = arith.constant 160 : index
      %get3A_598 = tpu.vector_load %arg9[%get3A_597] {strides = array<i32>} : memref<216xi32, #tpu.memory_space<vmem>>, vector<16xi32>,
      %get3A_599 = arith.constant 161 : index
      %get3A_600 = tpu.vector_load %arg9[%get3A_599] {strides = array<i32>} : memref<216xi32, #tpu.memory_space<vmem>>, vector<16xi32>,
      %get3A_601 = arith.constant 160 : index
      %get3A_602 = tpu.vector_load %arg10[%get3A_601] {strides = array<i32>} : memref<208xf32, #tpu.memory_space<vmem>>, vector<16xf32>,
      %and3A_603 = arith.constant 16383 : i32
      %and3A_604 = vector.broadcast %and3A_603 : i32 to vector<16xi32>
      %and3A_605 = arith.andi %get3A_598, %and3A_604 : vector<16xi32>
      %ne3A_606 = arith.cmpi ne, %get3A_598, %get3A_600 : vector<16xi32>
      %gt3A_607 = arith.constant -1 : i32
      %gt3A_608 = vector.broadcast %gt3A_607 : i32 to vector<16xi32>
      %gt3A_609 = arith.cmpi sgt, %get3A_598, %gt3A_608 : vector<16xi32>
      %and3A_610 = arith.andi %ne3A_606, %gt3A_609 : vector<16xi1>
      tpu.vector_store_idx %arg12[%and3A_605], %get3A_602 masked %and3A_610 : memref<16384xf32, #tpu.memory_space<vmem>>[vector<16xi32>], vector<16xf32>, vector<16xi1>
      %swap3A_611 = arith.constant 160 : index
      %swap3A_612 = tpu.vector_load %arg11[%swap3A_611] {strides = array<i32>} : memref<208xi32, #tpu.memory_space<vmem>>, vector<16xi32>,
      tpu.vector_store %arg11[%swap3A_611], %and3A_605 {strides = array<i32>} : memref<208xi32, #tpu.memory_space<vmem>>, vector<16xi32>,
      %get3A_613 = arith.constant 176 : index
      %get3A_614 = tpu.vector_load %arg9[%get3A_613] {strides = array<i32>} : memref<216xi32, #tpu.memory_space<vmem>>, vector<16xi32>,
      %get3A_615 = arith.constant 177 : index
      %get3A_616 = tpu.vector_load %arg9[%get3A_615] {strides = array<i32>} : memref<216xi32, #tpu.memory_space<vmem>>, vector<16xi32>,
      %get3A_617 = arith.constant 176 : index
      %get3A_618 = tpu.vector_load %arg10[%get3A_617] {strides = array<i32>} : memref<208xf32, #tpu.memory_space<vmem>>, vector<16xf32>,
      %and3A_619 = arith.constant 16383 : i32
      %and3A_620 = vector.broadcast %and3A_619 : i32 to vector<16xi32>
      %and3A_621 = arith.andi %get3A_614, %and3A_620 : vector<16xi32>
      %ne3A_622 = arith.cmpi ne, %get3A_614, %get3A_616 : vector<16xi32>
      %gt3A_623 = arith.constant -1 : i32
      %gt3A_624 = vector.broadcast %gt3A_623 : i32 to vector<16xi32>
      %gt3A_625 = arith.cmpi sgt, %get3A_614, %gt3A_624 : vector<16xi32>
      %and3A_626 = arith.andi %ne3A_622, %gt3A_625 : vector<16xi1>
      tpu.vector_store_idx %arg12[%and3A_621], %get3A_618 masked %and3A_626 : memref<16384xf32, #tpu.memory_space<vmem>>[vector<16xi32>], vector<16xf32>, vector<16xi1>
      %swap3A_627 = arith.constant 176 : index
      %swap3A_628 = tpu.vector_load %arg11[%swap3A_627] {strides = array<i32>} : memref<208xi32, #tpu.memory_space<vmem>>, vector<16xi32>,
      tpu.vector_store %arg11[%swap3A_627], %and3A_621 {strides = array<i32>} : memref<208xi32, #tpu.memory_space<vmem>>, vector<16xi32>,
      %get3A_629 = arith.constant 192 : index
      %get3A_630 = tpu.vector_load %arg9[%get3A_629] {strides = array<i32>} : memref<216xi32, #tpu.memory_space<vmem>>, vector<16xi32>,
      %get3A_631 = arith.constant 193 : index
      %get3A_632 = tpu.vector_load %arg9[%get3A_631] {strides = array<i32>} : memref<216xi32, #tpu.memory_space<vmem>>, vector<16xi32>,
      %get3A_633 = arith.constant 192 : index
      %get3A_634 = tpu.vector_load %arg10[%get3A_633] {strides = array<i32>} : memref<208xf32, #tpu.memory_space<vmem>>, vector<16xf32>,
      %and3A_635 = arith.constant 16383 : i32
      %and3A_636 = vector.broadcast %and3A_635 : i32 to vector<16xi32>
      %and3A_637 = arith.andi %get3A_630, %and3A_636 : vector<16xi32>
      %ne3A_638 = arith.cmpi ne, %get3A_630, %get3A_632 : vector<16xi32>
      %gt3A_639 = arith.constant -1 : i32
      %gt3A_640 = vector.broadcast %gt3A_639 : i32 to vector<16xi32>
      %gt3A_641 = arith.cmpi sgt, %get3A_630, %gt3A_640 : vector<16xi32>
      %and3A_642 = arith.andi %ne3A_638, %gt3A_641 : vector<16xi1>
      tpu.vector_store_idx %arg12[%and3A_637], %get3A_634 masked %and3A_642 : memref<16384xf32, #tpu.memory_space<vmem>>[vector<16xi32>], vector<16xf32>, vector<16xi1>
      %swap3A_643 = arith.constant 192 : index
      %swap3A_644 = tpu.vector_load %arg11[%swap3A_643] {strides = array<i32>} : memref<208xi32, #tpu.memory_space<vmem>>, vector<16xi32>,
      tpu.vector_store %arg11[%swap3A_643], %and3A_637 {strides = array<i32>} : memref<208xi32, #tpu.memory_space<vmem>>, vector<16xi32>,
      %dma_start3A_645 = arith.constant 0 : i32
      %dma_start3A_646 = tpu.memref_slice %arg4[%add3A_389, %dma_start3A_645] : memref<2048x16384xf32, #tpu.memory_space<hbm>> -> memref<1x16384xf32, #tpu.memory_space<hbm>>
      %dma_start3A_647 = tpu.memref_squeeze %dma_start3A_646 : memref<1x16384xf32, #tpu.memory_space<hbm>> -> memref<16384xf32, #tpu.memory_space<hbm>>
      %dma_start3A_648 = arith.constant 0 : i32
      %dma_start3A_649 = tpu.memref_slice %arg4[%add3A_389, %dma_start3A_648] : memref<2048x16384xf32, #tpu.memory_space<hbm>> -> memref<1x16384xf32, #tpu.memory_space<hbm>>
      %dma_start3A_650 = tpu.memref_squeeze %dma_start3A_649 : memref<1x16384xf32, #tpu.memory_space<hbm>> -> memref<16384xf32, #tpu.memory_space<hbm>>
      tpu.enqueue_dma source(%arg12 : memref<16384xf32, #tpu.memory_space<vmem>>) target(%dma_start3A_650 : memref<16384xf32, #tpu.memory_space<hbm>>) target_semaphore(%arg16 : memref<!tpu.dma_semaphore, #tpu.memory_space<semaphore_mem>>)
      %add3A_651 = arith.constant 2 : i32
      %add3A_652 = arith.addi %add3A_388, %add3A_651 : i32
      %lt3A_653 = arith.constant 64 : i32
      %lt3A_654 = arith.cmpi slt, %add3A_652, %lt3A_653 : i32
      %convert_element_type3A_655 = arith.extui %lt3A_654 : i1 to i32
      %cond3A_656 = arith.constant 0 : i32
      %cond3A_657 = arith.cmpi ne, %convert_element_type3A_655, %cond3A_656 : i32
      scf.if %cond3A_657 {
        %add3A_659 = arith.constant 2 : i32
        %add3A_660 = arith.addi %add3A_389, %add3A_659 : i32
        %mul3A_661 = arith.constant 200 : i32
        %mul3A_662 = arith.muli %add3A_660, %mul3A_661 : i32
        %dma_start3A_663 = arith.constant 0 : i32
        %dma_start3A_664 = tpu.memref_slice %arg9[%dma_start3A_663] : memref<216xi32, #tpu.memory_space<vmem>> -> memref<200xi32, #tpu.memory_space<vmem>>
        %dma_start3A_665 = tpu.memref_slice %arg2[%mul3A_662] : memref<409600xi32, #tpu.memory_space<hbm>> -> memref<200xi32, #tpu.memory_space<hbm>>
        %dma_start3A_666 = arith.constant 0 : i32
        %dma_start3A_667 = tpu.memref_slice %arg9[%dma_start3A_666] : memref<216xi32, #tpu.memory_space<vmem>> -> memref<200xi32, #tpu.memory_space<vmem>>
        %dma_start3A_668 = tpu.memref_slice %arg2[%mul3A_662] : memref<409600xi32, #tpu.memory_space<hbm>> -> memref<200xi32, #tpu.memory_space<hbm>>
        tpu.enqueue_dma source(%dma_start3A_668 : memref<200xi32, #tpu.memory_space<hbm>>) target(%dma_start3A_667 : memref<200xi32, #tpu.memory_space<vmem>>) target_semaphore(%arg15 : memref<!tpu.dma_semaphore, #tpu.memory_space<semaphore_mem>>)
        %mul3A_669 = arith.constant 200 : i32
        %mul3A_670 = arith.muli %add3A_660, %mul3A_669 : i32
        %dma_start3A_671 = arith.constant 0 : i32
        %dma_start3A_672 = tpu.memref_slice %arg10[%dma_start3A_671] : memref<208xf32, #tpu.memory_space<vmem>> -> memref<200xf32, #tpu.memory_space<vmem>>
        %dma_start3A_673 = tpu.memref_slice %arg3[%mul3A_670] : memref<409600xf32, #tpu.memory_space<hbm>> -> memref<200xf32, #tpu.memory_space<hbm>>
        %dma_start3A_674 = arith.constant 0 : i32
        %dma_start3A_675 = tpu.memref_slice %arg10[%dma_start3A_674] : memref<208xf32, #tpu.memory_space<vmem>> -> memref<200xf32, #tpu.memory_space<vmem>>
        %dma_start3A_676 = tpu.memref_slice %arg3[%mul3A_670] : memref<409600xf32, #tpu.memory_space<hbm>> -> memref<200xf32, #tpu.memory_space<hbm>>
        tpu.enqueue_dma source(%dma_start3A_676 : memref<200xf32, #tpu.memory_space<hbm>>) target(%dma_start3A_675 : memref<200xf32, #tpu.memory_space<vmem>>) target_semaphore(%arg15 : memref<!tpu.dma_semaphore, #tpu.memory_space<semaphore_mem>>)
      } else {
      }
      %scan3A_658 = arith.constant 0 : i32
      scf.yield %scan3A_658 : i32
    }
    %scan3A_108 = arith.constant 32 : i32
    %dma_wait3A = arith.constant 0 : i32
    %dma_wait3A_109 = tpu.memref_slice %arg4[%mul3A_2, %dma_wait3A] : memref<2048x16384xf32, #tpu.memory_space<hbm>> -> memref<1x16384xf32, #tpu.memory_space<hbm>>
    %dma_wait3A_110 = tpu.memref_squeeze %dma_wait3A_109 : memref<1x16384xf32, #tpu.memory_space<hbm>> -> memref<16384xf32, #tpu.memory_space<hbm>>
    %dma_wait3A_111 = arith.constant 0 : i32
    %dma_wait3A_112 = tpu.memref_slice %arg4[%mul3A_2, %dma_wait3A_111] : memref<2048x16384xf32, #tpu.memory_space<hbm>> -> memref<1x16384xf32, #tpu.memory_space<hbm>>
    %dma_wait3A_113 = tpu.memref_squeeze %dma_wait3A_112 : memref<1x16384xf32, #tpu.memory_space<hbm>> -> memref<16384xf32, #tpu.memory_space<hbm>>
    tpu.wait_dma2 semaphore(%arg14 : memref<!tpu.dma_semaphore, #tpu.memory_space<semaphore_mem>>) src(%arg8 : memref<16384xf32, #tpu.memory_space<vmem>>) dst(%dma_wait3A_113 : memref<16384xf32, #tpu.memory_space<hbm>>)
    %dma_wait3A_114 = arith.constant 0 : i32
    %dma_wait3A_115 = tpu.memref_slice %arg4[%mul3A_2, %dma_wait3A_114] : memref<2048x16384xf32, #tpu.memory_space<hbm>> -> memref<1x16384xf32, #tpu.memory_space<hbm>>
    %dma_wait3A_116 = tpu.memref_squeeze %dma_wait3A_115 : memref<1x16384xf32, #tpu.memory_space<hbm>> -> memref<16384xf32, #tpu.memory_space<hbm>>
    %dma_wait3A_117 = arith.constant 0 : i32
    %dma_wait3A_118 = tpu.memref_slice %arg4[%mul3A_2, %dma_wait3A_117] : memref<2048x16384xf32, #tpu.memory_space<hbm>> -> memref<1x16384xf32, #tpu.memory_space<hbm>>
    %dma_wait3A_119 = tpu.memref_squeeze %dma_wait3A_118 : memref<1x16384xf32, #tpu.memory_space<hbm>> -> memref<16384xf32, #tpu.memory_space<hbm>>
    tpu.wait_dma2 semaphore(%arg16 : memref<!tpu.dma_semaphore, #tpu.memory_space<semaphore_mem>>) src(%arg12 : memref<16384xf32, #tpu.memory_space<vmem>>) dst(%dma_wait3A_119 : memref<16384xf32, #tpu.memory_space<hbm>>)
    return
  }
}

</mosaic_0001>

<sc_bundles>
// kernel: kernel.4.cloned.1.call-start
scs
__scs_entry_jumppad:
0x0: {  	(pc) =	sbr.rel $0x88, $3  }
0x1: {  	(tag) =	ssettag $0x0;
	lr =	simm.s32 $0x1  }
0x2: {  	[smem:$0x3FA0] =	sst lr;
	_ =	strace $0xD0000000  }
0x3: {  	_ = 	snop  }
0x4: {  	_ = 	snop  }
0x5: {  	_ = 	snop  }
0x6: {  	_ = 	snop  }
0x7: {  	_ = 	snop  }
__scs_overlays_trampoline_lowered:
0x8: {  	[smem:$0x3FAF] =	sst s0  }
0x9: {  	[smem:$0x3FB0] =	sst s1  }
0xa: {  	[smem:$0x3FB1] =	sst s2  }
0xb: {  	[smem:$0x3FB2] =	sst s3  }
0xc: {  	[smem:$0x3FB3] =	sst s4  }
0xd: {  	[smem:$0x3FB4] =	sst s5  }
0xe: {  	[smem:$0x3FB5] =	sst s6  }
0xf: {  	[smem:$0x3FB6] =	sst s7  }
0x10: {  	[smem:$0x3FB7] =	sst s8  }
0x11: {  	[smem:$0x3FB8] =	sst s9;
	s0 =	simm.s32 @!p0 $0x0  }
0x12: {  	s1 =	sld [smem:$0x3F9E];
	s0 =	simm.s32 @p0 $0x1  }
0x13: {  	[smem:$0x3FB9] =	sst s0;
	s0 =	simm.s32 @!p1 $0x0  }
0x14: {  	s2 =	sld [smem:$0x3F9D];
	s0 =	simm.s32 @p1 $0x1  }
0x15: {  	[smem:$0x3FBA] =	sst s0;
	s0 =	simm.s32 @!p2 $0x0  }
0x16: {  	s3 =	sld [smem:$0x3FDB];
	s0 =	simm.s32 @p2 $0x1  }
0x17: {  	s4 =	simm.s32 $0x1BF5;
	[smem:$0x3FBC] =	sst s0  }
0x18: {  	s0 =	sld [smem:$0x3F9F];
	_ =	swait.ge [sflag:s4], $0x0  }
0x19: {  	s7 =	sld [smem:$0x3FA0]  }
0x1a: {  	s8 =	sadd.s32 $0xFFFFE003, lr  }
0x1b: {  	s9 =	sadd.s32 $0xFFFFFEF7, lr;
	s5 =	simm.s32 $0xFFFFFFFF;
	p2 =	slt.u32 s8, $0xFFFFF086  }
0x1c: {  	p1 =	slt.u32 s9, $0xF7A;
	s5 =	simm.s32 @!p2 $0x0  }
0x1d: {  	s5 =	simm.s32 @p1 $0x1;
	p0 =	seq.s32 s7, s2  }
0x1e: {  	s7 =	smul.u32 @!p0 $0xF7A, s2;
	p2 =	seq.s32 @!p0 s5, $0x0  }
0x1f: {  	s9 =	smul.u32 $0xF7A, s1;
	s8 =	simm.s32 @!p0 $0x1BF5;
	p2 =	por !p2, p0  }
0x20: {  	[sflag:s8] =	ssyncset.s32 @!p0 $0xFFFFF086;
	s6 =	sadd.s32 @!p0 s3, s7;
	s7 =	simm.s32 @!p0 $0x108  }
0x21: {  	s3 =	sadd.s32 s3, s9;
	s6 =	sadd.s32 @!p0 $0x88, s6;
	s7 =	simm.s32 @p2 $0x1082  }
0x22: {  	[simem:s7], [sflag:s8] =	dma.local @!p0 [hbm:s6], $0xF7A  }
0x23: {  	s9 =	sor.u32 $0xD0000000, s2;
	s6 =	simm.s32 $0x108;
	_ =	swait.ge @!p0 [sflag:s8], $0x0  }
0x24: {  	s3 =	sadd.s32 $0x88, s3;
	s6 =	simm.s32 @!p1 $0x1082;
	[sflag:s4] =	ssyncset.s32 $0xFFFFF086  }
0x25: {  	[simem:s6], [sflag:s4] =	dma.local [hbm:s3], $0xF7A  }
0x26: {  	[smem:$0x3FA0] =	sst s1;
	(tag) =	ssettag s2;
	_ =	strace s9  }
0x27: {  	s1 =	sld [smem:$0x3FB0]  }
0x28: {  	s2 =	sld [smem:$0x3FB1]  }
0x29: {  	s4 =	sld [smem:$0x3FB3]  }
0x2a: {  	p0 =	seq.s32 s5, $0x0;
	s5 =	sld [smem:$0x3FB4]  }
0x2b: {  	s6 =	sld [smem:$0x3FB5]  }
0x2c: {  	s7 =	sld [smem:$0x3FB6]  }
0x2d: {  	s3 =	simm.s32 $0x108;
	s8 =	sld [smem:$0x3FB7]  }
0x2e: {  	s3 =	simm.s32 @!p0 $0x1082;
	s9 =	sld [smem:$0x3FB8]  }
0x2f: {  	lr =	sadd.s32 s0, s3;
	s0 =	sld [smem:$0x3FAF]  }
0x30: {  	s3 =	sld [smem:$0x3FB2]  }
0x31: {  	[smem:$0x3FBB] =	sst s10  }
0x32: {  	s10 =	sld [smem:$0x3FB9];
	_ =	sdelay $0x3  }
0x33: {  	p0 =	seq.s32 s10, $0x1;
	s10 =	sld [smem:$0x3FBB];
	_ =	sdelay $0x3  }
0x34: {  	[smem:$0x3FBB] =	sst s10  }
0x35: {  	s10 =	sld [smem:$0x3FBA];
	_ =	sdelay $0x3  }
0x36: {  	p1 =	seq.s32 s10, $0x1;
	s10 =	sld [smem:$0x3FBB];
	_ =	sdelay $0x3  }
0x37: {  	[smem:$0x3FBB] =	sst s10  }
0x38: {  	s10 =	sld [smem:$0x3FBC]  }
0x39: {  	_ = 	snop;
	(pc) =	sbr.ind lr, $3  }
0x3a: {  	_ = 	snop  }
0x3b: {  	_ = 	snop  }
0x3c: {  	p2 =	seq.s32 s10, $0x1;
	s10 =	sld [smem:$0x3FBB]  }
0x3d: {  	_ =	shalt  }
0x3e: {  	_ =	shalt  }
0x3f: {  	_ =	shalt  }
0x40: {  	_ =	shalt  }
0x41: {  	_ =	shalt  }
0x42: {  	_ =	shalt  }
0x43: {  	_ =	shalt  }
0x44: {  	_ =	shalt  }
0x45: {  	_ =	shalt  }
0x46: {  	_ =	shalt  }
0x47: {  	_ =	shalt  }
0x48: {  	_ =	shalt  }
0x49: {  	_ =	shalt  }
0x4a: {  	_ =	shalt  }
0x4b: {  	_ =	shalt  }
0x4c: {  	_ =	shalt  }
0x4d: {  	_ =	shalt  }
0x4e: {  	_ =	shalt  }
0x4f: {  	_ =	shalt  }
0x50: {  	_ =	shalt  }
0x51: {  	_ =	shalt  }
0x52: {  	_ =	shalt  }
0x53: {  	_ =	shalt  }
0x54: {  	_ =	shalt  }
0x55: {  	_ =	shalt  }
0x56: {  	_ =	shalt  }
0x57: {  	_ =	shalt  }
0x58: {  	_ =	shalt  }
0x59: {  	_ =	shalt  }
0x5a: {  	_ =	shalt  }
0x5b: {  	_ =	shalt  }
0x5c: {  	_ =	shalt  }
0x5d: {  	_ =	shalt  }
0x5e: {  	_ =	shalt  }
0x5f: {  	_ =	shalt  }
0x60: {  	_ =	shalt  }
0x61: {  	_ =	shalt  }
0x62: {  	_ =	shalt  }
0x63: {  	_ =	shalt  }
0x64: {  	_ =	shalt  }
0x65: {  	_ =	shalt  }
0x66: {  	_ =	shalt  }
0x67: {  	_ =	shalt  }
0x68: {  	_ =	shalt  }
0x69: {  	_ =	shalt  }
0x6a: {  	_ =	shalt  }
0x6b: {  	_ =	shalt  }
0x6c: {  	_ =	shalt  }
0x6d: {  	_ =	shalt  }
0x6e: {  	_ =	shalt  }
0x6f: {  	_ =	shalt  }
0x70: {  	_ =	shalt  }
0x71: {  	_ =	shalt  }
0x72: {  	_ =	shalt  }
0x73: {  	_ =	shalt  }
0x74: {  	_ =	shalt  }
0x75: {  	_ =	shalt  }
0x76: {  	_ =	shalt  }
0x77: {  	_ =	shalt  }
0x78: {  	_ =	shalt  }
0x79: {  	_ =	shalt  }
0x7a: {  	_ =	shalt  }
0x7b: {  	_ =	shalt  }
0x7c: {  	_ =	shalt  }
0x7d: {  	_ =	shalt  }
0x7e: {  	_ =	shalt  }
0x7f: {  	_ =	shalt  }
0x80: {  	_ =	shalt  }
0x81: {  	_ =	shalt  }
0x82: {  	_ =	shalt  }
0x83: {  	_ =	shalt  }
0x84: {  	_ =	shalt  }
0x85: {  	_ =	shalt  }
0x86: {  	_ =	shalt  }
0x87: {  	_ =	shalt  }
.Lfunc_end0:
.L_simem_size_0:
called_computation_lowered:
.L_overlay_start_0:
0x88: {  	s2 =	sld [smem:$0x3FD9]  }
0x89: {  	s3 =	sld [smem:$0x3FFE];
	_ =	sdelay $0x1  }
0x8a: {  	s1 =	srdreg.scid  }
0x8b: {  	s0 =	sand.u32 $0x1, s1  }
0x8c: {  	s17 =	sshll.u32 s0, $0xA;
	s2 =	sadd.s32 s3, s2  }
0x8d: {  	s2 =	sadd.s32 s2, s17  }
0x8e: {  	[smem:$0x3FC7] =	sst s2  }
0x8f: {  	_ = 	snop  }
0x90: {  	s2 =	sld [smem:$0x3FC9]  }
0x91: {  	s18 =	sld [smem:$0x3FD0];
	(tm) =	ssettm $0x1  }
0x92: {  	s4 =	sld [smem:$0x3FFB];
	_ =	sdelay $0x3  }
0x93: {  	_ =	strace s4  }
0x94: {  	s4 =	sld [smem:$0x3FFC];
	_ =	sdelay $0x3  }
0x95: {  	_ =	strace s4  }
0x96: {  	s4 =	sld [smem:$0x3FFD];
	_ =	sdelay $0x3  }
0x97: {  	_ =	strace s4  }
0x98: {  	_ =	strace $0x8FFFFFFF  }
0x99: {  	s19 =	sld [smem:$0x3FDB];
	_ =	sdelay $0x1  }
0x9a: {  	s5 =	simm.s32 $_scs_section_size  }
0x9b: {  	s6 =	simm.s32 $_size__tile_overlayer_lowered;
	s7 =	simm.s32 $_tile_overlayer_lowered  }
0x9c: {  	s22 =	simm.s32 $0x1BFF;
	s21 =	sshll.u32 s7, $0x1;
	s4 =	sadd.s32 s5, s19  }
0x9d: {  	s8 =	simm.s32 $0x0;
	s20 =	sshll.u32 s6, $0x1;
	s6 =	sadd.s32 s21, s4  }
0x9e: {  	[timem:s8], [sflag:s22] =	dma.local [hbm:s6], s20  }
0x9f: {  	_ =	swait.ge [sflag:s22], s20  }
0xa0: {  	s5 =	ssub.s32 $0x0, s20;
	[sflag:s22] =	ssyncset.done $0x0  }
0xa1: {  	[sflag:s22] =	ssyncadd.s32 s5;
	_ =	sdelay $0x1  }
0xa2: {  	s23 =	simm.s32 $0x1B8B  }
0xa3: {  	_ =	swait.ge [sflag:s23], $0x1  }
0xa4: {  	[sflag:s23] =	ssyncset.done $0x0  }
0xa5: {  	s25 =	simm.s32 $0x1B8E;
	s24 =	sld [smem:$0x3FFE];
	[sflag:s23] =	ssyncadd.s32 $0xFFFFFFFF  }
0xa6: {  	s26 =	simm.s32 $execute0_lowered;
	[smem:$0x3FD2] =	sst s25  }
0xa7: {  	s6 =	sshll.u32 s26, $0x1;
	_ =	strace $0x80000046;
	[dreg:$0x1] =	wrdreg $0xFFFFFFFF  }
0xa8: {  	s28 =	simm.s32 $_size_execute0_lowered;
	s4 =	sadd.s32 s4, s6;
	[dreg:$0x0] =	wrdreg $0x0  }
0xa9: {  	s6 =	sshll.u32 s28, $0x1;
	[dreg:$0x2] =	wrdreg s4  }
0xaa: {  	[dreg:$0x3] =	wrdreg s6  }
0xab: {  	[dreg:$0x4] =	wrdreg $0xC0  }
0xac: {  	_ =	task [dreg:s8], $0x5FFFF  }
0xad: {  	[dreg:$0x1] =	wrdreg $0xFFFFFFFF  }
0xae: {  	[dreg:$0x0] =	wrdreg $0x60  }
0xaf: {  	[dreg:$0x2] =	wrdreg s2  }
0xb0: {  	[dreg:$0x3] =	wrdreg s18  }
0xb1: {  	[dreg:$0x4] =	wrdreg s24  }
0xb2: {  	[dreg:$0x5] =	wrdreg $0x9  }
0xb3: {  	_ =	task.clear_ibuf [dreg:s8], $0x6FFFF;
	_ =	strace $0x90000046  }
0xb4: {  	s29 =	simm.s32 $0x9;
	_ =	strace $0x80000048  }
0xb5: {  	_ =	swait.ge [sflag:s29], $0x1  }
0xb6: {  	[sflag:s29] =	ssyncadd.s32 $0xFFFFFFFF  }
0xb7: {  	_ =	strace $0x90000048  }
0xb8: {  	_ =	sfence  }
0xb9: {  	s30 =	sld [smem:$0x0];
	_ =	sdelay $0x2  }
0xba: {  	s31 =	sshll.u32 s1, $0xD;
	s1 =	sshrl.u32 s1, $0x2  }
0xbb: {  	s3 =	sand.u32 $0x4000, s31;
	s1 =	sadd.s32 s1, s30  }
0xbc: {  	s0 =	sor.u32 s3, s0;
	s1 =	sshll.u32 s1, $0x11  }
0xbd: {  	s0 =	sor.u32 s1, s0  }
0xbe: {  	s0 =	sadd.s32 $0x8F2B, s0  }
0xbf: {  	[sflag:s0] =	ssyncadd.remote.s32 $0x1  }
0xc0: {  	_ =	sfence.sel $0xFFFF  }
0xc1: {  	[dreg:$0x0] =	wrdreg $0xFFFFFFFF;
	(pc) =	sbr.abs _section_cstart, $3  }
0xc2: {  	[dreg:$0x1] =	wrdreg $0xFFFFFFFF  }
0xc3: {  	_ =	task.clear_ibuf [dreg:s8], $0x2FFFF;
	_ =	strace $0x9FFFFFFF  }
0xc4: {  	(tm) =	ssettm $0x7FFFFFFF  }
0xc5: {  	_ =	shalt  }
tec
execute0_lowered:
.L_overlay_start_1:
0x0: {  	(tag) =	ssettag $0x1  }
0x1: {  	s0 =	srdreg.scid;
	s7 =	rddreg [dreg:$0x0]  }
0x2: {  	s2 =	stileid.u32;
	s8 =	rddreg [dreg:$0x1]  }
0x3: {  	s4 =	rddreg [dreg:$0x2];
	s17 =	simm.s32 $0x400;
	s18 =	simm.s32 $0x4000  }
0x4: {  	s19 =	simm.s32 $0x1C00;
	s20 =	simm.s32 $0x3800;
	s21 =	simm.s32 $0xB800  }
0x5: {  	s22 =	simm.s32 $0xD000;
	s23 =	simm.s32 $0xE800;
	s0 =	sand.u32 $0x1, s0  }
0x6: {  	s24 =	simm.s32 $0x5400;
	s28 =	simm.s32 $0x2;
	s1 =	sor.u32 s0, s2  }
0x7: {  	s29 =	simm.s32 $0x4;
	p1 =	seq.s32 s0, $0x1;
	p0 =	seq.s32 s1, $0x0  }
0x8: {  	s30 =	simm.s32 $0x0;
	s15 =	sshll.u32 s0, $0x6;
	p0 =	por !p0, !p1  }
0x9: {  	s0 =	ssub.s32 $0x2, s0;
	s1 =	simm.s32 $0x1;
	p0 =	por !p0, !p0  }
0xa: {  	s25 =	sshrl.u32 s0, $0x1;
	s16 =	sor.u32 $0xD020, s15;
	s1 =	simm.s32 @!p0 $0x0  }
0xb: {  	s0 =	ssub.s32 s0, s25;
	s1 =	ssub.s32 s2, s1;
	s2 =	simm.s32 $0x0  }
0xc: {  	s25 =	simm.s32 $0x8600;
	s3 =	sshll.u32 s1, $0x7;
	[smem:$0x7FF] =	sst s2  }
0xd: {  	s1 =	sshll.u32 s1, $0xA;
	s12 =	sor.u32 s15, s3;
	_ =	strace $0x80000047  }
0xe: {  	s3 =	simm.s32 $0x1;
	s26 =	sshrl.u32 s1, $0x3;
	s5 =	smul.u32 $0xC8, s12  }
0xf: {  	v1 =	vlaneseq.u32;
	s31 =	sadd.s32 $0x1C000, s1;
	s6 =	sadd.s32 $0x34000, s1;
	s1 =	sadd.s32 $0x4C000, s1  }
0x10: {  	v2 =	vmul.u32 $0x4000, v1;
	s6 =	sshrl.u32 s6, $0x3;
	s1 =	sshrl.u32 s1, $0x3;
	s9 =	sshrl.u32 s5, $0x3  }
0x11: {  	v1 =	vmul.u32 $0xC8, v1;
	s6 =	sadd.s32 s7, s6;
	s5 =	sshrl.u32 s31, $0x3;
	s10 =	sadd.s32 s9, s4  }
0x12: {  	v5 =	vor.u32 $0xC0000, v2;
	v3 =	vor.u32 $0x80000, v2;
	v0 =	vmov s12;
	s4 =	sadd.s32 s7, s26;
	s5 =	sadd.s32 s7, s5;
	s7 =	sadd.s32 s7, s1  }
0x13: {  	v6 =	vadd.s32 $0x1900, v1;
	v7 =	vadd.s32 $0x2580, v1;
	v4 =	vshll.u32 v0, $0xE;
	s8 =	sadd.s32 s8, s9;
	s1 =	sor.u32 $0x1C20, s15;
	s26 =	simm.s32 $0x3  }
0x14: {  	v0 =	vor.u32 v2, v4;
	v2 =	vor.u32 $0x40000, v2;
	v3 =	vor.u32 v3, v4;
	s9 =	sadd.s32 $0x600, s10;
	s10 =	smax.u32 s0, $0x1;
	s11 =	sadd.s32 $0xC800, s4  }
0x15: {  	v2 =	vor.u32 v2, v4;
	v4 =	vor.u32 v5, v4;
	v5 =	vadd.s32 $0xC80, v1;
	s12 =	sadd.s32 $0x19000, s4;
	s13 =	sadd.s32 $0xC800, s5;
	s14 =	sadd.s32 $0x19000, s5  }
.LBB2_1:
0x16: {  	[tilespmem:s2], [sflag:$0x1] =	stream.strided.gather [hbm4b:s4+s17], $0x1C00, s18, s17, $0x38;
	[tilespmem:$0x10000] =	vst v63  }
0x17: {  	_ = 	snop  }
0x18: {  	[tilespmem:s19], [sflag:$0x1] =	stream.strided.gather [hbm4b:s11+s17], $0x1C00, s18, s17, $0x38;
	[tilespmem:$0x10000] =	vst v63  }
0x19: {  	_ = 	snop  }
0x1a: {  	[tilespmem:s20], [sflag:$0x1] =	stream.strided.gather [hbm4b:s12+s17], $0x1C00, s18, s17, $0x38;
	[tilespmem:$0x10000] =	vst v63  }
0x1b: {  	_ = 	snop  }
0x1c: {  	[tilespmem:s21], [sflag:$0x3] =	stream.strided.gather [hbm4b:s5+s17], $0x1800, s18, s17, $0x38;
	[tilespmem:$0x10000] =	vst v63  }
0x1d: {  	_ = 	snop  }
0x1e: {  	[tilespmem:s22], [sflag:$0x3] =	stream.strided.gather [hbm4b:s13+s17], $0x1800, s18, s17, $0x38;
	[tilespmem:$0x10000] =	vst v63  }
0x1f: {  	_ = 	snop  }
0x20: {  	[tilespmem:s23], [sflag:$0x3] =	stream.strided.gather [hbm4b:s14+s17], $0x1800, s18, s17, $0x38;
	[tilespmem:$0x10000] =	vst v63  }
0x21: {  	_ =	swait.ge [sflag:s3], $0x5400  }
0x22: {  	[sflag:s3] =	ssyncset.done $0x0  }
0x23: {  	[sflag:s3] =	ssyncadd.s32 $0xFFFFAC00  }
0x24: {  	v8 =	vld [tilespmem:s1+$0xFFFFE3E0]  }
0x25: {  	v9 =	vld [tilespmem:s1+$0xFFFFFFE0];
	_ =	sdelay $0x1  }
0x26: {  	v10 =	vld [tilespmem:s1+$0x1BE0];
	_ =	sdelay $0x1  }
0x27: {  	v11 =	vadd.s32 s2, v1;
	v8 =	vand.u32 $0xFF, v8  }
0x28: {  	vm1 =	vlt.s32 v9, $0x40;
	v9 =	vshll.u32 v9, $0x8;
	vm0 =	vne.s32 v8, $0xFF  }
0x29: {  	v8 =	vor.u32 v8, v9;
	vm0 =	vmand vm0, vm1  }
0x2a: {  	v9 =	vcvt.s32.f32 v10;
	v8 =	vnsel vm0, $0x0, v8  }
0x2b: {  	v8 =	vadd.s32 v0, v8  }
0x2c: {  	v9 =	vnsel vm0, $0x0, v9;
	[tilespmem:v11+s24+$0x0] =	vst.idx.msk $0xffff, v8  }
0x2d: {  	[tilespmem:v11+s25+$0x0] =	vst.idx.msk $0xffff, v9  }
0x2e: {  	v8 =	vld [tilespmem:s1+$0xFFFFE3F0]  }
0x2f: {  	v9 =	vld [tilespmem:s1+$0xFFFFFFF0];
	_ =	sdelay $0x1  }
0x30: {  	v10 =	vld [tilespmem:s1+$0x1BF0];
	_ =	sdelay $0x1  }
0x31: {  	v11 =	vadd.s32 s2, v5;
	v8 =	vand.u32 $0xFF, v8  }
0x32: {  	vm11 =	vlt.s32 v9, $0x40;
	v9 =	vshll.u32 v9, $0x8;
	vm10 =	vne.s32 v8, $0xFF  }
0x33: {  	v8 =	vor.u32 v8, v9;
	vm0 =	vmand vm10, vm11  }
0x34: {  	v9 =	vcvt.s32.f32 v10;
	v8 =	vnsel vm0, $0x0, v8  }
0x35: {  	v8 =	vadd.s32 v2, v8  }
0x36: {  	v9 =	vnsel vm0, $0x0, v9;
	[tilespmem:v11+s24+$0x0] =	vst.idx.msk $0xffff, v8  }
0x37: {  	[tilespmem:v11+s25+$0x0] =	vst.idx.msk $0xffff, v9  }
0x38: {  	v8 =	vld [tilespmem:s1+$0xFFFFE400]  }
0x39: {  	v9 =	vld [tilespmem:s1+$0x0];
	_ =	sdelay $0x1  }
0x3a: {  	v10 =	vld [tilespmem:s1+$0x1C00];
	_ =	sdelay $0x1  }
0x3b: {  	v11 =	vadd.s32 s2, v6;
	v8 =	vand.u32 $0xFF, v8  }
0x3c: {  	vm13 =	vlt.s32 v9, $0x40;
	v9 =	vshll.u32 v9, $0x8;
	vm12 =	vne.s32 v8, $0xFF  }
0x3d: {  	v8 =	vor.u32 v8, v9;
	vm0 =	vmand vm12, vm13  }
0x3e: {  	v9 =	vcvt.s32.f32 v10;
	v8 =	vnsel vm0, $0x0, v8  }
0x3f: {  	v8 =	vadd.s32 v3, v8  }
0x40: {  	v9 =	vnsel vm0, $0x0, v9;
	[tilespmem:v11+s24+$0x0] =	vst.idx.msk $0xffff, v8  }
0x41: {  	[tilespmem:v11+s25+$0x0] =	vst.idx.msk $0xffff, v9  }
0x42: {  	v8 =	vld [tilespmem:s1+$0xFFFFE410]  }
0x43: {  	v9 =	vld [tilespmem:s1+$0x10];
	_ =	sdelay $0x1  }
0x44: {  	v10 =	vld [tilespmem:s1+$0x1C10];
	_ =	sdelay $0x1  }
0x45: {  	v11 =	vand.u32 $0xFF, v8;
	v8 =	vadd.s32 s2, v7  }
0x46: {  	vm15 =	vlt.s32 v9, $0x40;
	v9 =	vshll.u32 v9, $0x8;
	vm14 =	vne.s32 v11, $0xFF  }
0x47: {  	v9 =	vor.u32 v11, v9;
	vm0 =	vmand vm14, vm15  }
0x48: {  	v10 =	vcvt.s32.f32 v10;
	v9 =	vnsel vm0, $0x0, v9  }
0x49: {  	v11 =	vadd.s32 v4, v9  }
0x4a: {  	s31 =	simm.s32 $0x1;
	s15 =	smov.u32 s1;
	v9 =	vnsel vm0, $0x0, v10;
	[tilespmem:v8+s24+$0x0] =	vst.idx.msk $0xffff, v11  }
.LBB2_2:
0x4b: {  	p0 =	sne.s32 s31, $0x37  }
0x4c: {  	[tilespmem:v8+s25+$0x0] =	vst.idx.msk $0xffff, v9;
	s15 =	sadd.s32 $0x80, s15;
	s0 =	smov.u32 s31;
	s31 =	sadd.s32 $0x1, s31  }
0x4d: {  	v8 =	vld [tilespmem:s15+$0xFFFFE3E0]  }
0x4e: {  	v9 =	vld [tilespmem:s15+$0xFFFFFFE0];
	_ =	sdelay $0x1  }
0x4f: {  	v10 =	vld [tilespmem:s15+$0x1BE0];
	_ =	sdelay $0x1  }
0x50: {  	v11 =	vadd.s32 s0, v1;
	v8 =	vand.u32 $0xFF, v8  }
0x51: {  	vm0 =	vne.s32 v8, $0xFF;
	vm1 =	vlt.s32 v9, $0x40;
	v9 =	vshll.u32 v9, $0x8  }
0x52: {  	vm0 =	vmand vm0, vm1;
	v8 =	vor.u32 v8, v9  }
0x53: {  	v8 =	vnsel vm0, $0x0, v8;
	v9 =	vcvt.s32.f32 v10  }
0x54: {  	v8 =	vadd.s32 v0, v8  }
0x55: {  	v9 =	vnsel vm0, $0x0, v9;
	[tilespmem:v11+s24+$0x0] =	vst.idx.msk $0xffff, v8  }
0x56: {  	[tilespmem:v11+s25+$0x0] =	vst.idx.msk $0xffff, v9  }
0x57: {  	v8 =	vld [tilespmem:s15+$0xFFFFE3F0]  }
0x58: {  	v9 =	vld [tilespmem:s15+$0xFFFFFFF0];
	_ =	sdelay $0x1  }
0x59: {  	v10 =	vld [tilespmem:s15+$0x1BF0];
	_ =	sdelay $0x1  }
0x5a: {  	v11 =	vadd.s32 s0, v5;
	v8 =	vand.u32 $0xFF, v8  }
0x5b: {  	vm0 =	vne.s32 v8, $0xFF;
	vm1 =	vlt.s32 v9, $0x40;
	v9 =	vshll.u32 v9, $0x8  }
0x5c: {  	vm0 =	vmand vm0, vm1;
	v8 =	vor.u32 v8, v9  }
0x5d: {  	v8 =	vnsel vm0, $0x0, v8;
	v9 =	vcvt.s32.f32 v10  }
0x5e: {  	v8 =	vadd.s32 v2, v8  }
0x5f: {  	v9 =	vnsel vm0, $0x0, v9;
	[tilespmem:v11+s24+$0x0] =	vst.idx.msk $0xffff, v8  }
0x60: {  	[tilespmem:v11+s25+$0x0] =	vst.idx.msk $0xffff, v9  }
0x61: {  	v8 =	vld [tilespmem:s15+$0xFFFFE400]  }
0x62: {  	v9 =	vld [tilespmem:s15+$0x0];
	_ =	sdelay $0x1  }
0x63: {  	v10 =	vld [tilespmem:s15+$0x1C00];
	_ =	sdelay $0x1  }
0x64: {  	v11 =	vadd.s32 s0, v6;
	v8 =	vand.u32 $0xFF, v8  }
0x65: {  	vm0 =	vne.s32 v8, $0xFF;
	vm1 =	vlt.s32 v9, $0x40;
	v9 =	vshll.u32 v9, $0x8  }
0x66: {  	vm0 =	vmand vm0, vm1;
	v8 =	vor.u32 v8, v9  }
0x67: {  	v8 =	vnsel vm0, $0x0, v8;
	v9 =	vcvt.s32.f32 v10  }
0x68: {  	v8 =	vadd.s32 v3, v8  }
0x69: {  	v9 =	vnsel vm0, $0x0, v9;
	[tilespmem:v11+s24+$0x0] =	vst.idx.msk $0xffff, v8  }
0x6a: {  	[tilespmem:v11+s25+$0x0] =	vst.idx.msk $0xffff, v9  }
0x6b: {  	v8 =	vld [tilespmem:s15+$0xFFFFE410]  }
0x6c: {  	v9 =	vld [tilespmem:s15+$0x10]  }
0x6d: {  	v10 =	vld [tilespmem:s15+$0x1C10];
	_ =	sdelay $0x2  }
0x6e: {  	v11 =	vand.u32 $0xFF, v8;
	v8 =	vadd.s32 s0, v7  }
.Ltmp0:
0x6f: {  	vm0 =	vne.s32 v11, $0xFF;
	vm1 =	vlt.s32 v9, $0x40;
	v9 =	vshll.u32 v9, $0x8;
	(pc) =	sbr.rel @p0 .LBB2_2-.Ltmp0, $4  }
0x70: {  	vm0 =	vmand vm0, vm1;
	v9 =	vor.u32 v11, v9  }
0x71: {  	v10 =	vcvt.s32.f32 v10;
	v9 =	vnsel vm0, $0x0, v9  }
0x72: {  	v11 =	vadd.s32 v4, v9  }
0x73: {  	v9 =	vnsel vm0, $0x0, v10;
	[tilespmem:v8+s24+$0x0] =	vst.idx.msk $0xffff, v11  }
0x74: {  	_ =	sdelay $0x3  }
0x75: {  	[tilespmem:v8+s25+$0x0] =	vst.idx.msk $0xffff, v9  }
0x76: {  	[tilespmem:s2], [sflag:$0x1] =	stream.strided.gather [hbm4b:s6+s17], $0x1800, s18, s17, $0x38;
	[tilespmem:$0x10000] =	vst v63  }
0x77: {  	s0 =	sadd.s32 $0xC800, s6  }
0x78: {  	[tilespmem:s19], [sflag:$0x1] =	stream.strided.gather [hbm4b:s0+s17], $0x1800, s18, s17, $0x38;
	[tilespmem:$0x10000] =	vst v63  }
0x79: {  	s15 =	sadd.s32 $0x19000, s6  }
0x7a: {  	[tilespmem:s20], [sflag:$0x1] =	stream.strided.gather [hbm4b:s15+s17], $0x1800, s18, s17, $0x38;
	[tilespmem:$0x10000] =	vst v63  }
0x7b: {  	_ =	swait.ge [sflag:s26], $0x4800  }
0x7c: {  	[sflag:s26] =	ssyncset.done $0x0  }
0x7d: {  	[sflag:s26] =	ssyncadd.s32 $0xFFFFB800  }
0x7e: {  	v8 =	vld [tilespmem:s16+$0xFFFFE7E0]  }
0x7f: {  	v9 =	vld [tilespmem:s16+$0xFFFFFFE0];
	_ =	sdelay $0x1  }
0x80: {  	v10 =	vld [tilespmem:s16+$0x17E0]  }
0x81: {  	s15 =	simm.s32 $0x38  }
0x82: {  	v11 =	vadd.s32 s15, v1;
	v8 =	vand.u32 $0xFF, v8  }
0x83: {  	vm1 =	vlt.s32 v9, $0x40;
	v9 =	vshll.u32 v9, $0x8;
	vm0 =	vne.s32 v8, $0xFF  }
0x84: {  	v8 =	vor.u32 v8, v9;
	vm0 =	vmand vm0, vm1  }
0x85: {  	v9 =	vcvt.s32.f32 v10;
	v8 =	vnsel vm0, $0x0, v8  }
0x86: {  	v8 =	vadd.s32 v0, v8  }
0x87: {  	v9 =	vnsel vm0, $0x0, v9;
	[tilespmem:v11+s24+$0x0] =	vst.idx.msk $0xffff, v8  }
0x88: {  	[tilespmem:v11+s25+$0x0] =	vst.idx.msk $0xffff, v9  }
0x89: {  	v8 =	vld [tilespmem:s16+$0xFFFFE7F0]  }
0x8a: {  	v9 =	vld [tilespmem:s16+$0xFFFFFFF0];
	_ =	sdelay $0x1  }
0x8b: {  	v10 =	vld [tilespmem:s16+$0x17F0];
	_ =	sdelay $0x1  }
0x8c: {  	v11 =	vadd.s32 s15, v5;
	v8 =	vand.u32 $0xFF, v8  }
0x8d: {  	vm11 =	vlt.s32 v9, $0x40;
	v9 =	vshll.u32 v9, $0x8;
	vm10 =	vne.s32 v8, $0xFF  }
0x8e: {  	v8 =	vor.u32 v8, v9;
	vm0 =	vmand vm10, vm11  }
0x8f: {  	v9 =	vcvt.s32.f32 v10;
	v8 =	vnsel vm0, $0x0, v8  }
0x90: {  	v8 =	vadd.s32 v2, v8  }
0x91: {  	v9 =	vnsel vm0, $0x0, v9;
	[tilespmem:v11+s24+$0x0] =	vst.idx.msk $0xffff, v8  }
0x92: {  	[tilespmem:v11+s25+$0x0] =	vst.idx.msk $0xffff, v9  }
0x93: {  	v8 =	vld [tilespmem:s16+$0xFFFFE800]  }
0x94: {  	v9 =	vld [tilespmem:s16+$0x0];
	_ =	sdelay $0x1  }
0x95: {  	v10 =	vld [tilespmem:s16+$0x1800];
	_ =	sdelay $0x1  }
0x96: {  	v11 =	vadd.s32 s15, v6;
	v8 =	vand.u32 $0xFF, v8  }
0x97: {  	vm13 =	vlt.s32 v9, $0x40;
	v9 =	vshll.u32 v9, $0x8;
	vm12 =	vne.s32 v8, $0xFF  }
0x98: {  	v8 =	vor.u32 v8, v9;
	vm0 =	vmand vm12, vm13  }
0x99: {  	v9 =	vcvt.s32.f32 v10;
	v8 =	vnsel vm0, $0x0, v8  }
0x9a: {  	v8 =	vadd.s32 v3, v8  }
0x9b: {  	v9 =	vnsel vm0, $0x0, v9;
	[tilespmem:v11+s24+$0x0] =	vst.idx.msk $0xffff, v8  }
0x9c: {  	[tilespmem:v11+s25+$0x0] =	vst.idx.msk $0xffff, v9  }
0x9d: {  	v8 =	vld [tilespmem:s16+$0xFFFFE810]  }
0x9e: {  	v9 =	vld [tilespmem:s16+$0x10];
	_ =	sdelay $0x1  }
0x9f: {  	v10 =	vld [tilespmem:s16+$0x1810];
	_ =	sdelay $0x1  }
0xa0: {  	v11 =	vand.u32 $0xFF, v8;
	v8 =	vadd.s32 s15, v7  }
0xa1: {  	vm15 =	vlt.s32 v9, $0x40;
	v9 =	vshll.u32 v9, $0x8;
	vm14 =	vne.s32 v11, $0xFF  }
0xa2: {  	v9 =	vor.u32 v11, v9;
	vm0 =	vmand vm14, vm15  }
0xa3: {  	v10 =	vcvt.s32.f32 v10;
	v9 =	vnsel vm0, $0x0, v9  }
0xa4: {  	v11 =	vadd.s32 v4, v9  }
0xa5: {  	s31 =	simm.s32 $0x39;
	s15 =	smov.u32 s16;
	v9 =	vnsel vm0, $0x0, v10;
	[tilespmem:v8+s24+$0x0] =	vst.idx.msk $0xffff, v11  }
.LBB2_4:
0xa6: {  	p0 =	sne.s32 s31, $0x67  }
0xa7: {  	[tilespmem:v8+s25+$0x0] =	vst.idx.msk $0xffff, v9;
	s15 =	sadd.s32 $0x80, s15;
	s0 =	smov.u32 s31;
	s31 =	sadd.s32 $0x1, s31  }
0xa8: {  	v8 =	vld [tilespmem:s15+$0xFFFFE7E0]  }
0xa9: {  	v9 =	vld [tilespmem:s15+$0xFFFFFFE0];
	_ =	sdelay $0x1  }
0xaa: {  	v10 =	vld [tilespmem:s15+$0x17E0];
	_ =	sdelay $0x1  }
0xab: {  	v11 =	vadd.s32 s0, v1;
	v8 =	vand.u32 $0xFF, v8  }
0xac: {  	vm0 =	vne.s32 v8, $0xFF;
	vm1 =	vlt.s32 v9, $0x40;
	v9 =	vshll.u32 v9, $0x8  }
0xad: {  	vm0 =	vmand vm0, vm1;
	v8 =	vor.u32 v8, v9  }
0xae: {  	v8 =	vnsel vm0, $0x0, v8;
	v9 =	vcvt.s32.f32 v10  }
0xaf: {  	v8 =	vadd.s32 v0, v8  }
0xb0: {  	v9 =	vnsel vm0, $0x0, v9;
	[tilespmem:v11+s24+$0x0] =	vst.idx.msk $0xffff, v8  }
0xb1: {  	[tilespmem:v11+s25+$0x0] =	vst.idx.msk $0xffff, v9  }
0xb2: {  	v8 =	vld [tilespmem:s15+$0xFFFFE7F0]  }
0xb3: {  	v9 =	vld [tilespmem:s15+$0xFFFFFFF0];
	_ =	sdelay $0x1  }
0xb4: {  	v10 =	vld [tilespmem:s15+$0x17F0];
	_ =	sdelay $0x1  }
0xb5: {  	v11 =	vadd.s32 s0, v5;
	v8 =	vand.u32 $0xFF, v8  }
0xb6: {  	vm0 =	vne.s32 v8, $0xFF;
	vm1 =	vlt.s32 v9, $0x40;
	v9 =	vshll.u32 v9, $0x8  }
0xb7: {  	vm0 =	vmand vm0, vm1;
	v8 =	vor.u32 v8, v9  }
0xb8: {  	v8 =	vnsel vm0, $0x0, v8;
	v9 =	vcvt.s32.f32 v10  }
0xb9: {  	v8 =	vadd.s32 v2, v8  }
0xba: {  	v9 =	vnsel vm0, $0x0, v9;
	[tilespmem:v11+s24+$0x0] =	vst.idx.msk $0xffff, v8  }
0xbb: {  	[tilespmem:v11+s25+$0x0] =	vst.idx.msk $0xffff, v9  }
0xbc: {  	v8 =	vld [tilespmem:s15+$0xFFFFE800]  }
0xbd: {  	v9 =	vld [tilespmem:s15+$0x0];
	_ =	sdelay $0x1  }
0xbe: {  	v10 =	vld [tilespmem:s15+$0x1800];
	_ =	sdelay $0x1  }
0xbf: {  	v11 =	vadd.s32 s0, v6;
	v8 =	vand.u32 $0xFF, v8  }
0xc0: {  	vm0 =	vne.s32 v8, $0xFF;
	vm1 =	vlt.s32 v9, $0x40;
	v9 =	vshll.u32 v9, $0x8  }
0xc1: {  	vm0 =	vmand vm0, vm1;
	v8 =	vor.u32 v8, v9  }
0xc2: {  	v8 =	vnsel vm0, $0x0, v8;
	v9 =	vcvt.s32.f32 v10  }
0xc3: {  	v8 =	vadd.s32 v3, v8  }
0xc4: {  	v9 =	vnsel vm0, $0x0, v9;
	[tilespmem:v11+s24+$0x0] =	vst.idx.msk $0xffff, v8  }
0xc5: {  	[tilespmem:v11+s25+$0x0] =	vst.idx.msk $0xffff, v9  }
0xc6: {  	v8 =	vld [tilespmem:s15+$0xFFFFE810]  }
0xc7: {  	v9 =	vld [tilespmem:s15+$0x10]  }
0xc8: {  	v10 =	vld [tilespmem:s15+$0x1810];
	_ =	sdelay $0x2  }
0xc9: {  	v11 =	vand.u32 $0xFF, v8;
	v8 =	vadd.s32 s0, v7  }
.Ltmp1:
0xca: {  	vm0 =	vne.s32 v11, $0xFF;
	vm1 =	vlt.s32 v9, $0x40;
	v9 =	vshll.u32 v9, $0x8;
	(pc) =	sbr.rel @p0 .LBB2_4-.Ltmp1, $4  }
0xcb: {  	vm0 =	vmand vm0, vm1;
	v9 =	vor.u32 v11, v9  }
0xcc: {  	v10 =	vcvt.s32.f32 v10;
	v9 =	vnsel vm0, $0x0, v9  }
0xcd: {  	v11 =	vadd.s32 v4, v9  }
0xce: {  	v9 =	vnsel vm0, $0x0, v10;
	[tilespmem:v8+s24+$0x0] =	vst.idx.msk $0xffff, v11  }
0xcf: {  	_ =	sdelay $0x3  }
0xd0: {  	[tilespmem:v8+s25+$0x0] =	vst.idx.msk $0xffff, v9  }
0xd1: {  	[tilespmem:s21], [sflag:$0x3] =	stream.strided.gather [hbm4b:s7+s17], $0x1800, s18, s17, $0x38;
	[tilespmem:$0x10000] =	vst v63  }
0xd2: {  	s0 =	sadd.s32 $0xC800, s7  }
0xd3: {  	[tilespmem:s22], [sflag:$0x3] =	stream.strided.gather [hbm4b:s0+s17], $0x1800, s18, s17, $0x38;
	[tilespmem:$0x10000] =	vst v63  }
0xd4: {  	s15 =	sadd.s32 $0x19000, s7  }
0xd5: {  	[tilespmem:s23], [sflag:$0x3] =	stream.strided.gather [hbm4b:s15+s17], $0x1800, s18, s17, $0x38;
	[tilespmem:$0x10000] =	vst v63  }
0xd6: {  	_ =	swait.ge [sflag:s3], $0x4800  }
0xd7: {  	[sflag:s3] =	ssyncset.done $0x0  }
0xd8: {  	[sflag:s3] =	ssyncadd.s32 $0xFFFFB800  }
0xd9: {  	v8 =	vld [tilespmem:s1+$0xFFFFE3E0]  }
0xda: {  	v9 =	vld [tilespmem:s1+$0xFFFFFFE0];
	_ =	sdelay $0x1  }
0xdb: {  	v10 =	vld [tilespmem:s1+$0x1BE0]  }
0xdc: {  	s15 =	simm.s32 $0x68  }
0xdd: {  	v11 =	vadd.s32 s15, v1;
	v8 =	vand.u32 $0xFF, v8  }
0xde: {  	vm1 =	vlt.s32 v9, $0x40;
	v9 =	vshll.u32 v9, $0x8;
	vm0 =	vne.s32 v8, $0xFF  }
0xdf: {  	v8 =	vor.u32 v8, v9;
	vm0 =	vmand vm0, vm1  }
0xe0: {  	v9 =	vcvt.s32.f32 v10;
	v8 =	vnsel vm0, $0x0, v8  }
0xe1: {  	v8 =	vadd.s32 v0, v8  }
0xe2: {  	v9 =	vnsel vm0, $0x0, v9;
	[tilespmem:v11+s24+$0x0] =	vst.idx.msk $0xffff, v8  }
0xe3: {  	[tilespmem:v11+s25+$0x0] =	vst.idx.msk $0xffff, v9  }
0xe4: {  	v8 =	vld [tilespmem:s1+$0xFFFFE3F0]  }
0xe5: {  	v9 =	vld [tilespmem:s1+$0xFFFFFFF0];
	_ =	sdelay $0x1  }
0xe6: {  	v10 =	vld [tilespmem:s1+$0x1BF0];
	_ =	sdelay $0x1  }
0xe7: {  	v11 =	vadd.s32 s15, v5;
	v8 =	vand.u32 $0xFF, v8  }
0xe8: {  	vm11 =	vlt.s32 v9, $0x40;
	v9 =	vshll.u32 v9, $0x8;
	vm10 =	vne.s32 v8, $0xFF  }
0xe9: {  	v8 =	vor.u32 v8, v9;
	vm0 =	vmand vm10, vm11  }
0xea: {  	v9 =	vcvt.s32.f32 v10;
	v8 =	vnsel vm0, $0x0, v8  }
0xeb: {  	v8 =	vadd.s32 v2, v8  }
0xec: {  	v9 =	vnsel vm0, $0x0, v9;
	[tilespmem:v11+s24+$0x0] =	vst.idx.msk $0xffff, v8  }
0xed: {  	[tilespmem:v11+s25+$0x0] =	vst.idx.msk $0xffff, v9  }
0xee: {  	v8 =	vld [tilespmem:s1+$0xFFFFE400]  }
0xef: {  	v9 =	vld [tilespmem:s1+$0x0];
	_ =	sdelay $0x1  }
0xf0: {  	v10 =	vld [tilespmem:s1+$0x1C00];
	_ =	sdelay $0x1  }
0xf1: {  	v11 =	vadd.s32 s15, v6;
	v8 =	vand.u32 $0xFF, v8  }
0xf2: {  	vm13 =	vlt.s32 v9, $0x40;
	v9 =	vshll.u32 v9, $0x8;
	vm12 =	vne.s32 v8, $0xFF  }
0xf3: {  	v8 =	vor.u32 v8, v9;
	vm0 =	vmand vm12, vm13  }
0xf4: {  	v9 =	vcvt.s32.f32 v10;
	v8 =	vnsel vm0, $0x0, v8  }
0xf5: {  	v8 =	vadd.s32 v3, v8  }
0xf6: {  	v9 =	vnsel vm0, $0x0, v9;
	[tilespmem:v11+s24+$0x0] =	vst.idx.msk $0xffff, v8  }
0xf7: {  	[tilespmem:v11+s25+$0x0] =	vst.idx.msk $0xffff, v9  }
0xf8: {  	v8 =	vld [tilespmem:s1+$0xFFFFE410]  }
0xf9: {  	v9 =	vld [tilespmem:s1+$0x10];
	_ =	sdelay $0x1  }
0xfa: {  	v10 =	vld [tilespmem:s1+$0x1C10];
	_ =	sdelay $0x1  }
0xfb: {  	v11 =	vand.u32 $0xFF, v8;
	v8 =	vadd.s32 s15, v7  }
0xfc: {  	vm15 =	vlt.s32 v9, $0x40;
	v9 =	vshll.u32 v9, $0x8;
	vm14 =	vne.s32 v11, $0xFF  }
0xfd: {  	v9 =	vor.u32 v11, v9;
	vm0 =	vmand vm14, vm15  }
0xfe: {  	v10 =	vcvt.s32.f32 v10;
	v9 =	vnsel vm0, $0x0, v9  }
0xff: {  	v11 =	vadd.s32 v4, v9  }
0x100: {  	s31 =	simm.s32 $0x69;
	s15 =	smov.u32 s1;
	v9 =	vnsel vm0, $0x0, v10;
	[tilespmem:v8+s24+$0x0] =	vst.idx.msk $0xffff, v11  }
.LBB2_6:
0x101: {  	p0 =	sne.s32 s31, $0x97  }
0x102: {  	[tilespmem:v8+s25+$0x0] =	vst.idx.msk $0xffff, v9;
	s15 =	sadd.s32 $0x80, s15;
	s0 =	smov.u32 s31;
	s31 =	sadd.s32 $0x1, s31  }
0x103: {  	v8 =	vld [tilespmem:s15+$0xFFFFE3E0]  }
0x104: {  	v9 =	vld [tilespmem:s15+$0xFFFFFFE0];
	_ =	sdelay $0x1  }
0x105: {  	v10 =	vld [tilespmem:s15+$0x1BE0];
	_ =	sdelay $0x1  }
0x106: {  	v11 =	vadd.s32 s0, v1;
	v8 =	vand.u32 $0xFF, v8  }
0x107: {  	vm0 =	vne.s32 v8, $0xFF;
	vm1 =	vlt.s32 v9, $0x40;
	v9 =	vshll.u32 v9, $0x8  }
0x108: {  	vm0 =	vmand vm0, vm1;
	v8 =	vor.u32 v8, v9  }
0x109: {  	v8 =	vnsel vm0, $0x0, v8;
	v9 =	vcvt.s32.f32 v10  }
0x10a: {  	v8 =	vadd.s32 v0, v8  }
0x10b: {  	v9 =	vnsel vm0, $0x0, v9;
	[tilespmem:v11+s24+$0x0] =	vst.idx.msk $0xffff, v8  }
0x10c: {  	[tilespmem:v11+s25+$0x0] =	vst.idx.msk $0xffff, v9  }
0x10d: {  	v8 =	vld [tilespmem:s15+$0xFFFFE3F0]  }
0x10e: {  	v9 =	vld [tilespmem:s15+$0xFFFFFFF0];
	_ =	sdelay $0x1  }
0x10f: {  	v10 =	vld [tilespmem:s15+$0x1BF0];
	_ =	sdelay $0x1  }
0x110: {  	v11 =	vadd.s32 s0, v5;
	v8 =	vand.u32 $0xFF, v8  }
0x111: {  	vm0 =	vne.s32 v8, $0xFF;
	vm1 =	vlt.s32 v9, $0x40;
	v9 =	vshll.u32 v9, $0x8  }
0x112: {  	vm0 =	vmand vm0, vm1;
	v8 =	vor.u32 v8, v9  }
0x113: {  	v8 =	vnsel vm0, $0x0, v8;
	v9 =	vcvt.s32.f32 v10  }
0x114: {  	v8 =	vadd.s32 v2, v8  }
0x115: {  	v9 =	vnsel vm0, $0x0, v9;
	[tilespmem:v11+s24+$0x0] =	vst.idx.msk $0xffff, v8  }
0x116: {  	[tilespmem:v11+s25+$0x0] =	vst.idx.msk $0xffff, v9  }
0x117: {  	v8 =	vld [tilespmem:s15+$0xFFFFE400]  }
0x118: {  	v9 =	vld [tilespmem:s15+$0x0];
	_ =	sdelay $0x1  }
0x119: {  	v10 =	vld [tilespmem:s15+$0x1C00];
	_ =	sdelay $0x1  }
0x11a: {  	v11 =	vadd.s32 s0, v6;
	v8 =	vand.u32 $0xFF, v8  }
0x11b: {  	vm0 =	vne.s32 v8, $0xFF;
	vm1 =	vlt.s32 v9, $0x40;
	v9 =	vshll.u32 v9, $0x8  }
0x11c: {  	vm0 =	vmand vm0, vm1;
	v8 =	vor.u32 v8, v9  }
0x11d: {  	v8 =	vnsel vm0, $0x0, v8;
	v9 =	vcvt.s32.f32 v10  }
0x11e: {  	v8 =	vadd.s32 v3, v8  }
0x11f: {  	v9 =	vnsel vm0, $0x0, v9;
	[tilespmem:v11+s24+$0x0] =	vst.idx.msk $0xffff, v8  }
0x120: {  	[tilespmem:v11+s25+$0x0] =	vst.idx.msk $0xffff, v9  }
0x121: {  	v8 =	vld [tilespmem:s15+$0xFFFFE410]  }
0x122: {  	v9 =	vld [tilespmem:s15+$0x10]  }
0x123: {  	v10 =	vld [tilespmem:s15+$0x1C10];
	_ =	sdelay $0x2  }
0x124: {  	v11 =	vand.u32 $0xFF, v8;
	v8 =	vadd.s32 s0, v7  }
.Ltmp2:
0x125: {  	vm0 =	vne.s32 v11, $0xFF;
	vm1 =	vlt.s32 v9, $0x40;
	v9 =	vshll.u32 v9, $0x8;
	(pc) =	sbr.rel @p0 .LBB2_6-.Ltmp2, $4  }
0x126: {  	vm0 =	vmand vm0, vm1;
	v9 =	vor.u32 v11, v9  }
0x127: {  	v10 =	vcvt.s32.f32 v10;
	v9 =	vnsel vm0, $0x0, v9  }
0x128: {  	v11 =	vadd.s32 v4, v9  }
0x129: {  	v9 =	vnsel vm0, $0x0, v10;
	[tilespmem:v8+s24+$0x0] =	vst.idx.msk $0xffff, v11  }
0x12a: {  	_ =	sdelay $0x3  }
0x12b: {  	[tilespmem:v8+s25+$0x0] =	vst.idx.msk $0xffff, v9  }
0x12c: {  	_ =	swait.ge [sflag:s26], $0x4800  }
0x12d: {  	[sflag:s26] =	ssyncset.done $0x0  }
0x12e: {  	[sflag:s26] =	ssyncadd.s32 $0xFFFFB800  }
0x12f: {  	v8 =	vld [tilespmem:s16+$0xFFFFE7E0]  }
0x130: {  	v9 =	vld [tilespmem:s16+$0xFFFFFFE0];
	_ =	sdelay $0x1  }
0x131: {  	v10 =	vld [tilespmem:s16+$0x17E0]  }
0x132: {  	s0 =	simm.s32 $0x98  }
0x133: {  	v11 =	vadd.s32 s0, v1;
	v8 =	vand.u32 $0xFF, v8  }
0x134: {  	vm1 =	vlt.s32 v9, $0x40;
	v9 =	vshll.u32 v9, $0x8;
	vm0 =	vne.s32 v8, $0xFF  }
0x135: {  	v8 =	vor.u32 v8, v9;
	vm0 =	vmand vm0, vm1  }
0x136: {  	v9 =	vcvt.s32.f32 v10;
	v8 =	vnsel vm0, $0x0, v8  }
0x137: {  	v8 =	vadd.s32 v0, v8  }
0x138: {  	v9 =	vnsel vm0, $0x0, v9;
	[tilespmem:v11+s24+$0x0] =	vst.idx.msk $0xffff, v8  }
0x139: {  	[tilespmem:v11+s25+$0x0] =	vst.idx.msk $0xffff, v9  }
0x13a: {  	v8 =	vld [tilespmem:s16+$0xFFFFE7F0]  }
0x13b: {  	v9 =	vld [tilespmem:s16+$0xFFFFFFF0];
	_ =	sdelay $0x1  }
0x13c: {  	v10 =	vld [tilespmem:s16+$0x17F0];
	_ =	sdelay $0x1  }
0x13d: {  	v11 =	vadd.s32 s0, v5;
	v8 =	vand.u32 $0xFF, v8  }
0x13e: {  	vm11 =	vlt.s32 v9, $0x40;
	v9 =	vshll.u32 v9, $0x8;
	vm10 =	vne.s32 v8, $0xFF  }
0x13f: {  	v8 =	vor.u32 v8, v9;
	vm0 =	vmand vm10, vm11  }
0x140: {  	v9 =	vcvt.s32.f32 v10;
	v8 =	vnsel vm0, $0x0, v8  }
0x141: {  	v8 =	vadd.s32 v2, v8  }
0x142: {  	v9 =	vnsel vm0, $0x0, v9;
	[tilespmem:v11+s24+$0x0] =	vst.idx.msk $0xffff, v8  }
0x143: {  	[tilespmem:v11+s25+$0x0] =	vst.idx.msk $0xffff, v9  }
0x144: {  	v8 =	vld [tilespmem:s16+$0xFFFFE800]  }
0x145: {  	v9 =	vld [tilespmem:s16+$0x0];
	_ =	sdelay $0x1  }
0x146: {  	v10 =	vld [tilespmem:s16+$0x1800];
	_ =	sdelay $0x1  }
0x147: {  	v11 =	vadd.s32 s0, v6;
	v8 =	vand.u32 $0xFF, v8  }
0x148: {  	vm13 =	vlt.s32 v9, $0x40;
	v9 =	vshll.u32 v9, $0x8;
	vm12 =	vne.s32 v8, $0xFF  }
0x149: {  	v8 =	vor.u32 v8, v9;
	vm0 =	vmand vm12, vm13  }
0x14a: {  	v9 =	vcvt.s32.f32 v10;
	v8 =	vnsel vm0, $0x0, v8  }
0x14b: {  	v8 =	vadd.s32 v3, v8  }
0x14c: {  	v9 =	vnsel vm0, $0x0, v9;
	[tilespmem:v11+s24+$0x0] =	vst.idx.msk $0xffff, v8  }
0x14d: {  	[tilespmem:v11+s25+$0x0] =	vst.idx.msk $0xffff, v9  }
0x14e: {  	v8 =	vld [tilespmem:s16+$0xFFFFE810]  }
0x14f: {  	v9 =	vld [tilespmem:s16+$0x10];
	_ =	sdelay $0x1  }
0x150: {  	v10 =	vld [tilespmem:s16+$0x1810];
	_ =	sdelay $0x1  }
0x151: {  	v11 =	vand.u32 $0xFF, v8;
	v8 =	vadd.s32 s0, v7  }
0x152: {  	vm15 =	vlt.s32 v9, $0x40;
	v9 =	vshll.u32 v9, $0x8;
	vm14 =	vne.s32 v11, $0xFF  }
0x153: {  	v9 =	vor.u32 v11, v9;
	vm0 =	vmand vm14, vm15  }
0x154: {  	v10 =	vcvt.s32.f32 v10;
	v9 =	vnsel vm0, $0x0, v9  }
0x155: {  	v11 =	vadd.s32 v4, v9  }
0x156: {  	s31 =	simm.s32 $0x99;
	s15 =	smov.u32 s16;
	v9 =	vnsel vm0, $0x0, v10;
	[tilespmem:v8+s24+$0x0] =	vst.idx.msk $0xffff, v11  }
.LBB2_8:
0x157: {  	p0 =	sne.s32 s31, $0xC7  }
0x158: {  	[tilespmem:v8+s25+$0x0] =	vst.idx.msk $0xffff, v9;
	s15 =	sadd.s32 $0x80, s15;
	s0 =	smov.u32 s31;
	s31 =	sadd.s32 $0x1, s31  }
0x159: {  	v8 =	vld [tilespmem:s15+$0xFFFFE7E0]  }
0x15a: {  	v9 =	vld [tilespmem:s15+$0xFFFFFFE0];
	_ =	sdelay $0x1  }
0x15b: {  	v10 =	vld [tilespmem:s15+$0x17E0];
	_ =	sdelay $0x1  }
0x15c: {  	v11 =	vadd.s32 s0, v1;
	v8 =	vand.u32 $0xFF, v8  }
0x15d: {  	vm0 =	vne.s32 v8, $0xFF;
	vm1 =	vlt.s32 v9, $0x40;
	v9 =	vshll.u32 v9, $0x8  }
0x15e: {  	vm0 =	vmand vm0, vm1;
	v8 =	vor.u32 v8, v9  }
0x15f: {  	v8 =	vnsel vm0, $0x0, v8;
	v9 =	vcvt.s32.f32 v10  }
0x160: {  	v8 =	vadd.s32 v0, v8  }
0x161: {  	v9 =	vnsel vm0, $0x0, v9;
	[tilespmem:v11+s24+$0x0] =	vst.idx.msk $0xffff, v8  }
0x162: {  	[tilespmem:v11+s25+$0x0] =	vst.idx.msk $0xffff, v9  }
0x163: {  	v8 =	vld [tilespmem:s15+$0xFFFFE7F0]  }
0x164: {  	v9 =	vld [tilespmem:s15+$0xFFFFFFF0];
	_ =	sdelay $0x1  }
0x165: {  	v10 =	vld [tilespmem:s15+$0x17F0];
	_ =	sdelay $0x1  }
0x166: {  	v11 =	vadd.s32 s0, v5;
	v8 =	vand.u32 $0xFF, v8  }
0x167: {  	vm0 =	vne.s32 v8, $0xFF;
	vm1 =	vlt.s32 v9, $0x40;
	v9 =	vshll.u32 v9, $0x8  }
0x168: {  	vm0 =	vmand vm0, vm1;
	v8 =	vor.u32 v8, v9  }
0x169: {  	v8 =	vnsel vm0, $0x0, v8;
	v9 =	vcvt.s32.f32 v10  }
0x16a: {  	v8 =	vadd.s32 v2, v8  }
0x16b: {  	v9 =	vnsel vm0, $0x0, v9;
	[tilespmem:v11+s24+$0x0] =	vst.idx.msk $0xffff, v8  }
0x16c: {  	[tilespmem:v11+s25+$0x0] =	vst.idx.msk $0xffff, v9  }
0x16d: {  	v8 =	vld [tilespmem:s15+$0xFFFFE800]  }
0x16e: {  	v9 =	vld [tilespmem:s15+$0x0];
	_ =	sdelay $0x1  }
0x16f: {  	v10 =	vld [tilespmem:s15+$0x1800];
	_ =	sdelay $0x1  }
0x170: {  	v11 =	vadd.s32 s0, v6;
	v8 =	vand.u32 $0xFF, v8  }
0x171: {  	vm0 =	vne.s32 v8, $0xFF;
	vm1 =	vlt.s32 v9, $0x40;
	v9 =	vshll.u32 v9, $0x8  }
0x172: {  	vm0 =	vmand vm0, vm1;
	v8 =	vor.u32 v8, v9  }
0x173: {  	v8 =	vnsel vm0, $0x0, v8;
	v9 =	vcvt.s32.f32 v10  }
0x174: {  	v8 =	vadd.s32 v3, v8  }
0x175: {  	v9 =	vnsel vm0, $0x0, v9;
	[tilespmem:v11+s24+$0x0] =	vst.idx.msk $0xffff, v8  }
0x176: {  	[tilespmem:v11+s25+$0x0] =	vst.idx.msk $0xffff, v9  }
0x177: {  	v8 =	vld [tilespmem:s15+$0xFFFFE810]  }
0x178: {  	v9 =	vld [tilespmem:s15+$0x10]  }
0x179: {  	v10 =	vld [tilespmem:s15+$0x1810];
	_ =	sdelay $0x2  }
0x17a: {  	v11 =	vand.u32 $0xFF, v8;
	v8 =	vadd.s32 s0, v7  }
.Ltmp3:
0x17b: {  	vm0 =	vne.s32 v11, $0xFF;
	vm1 =	vlt.s32 v9, $0x40;
	v9 =	vshll.u32 v9, $0x8;
	(pc) =	sbr.rel @p0 .LBB2_8-.Ltmp3, $4  }
0x17c: {  	vm0 =	vmand vm0, vm1;
	v9 =	vor.u32 v11, v9  }
0x17d: {  	v10 =	vcvt.s32.f32 v10;
	v9 =	vnsel vm0, $0x0, v9  }
0x17e: {  	v11 =	vadd.s32 v4, v9  }
0x17f: {  	v9 =	vnsel vm0, $0x0, v10;
	[tilespmem:v8+s24+$0x0] =	vst.idx.msk $0xffff, v11  }
0x180: {  	_ =	sdelay $0x3  }
0x181: {  	[tilespmem:v8+s25+$0x0] =	vst.idx.msk $0xffff, v9  }
0x182: {  	[hbm4b:s8+s2] =	stream.linear.scatter [tilespmem:s24], [sflag:$0x2], $0x3200, $0x38;
	[tilespmem:$0x10000] =	vst v63  }
0x183: {  	s30 =	sadd.s32 $0x1, s30  }
0x184: {  	[hbm4b:s9+s2] =	stream.linear.scatter [tilespmem:s25], [sflag:$0x4], $0x3200, $0x38;
	[tilespmem:$0x10000] =	vst v63  }
0x185: {  	p0 =	sne.s32 s30, s10;
	_ =	swait.ge [sflag:s28], $0x3200  }
.Ltmp4:
0x186: {  	[sflag:s28] =	ssyncset.done $0x0;
	(pc) =	sbr.rel @p0 .LBB2_1-.Ltmp4, $4  }
0x187: {  	[sflag:s28] =	ssyncadd.s32 $0xFFFFCE00  }
0x188: {  	_ =	swait.ge [sflag:s29], $0x3200  }
0x189: {  	[sflag:s29] =	ssyncset.done $0x0  }
0x18a: {  	[sflag:s29] =	ssyncadd.s32 $0xFFFFCE00  }
0x18b: {  	_ =	sfence.sel $0x180000  }
0x18c: {  	[bflag:$0x0] =	sbarrier.arrive $0xFFFF  }
0x18d: {  	_ =	strace $0x90000047  }
0x18e: {  	s0 =	stileid.u32;
	[bflag:$0x2] =	sbarrier.arrive $0xFFFF  }
0x18f: {  	p0 =	sne.s32 s0, $0x0;
	s0 =	rddreg [dreg:$0x3]  }
0x190: {  	s0 =	sadd.s32 @!p0 $0x100000, s0  }
0x191: {  	[sflag:s0] =	ssyncadd.tile.s32 @!p0 $0x1;
	_ =	shalt  }
.Lfunc_end2:
_tile_overlayer_lowered:
.L_overlay_start_2:
0x192: {  	(tag) =	ssettag $0x2  }
0x193: {  	s0 =	rddreg [dreg:$0x0];
	s2 =	stileid.u32  }
0x194: {  	s1 =	rddreg [dreg:$0x1];
	p0 =	sne.s32 s2, $0x0  }
0x195: {  	s3 =	rddreg [dreg:$0x2];
	[bflag:$0x3] =	sbarrier.arrive $0xFFFF;
	s2 =	simm.s32 @!p0 $0x1C05  }
0x196: {  	[timem:s3], [sflag:s2] =	dma.local @!p0 [hbm:s0], s1  }
0x197: {  	s0 =	simm.s32 @!p0 $0x5  }
0x198: {  	_ =	swait.ge @!p0 [sflag:s0], s1  }
0x199: {  	s1 =	ssub.s32 @!p0 $0x0, s1;
	[sflag:s0] =	ssyncset.done @!p0 $0x0  }
0x19a: {  	[sflag:s0] =	ssyncadd.s32 @!p0 s1  }
0x19b: {  	[bflag:$0x3] =	sbarrier.arrive $0xFFFF  }
0x19c: {  	_ =	shalt  }

// kernel: kernel.7.cloned.1.call-start
scs
__scs_entry_jumppad:
0x0: {  	(pc) =	sbr.rel $0x88, $3  }
0x1: {  	(tag) =	ssettag $0x0;
	lr =	simm.s32 $0x1  }
0x2: {  	[smem:$0x3FA0] =	sst lr;
	_ =	strace $0xD0000000  }
0x3: {  	_ = 	snop  }
0x4: {  	_ = 	snop  }
0x5: {  	_ = 	snop  }
0x6: {  	_ = 	snop  }
0x7: {  	_ = 	snop  }
__scs_overlays_trampoline_lowered:
0x8: {  	[smem:$0x3FAF] =	sst s0  }
0x9: {  	[smem:$0x3FB0] =	sst s1  }
0xa: {  	[smem:$0x3FB1] =	sst s2  }
0xb: {  	[smem:$0x3FB2] =	sst s3  }
0xc: {  	[smem:$0x3FB3] =	sst s4  }
0xd: {  	[smem:$0x3FB4] =	sst s5  }
0xe: {  	[smem:$0x3FB5] =	sst s6  }
0xf: {  	[smem:$0x3FB6] =	sst s7  }
0x10: {  	[smem:$0x3FB7] =	sst s8  }
0x11: {  	[smem:$0x3FB8] =	sst s9;
	s0 =	simm.s32 @!p0 $0x0  }
0x12: {  	s1 =	sld [smem:$0x3F9E];
	s0 =	simm.s32 @p0 $0x1  }
0x13: {  	[smem:$0x3FB9] =	sst s0;
	s0 =	simm.s32 @!p1 $0x0  }
0x14: {  	s2 =	sld [smem:$0x3F9D];
	s0 =	simm.s32 @p1 $0x1  }
0x15: {  	[smem:$0x3FBA] =	sst s0;
	s0 =	simm.s32 @!p2 $0x0  }
0x16: {  	s3 =	sld [smem:$0x3FDB];
	s0 =	simm.s32 @p2 $0x1  }
0x17: {  	s4 =	simm.s32 $0x1BF5;
	[smem:$0x3FBC] =	sst s0  }
0x18: {  	s0 =	sld [smem:$0x3F9F];
	_ =	swait.ge [sflag:s4], $0x0  }
0x19: {  	s7 =	sld [smem:$0x3FA0]  }
0x1a: {  	s8 =	sadd.s32 $0xFFFFE003, lr  }
0x1b: {  	s9 =	sadd.s32 $0xFFFFFEF7, lr;
	s5 =	simm.s32 $0xFFFFFFFF;
	p2 =	slt.u32 s8, $0xFFFFF086  }
0x1c: {  	p1 =	slt.u32 s9, $0xF7A;
	s5 =	simm.s32 @!p2 $0x0  }
0x1d: {  	s5 =	simm.s32 @p1 $0x1;
	p0 =	seq.s32 s7, s2  }
0x1e: {  	s7 =	smul.u32 @!p0 $0xF7A, s2;
	p2 =	seq.s32 @!p0 s5, $0x0  }
0x1f: {  	s9 =	smul.u32 $0xF7A, s1;
	s8 =	simm.s32 @!p0 $0x1BF5;
	p2 =	por !p2, p0  }
0x20: {  	[sflag:s8] =	ssyncset.s32 @!p0 $0xFFFFF086;
	s6 =	sadd.s32 @!p0 s3, s7;
	s7 =	simm.s32 @!p0 $0x108  }
0x21: {  	s3 =	sadd.s32 s3, s9;
	s6 =	sadd.s32 @!p0 $0x88, s6;
	s7 =	simm.s32 @p2 $0x1082  }
0x22: {  	[simem:s7], [sflag:s8] =	dma.local @!p0 [hbm:s6], $0xF7A  }
0x23: {  	s9 =	sor.u32 $0xD0000000, s2;
	s6 =	simm.s32 $0x108;
	_ =	swait.ge @!p0 [sflag:s8], $0x0  }
0x24: {  	s3 =	sadd.s32 $0x88, s3;
	s6 =	simm.s32 @!p1 $0x1082;
	[sflag:s4] =	ssyncset.s32 $0xFFFFF086  }
0x25: {  	[simem:s6], [sflag:s4] =	dma.local [hbm:s3], $0xF7A  }
0x26: {  	[smem:$0x3FA0] =	sst s1;
	(tag) =	ssettag s2;
	_ =	strace s9  }
0x27: {  	s1 =	sld [smem:$0x3FB0]  }
0x28: {  	s2 =	sld [smem:$0x3FB1]  }
0x29: {  	s4 =	sld [smem:$0x3FB3]  }
0x2a: {  	p0 =	seq.s32 s5, $0x0;
	s5 =	sld [smem:$0x3FB4]  }
0x2b: {  	s6 =	sld [smem:$0x3FB5]  }
0x2c: {  	s7 =	sld [smem:$0x3FB6]  }
0x2d: {  	s3 =	simm.s32 $0x108;
	s8 =	sld [smem:$0x3FB7]  }
0x2e: {  	s3 =	simm.s32 @!p0 $0x1082;
	s9 =	sld [smem:$0x3FB8]  }
0x2f: {  	lr =	sadd.s32 s0, s3;
	s0 =	sld [smem:$0x3FAF]  }
0x30: {  	s3 =	sld [smem:$0x3FB2]  }
0x31: {  	[smem:$0x3FBB] =	sst s10  }
0x32: {  	s10 =	sld [smem:$0x3FB9];
	_ =	sdelay $0x3  }
0x33: {  	p0 =	seq.s32 s10, $0x1;
	s10 =	sld [smem:$0x3FBB];
	_ =	sdelay $0x3  }
0x34: {  	[smem:$0x3FBB] =	sst s10  }
0x35: {  	s10 =	sld [smem:$0x3FBA];
	_ =	sdelay $0x3  }
0x36: {  	p1 =	seq.s32 s10, $0x1;
	s10 =	sld [smem:$0x3FBB];
	_ =	sdelay $0x3  }
0x37: {  	[smem:$0x3FBB] =	sst s10  }
0x38: {  	s10 =	sld [smem:$0x3FBC]  }
0x39: {  	_ = 	snop;
	(pc) =	sbr.ind lr, $3  }
0x3a: {  	_ = 	snop  }
0x3b: {  	_ = 	snop  }
0x3c: {  	p2 =	seq.s32 s10, $0x1;
	s10 =	sld [smem:$0x3FBB]  }
0x3d: {  	_ =	shalt  }
0x3e: {  	_ =	shalt  }
0x3f: {  	_ =	shalt  }
0x40: {  	_ =	shalt  }
0x41: {  	_ =	shalt  }
0x42: {  	_ =	shalt  }
0x43: {  	_ =	shalt  }
0x44: {  	_ =	shalt  }
0x45: {  	_ =	shalt  }
0x46: {  	_ =	shalt  }
0x47: {  	_ =	shalt  }
0x48: {  	_ =	shalt  }
0x49: {  	_ =	shalt  }
0x4a: {  	_ =	shalt  }
0x4b: {  	_ =	shalt  }
0x4c: {  	_ =	shalt  }
0x4d: {  	_ =	shalt  }
0x4e: {  	_ =	shalt  }
0x4f: {  	_ =	shalt  }
0x50: {  	_ =	shalt  }
0x51: {  	_ =	shalt  }
0x52: {  	_ =	shalt  }
0x53: {  	_ =	shalt  }
0x54: {  	_ =	shalt  }
0x55: {  	_ =	shalt  }
0x56: {  	_ =	shalt  }
0x57: {  	_ =	shalt  }
0x58: {  	_ =	shalt  }
0x59: {  	_ =	shalt  }
0x5a: {  	_ =	shalt  }
0x5b: {  	_ =	shalt  }
0x5c: {  	_ =	shalt  }
0x5d: {  	_ =	shalt  }
0x5e: {  	_ =	shalt  }
0x5f: {  	_ =	shalt  }
0x60: {  	_ =	shalt  }
0x61: {  	_ =	shalt  }
0x62: {  	_ =	shalt  }
0x63: {  	_ =	shalt  }
0x64: {  	_ =	shalt  }
0x65: {  	_ =	shalt  }
0x66: {  	_ =	shalt  }
0x67: {  	_ =	shalt  }
0x68: {  	_ =	shalt  }
0x69: {  	_ =	shalt  }
0x6a: {  	_ =	shalt  }
0x6b: {  	_ =	shalt  }
0x6c: {  	_ =	shalt  }
0x6d: {  	_ =	shalt  }
0x6e: {  	_ =	shalt  }
0x6f: {  	_ =	shalt  }
0x70: {  	_ =	shalt  }
0x71: {  	_ =	shalt  }
0x72: {  	_ =	shalt  }
0x73: {  	_ =	shalt  }
0x74: {  	_ =	shalt  }
0x75: {  	_ =	shalt  }
0x76: {  	_ =	shalt  }
0x77: {  	_ =	shalt  }
0x78: {  	_ =	shalt  }
0x79: {  	_ =	shalt  }
0x7a: {  	_ =	shalt  }
0x7b: {  	_ =	shalt  }
0x7c: {  	_ =	shalt  }
0x7d: {  	_ =	shalt  }
0x7e: {  	_ =	shalt  }
0x7f: {  	_ =	shalt  }
0x80: {  	_ =	shalt  }
0x81: {  	_ =	shalt  }
0x82: {  	_ =	shalt  }
0x83: {  	_ =	shalt  }
0x84: {  	_ =	shalt  }
0x85: {  	_ =	shalt  }
0x86: {  	_ =	shalt  }
0x87: {  	_ =	shalt  }
.Lfunc_end0:
.L_simem_size_0:
called_computation.1_lowered:
.L_overlay_start_0:
0x88: {  	s2 =	sld [smem:$0x3FD9]  }
0x89: {  	s3 =	sld [smem:$0x3FFE];
	_ =	sdelay $0x1  }
0x8a: {  	s1 =	srdreg.scid  }
0x8b: {  	s0 =	sand.u32 $0x1, s1  }
0x8c: {  	s17 =	sshll.u32 s0, $0xA;
	s2 =	sadd.s32 s3, s2  }
0x8d: {  	s2 =	sadd.s32 s2, s17  }
0x8e: {  	[smem:$0x3FC7] =	sst s2  }
0x8f: {  	_ = 	snop  }
0x90: {  	s2 =	sld [smem:$0x3FD0];
	(tm) =	ssettm $0x1  }
0x91: {  	s18 =	sld [smem:$0x3FFB];
	_ =	sdelay $0x3  }
0x92: {  	_ =	strace s18  }
0x93: {  	s3 =	sld [smem:$0x3FFC];
	_ =	sdelay $0x3  }
0x94: {  	_ =	strace s3  }
0x95: {  	s3 =	sld [smem:$0x3FFD];
	_ =	sdelay $0x3  }
0x96: {  	_ =	strace s3  }
0x97: {  	_ =	strace $0x8FFFFFFF  }
0x98: {  	s19 =	sld [smem:$0x3FDB];
	_ =	sdelay $0x1  }
0x99: {  	s4 =	simm.s32 $_scs_section_size  }
0x9a: {  	s5 =	simm.s32 $_size__tile_overlayer_lowered;
	s6 =	simm.s32 $_tile_overlayer_lowered  }
0x9b: {  	s22 =	simm.s32 $0x1BFF;
	s21 =	sshll.u32 s6, $0x1;
	s3 =	sadd.s32 s4, s19  }
0x9c: {  	s7 =	simm.s32 $0x0;
	s20 =	sshll.u32 s5, $0x1;
	s5 =	sadd.s32 s21, s3  }
0x9d: {  	[timem:s7], [sflag:s22] =	dma.local [hbm:s5], s20  }
0x9e: {  	_ =	swait.ge [sflag:s22], s20  }
0x9f: {  	s4 =	ssub.s32 $0x0, s20;
	[sflag:s22] =	ssyncset.done $0x0  }
0xa0: {  	[sflag:s22] =	ssyncadd.s32 s4;
	_ =	sdelay $0x1  }
0xa1: {  	s23 =	simm.s32 $0x1B8B  }
0xa2: {  	_ =	swait.ge [sflag:s23], $0x1  }
0xa3: {  	[sflag:s23] =	ssyncset.done $0x0  }
0xa4: {  	s25 =	simm.s32 $0x1B8E;
	s24 =	sld [smem:$0x3FFE];
	[sflag:s23] =	ssyncadd.s32 $0xFFFFFFFF  }
0xa5: {  	s26 =	simm.s32 $execute0_lowered;
	[smem:$0x3FD2] =	sst s25  }
0xa6: {  	s5 =	sshll.u32 s26, $0x1;
	_ =	strace $0x80000049;
	[dreg:$0x1] =	wrdreg $0xFFFFFFFF  }
0xa7: {  	s28 =	simm.s32 $_size_execute0_lowered;
	s3 =	sadd.s32 s3, s5;
	[dreg:$0x0] =	wrdreg $0x0  }
0xa8: {  	s5 =	sshll.u32 s28, $0x1;
	[dreg:$0x2] =	wrdreg s3  }
0xa9: {  	[dreg:$0x3] =	wrdreg s5  }
0xaa: {  	[dreg:$0x4] =	wrdreg $0xC0  }
0xab: {  	_ =	task [dreg:s7], $0x5FFFF  }
0xac: {  	[dreg:$0x1] =	wrdreg $0xFFFFFFFF  }
0xad: {  	[dreg:$0x0] =	wrdreg $0x60  }
0xae: {  	[dreg:$0x2] =	wrdreg s2  }
0xaf: {  	[dreg:$0x3] =	wrdreg s24  }
0xb0: {  	[dreg:$0x4] =	wrdreg $0x9  }
0xb1: {  	_ =	task.clear_ibuf [dreg:s7], $0x5FFFF;
	_ =	strace $0x90000049  }
0xb2: {  	s29 =	simm.s32 $0x9;
	_ =	strace $0x8000004B  }
0xb3: {  	_ =	swait.ge [sflag:s29], $0x1  }
0xb4: {  	[sflag:s29] =	ssyncadd.s32 $0xFFFFFFFF  }
0xb5: {  	_ =	strace $0x9000004B  }
0xb6: {  	_ =	sfence  }
0xb7: {  	s30 =	sld [smem:$0x0];
	_ =	sdelay $0x2  }
0xb8: {  	s31 =	sshll.u32 s1, $0xD;
	s1 =	sshrl.u32 s1, $0x2  }
0xb9: {  	s3 =	sand.u32 $0x4000, s31;
	s1 =	sadd.s32 s1, s30  }
0xba: {  	s0 =	sor.u32 s3, s0;
	s1 =	sshll.u32 s1, $0x11  }
0xbb: {  	s0 =	sor.u32 s1, s0  }
0xbc: {  	s0 =	sadd.s32 $0x8F2B, s0  }
0xbd: {  	[sflag:s0] =	ssyncadd.remote.s32 $0x1  }
0xbe: {  	_ =	sfence.sel $0xFFFF  }
0xbf: {  	[dreg:$0x0] =	wrdreg $0xFFFFFFFF;
	(pc) =	sbr.abs _section_cstart, $3  }
0xc0: {  	[dreg:$0x1] =	wrdreg $0xFFFFFFFF  }
0xc1: {  	_ =	task.clear_ibuf [dreg:s7], $0x2FFFF;
	_ =	strace $0x9FFFFFFF  }
0xc2: {  	(tm) =	ssettm $0x7FFFFFFF  }
0xc3: {  	_ =	shalt  }
tec
execute0_lowered:
.L_overlay_start_1:
0x0: {  	(tag) =	ssettag $0x1  }
0x1: {  	s13 =	rddreg [dreg:$0x0]  }
0x2: {  	s3 =	rddreg [dreg:$0x1]  }
0x3: {  	s4 =	srdreg.scid;
	s1 =	stileid.u32  }
0x4: {  	s2 =	simm.s32 $0x0;
	s16 =	simm.s32 $0x4400;
	s17 =	simm.s32 $0x1  }
0x5: {  	s18 =	simm.s32 $0x300;
	s19 =	simm.s32 $0x80;
	s20 =	simm.s32 $0x400  }
0x6: {  	s21 =	simm.s32 $0x3;
	s22 =	simm.s32 $0x4600;
	s23 =	simm.s32 $0x2  }
0x7: {  	s24 =	simm.s32 $0x4;
	s25 =	simm.s32 $0x0;
	s9 =	sand.u32 $0x1, s4  }
0x8: {  	s29 =	sshll.u32 s1, $0x1;
	[smem:$0x7FF] =	sst s2;
	s12 =	sadd.s32 $0xCE00, s3  }
0x9: {  	s8 =	smul.u32 $0x6400, s1;
	s3 =	sadd.s32 $0x19600, s3;
	s31 =	sshll.u32 s1, $0x12  }
0xa: {  	s4 =	sor.u32 s9, s29;
	s5 =	ssub.s32 $0x2, s9;
	s11 =	smul.u32 $0x3200, s9  }
0xb: {  	s9 =	sshll.u32 s9, $0x11;
	s6 =	smul.u32 $0x640, s4;
	s30 =	sshrl.u32 s5, $0x1  }
0xc: {  	_ =	strace $0x8000004A;
	s9 =	sor.u32 s9, s31;
	s10 =	ssub.s32 s5, s30  }
0xd: {  	s11 =	sadd.s32 s11, s8;
	s4 =	sadd.s32 s13, s6;
	s5 =	sadd.s32 s12, s6  }
.Ltmp0:
0xe: {  	s7 =	sor.u32 $0x19, s6;
	s8 =	smax.u32 s10, $0x1;
	(pc) =	sbr.rel .LBB2_1-.Ltmp0, $4  }
0xf: {  	s14 =	sor.u32 $0x190, s11;
	s11 =	sadd.s32 $0x258, s11;
	s6 =	sadd.s32 s13, s7  }
0x10: {  	s7 =	sadd.s32 s12, s7;
	s14 =	sshrl.u32 s14, $0x3;
	s15 =	sshrl.u32 s11, $0x3  }
0x11: {  	s10 =	sadd.s32 s14, s12;
	s11 =	sadd.s32 s14, s13;
	s12 =	sadd.s32 s15, s12  }
0x12: {  	v0 =	vimm.f32 $0.0e+00;
	v1 =	vimm.s32 $0x0;
	v2 =	vimm.s32 $0xFFFFFFFF;
	s13 =	sadd.s32 s15, s13;
	s14 =	simm.s32 $0x100;
	s15 =	simm.s32 $0x4300  }
.LBB2_6:
0x13: {  	s25 =	sadd.s32 $0x1, s25  }
0x14: {  	_ =	swait.ge [sflag:s23], $0x4000;
	p0 =	sne.s32 s25, s8  }
.Ltmp1:
0x15: {  	[sflag:s23] =	ssyncset.done $0x0;
	(pc) =	sbr.rel @!p0 .LBB2_7-.Ltmp1, $4  }
0x16: {  	[sflag:s23] =	ssyncadd.s32 $0xFFFFC000  }
0x17: {  	_ =	swait.ge [sflag:s24], $0x4000  }
0x18: {  	[sflag:s24] =	ssyncset.done $0x0  }
0x19: {  	[sflag:s24] =	ssyncadd.s32 $0xFFFFC000  }
.LBB2_1:
0x1a: {  	s26 =	simm.s32 $0x40;
	s28 =	simm.s32 $0x0  }
.LBB2_2:
0x1b: {  	p0 =	sne.s32 s26, $0xFFC0;
	[tilespmem:s28+$0x300] =	vst v0;
	s29 =	smov.u32 s26;
	s26 =	sadd.s32 $0x40, s26  }
.Ltmp2:
0x1c: {  	[tilespmem:s28+$0x4600] =	vst v0;
	(pc) =	sbr.rel @p0 .LBB2_2-.Ltmp2, $2  }
0x1d: {  	_ =	sdelay $0x2  }
0x1e: {  	s28 =	sshra.s32 s29, $0x2  }
0x1f: {  	[tilespmem:s28+$0x300] =	vst v0  }
0x20: {  	[tilespmem:s28+$0x4600] =	vst v0  }
0x21: {  	[tilespmem:$0x200] =	vst v1  }
0x22: {  	[tilespmem:$0x4500] =	vst v1  }
0x23: {  	[tilespmem:$0x210] =	vst v1  }
0x24: {  	[tilespmem:$0x4510] =	vst v1  }
0x25: {  	[tilespmem:$0x220] =	vst v1  }
0x26: {  	[tilespmem:$0x4520] =	vst v1  }
0x27: {  	[tilespmem:$0x230] =	vst v1  }
0x28: {  	[tilespmem:$0x4530] =	vst v1  }
0x29: {  	[tilespmem:$0x240] =	vst v1  }
0x2a: {  	[tilespmem:$0x4540] =	vst v1  }
0x2b: {  	[tilespmem:$0x250] =	vst v1  }
0x2c: {  	[tilespmem:$0x4550] =	vst v1  }
0x2d: {  	[tilespmem:$0x260] =	vst v1  }
0x2e: {  	[tilespmem:$0x4560] =	vst v1  }
0x2f: {  	[tilespmem:$0x270] =	vst v1  }
0x30: {  	[tilespmem:$0x4570] =	vst v1  }
0x31: {  	[tilespmem:$0x280] =	vst v1  }
0x32: {  	[tilespmem:$0x4580] =	vst v1  }
0x33: {  	[tilespmem:$0x290] =	vst v1  }
0x34: {  	[tilespmem:$0x4590] =	vst v1  }
0x35: {  	[tilespmem:$0x2A0] =	vst v1  }
0x36: {  	[tilespmem:$0x45A0] =	vst v1  }
0x37: {  	[tilespmem:$0x2B0] =	vst v1  }
0x38: {  	[tilespmem:$0x45B0] =	vst v1  }
0x39: {  	[tilespmem:$0x2C0] =	vst v1  }
0x3a: {  	[tilespmem:$0x45C0] =	vst v1  }
0x3b: {  	[tilespmem:$0xC8] =	vst v2  }
0x3c: {  	s26 =	simm.s32 $0x0;
	[tilespmem:$0x43C8] =	vst v2  }
0x3d: {  	[tilespmem:s26], [sflag:$0x1] =	stream.linear.gather [hbm4b:s4+s26], $0xC8, $0x38;
	[tilespmem:$0x8600] =	vst v63  }
0x3e: {  	_ = 	snop  }
0x3f: {  	[tilespmem:s14], [sflag:$0x1] =	stream.linear.gather [hbm4b:s5+s26], $0xC8, $0x38;
	[tilespmem:$0x8600] =	vst v63  }
0x40: {  	_ = 	snop  }
0x41: {  	[tilespmem:s15], [sflag:$0x3] =	stream.linear.gather [hbm4b:s6+s26], $0xC8, $0x38;
	[tilespmem:$0x8600] =	vst v63  }
0x42: {  	s28 =	smov.u32 s9;
	s29 =	simm.s32 $0x0  }
0x43: {  	[tilespmem:s16], [sflag:$0x3] =	stream.linear.gather [hbm4b:s7+s26], $0xC8, $0x38;
	[tilespmem:$0x8600] =	vst v63  }
.LBB2_4:
0x44: {  	_ =	swait.ge [sflag:s17], $0xC8  }
0x45: {  	[sflag:s17] =	ssyncset.done $0x0  }
0x46: {  	[sflag:s17] =	ssyncadd.s32 $0xFFFFFF38  }
0x47: {  	_ =	swait.ge [sflag:s17], $0xC8  }
0x48: {  	p0 =	seq.s32 s26, $0x0;
	[sflag:s17] =	ssyncset.done $0x0  }
0x49: {  	s30 =	simm.s32 @!p0 $0x2;
	[sflag:s17] =	ssyncadd.s32 $0xFFFFFF38  }
0x4a: {  	_ =	swait.ge @!p0 [sflag:s30], $0x4000  }
0x4b: {  	[sflag:s30] =	ssyncset.done @!p0 $0x0  }
0x4c: {  	[sflag:s30] =	ssyncadd.s32 @!p0 $0xFFFFC000  }
0x4d: {  	v3 =	vld [tilespmem:$0x200];
	_ =	sdelay $0x7  }
0x4e: {  	[tilespmem:v3+s18+$0x0] =	vst.idx.msk $0xffff, v0  }
0x4f: {  	v3 =	vld [tilespmem:$0x210];
	_ =	sdelay $0x7  }
0x50: {  	[tilespmem:v3+s18+$0x0] =	vst.idx.msk $0xffff, v0  }
0x51: {  	v3 =	vld [tilespmem:$0x220];
	_ =	sdelay $0x7  }
0x52: {  	[tilespmem:v3+s18+$0x0] =	vst.idx.msk $0xffff, v0  }
0x53: {  	v3 =	vld [tilespmem:$0x230];
	_ =	sdelay $0x7  }
0x54: {  	[tilespmem:v3+s18+$0x0] =	vst.idx.msk $0xffff, v0  }
0x55: {  	v3 =	vld [tilespmem:$0x240];
	_ =	sdelay $0x7  }
0x56: {  	[tilespmem:v3+s18+$0x0] =	vst.idx.msk $0xffff, v0  }
0x57: {  	v3 =	vld [tilespmem:$0x250];
	_ =	sdelay $0x7  }
0x58: {  	[tilespmem:v3+s18+$0x0] =	vst.idx.msk $0xffff, v0  }
0x59: {  	v3 =	vld [tilespmem:$0x260];
	_ =	sdelay $0x7  }
0x5a: {  	[tilespmem:v3+s18+$0x0] =	vst.idx.msk $0xffff, v0  }
0x5b: {  	v3 =	vld [tilespmem:$0x270];
	_ =	sdelay $0x7  }
0x5c: {  	[tilespmem:v3+s18+$0x0] =	vst.idx.msk $0xffff, v0  }
0x5d: {  	v3 =	vld [tilespmem:$0x280];
	_ =	sdelay $0x7  }
0x5e: {  	[tilespmem:v3+s18+$0x0] =	vst.idx.msk $0xffff, v0  }
0x5f: {  	v3 =	vld [tilespmem:$0x290];
	_ =	sdelay $0x7  }
0x60: {  	[tilespmem:v3+s18+$0x0] =	vst.idx.msk $0xffff, v0  }
0x61: {  	v3 =	vld [tilespmem:$0x2A0];
	_ =	sdelay $0x7  }
0x62: {  	[tilespmem:v3+s18+$0x0] =	vst.idx.msk $0xffff, v0  }
0x63: {  	v3 =	vld [tilespmem:$0x2B0];
	_ =	sdelay $0x7  }
0x64: {  	[tilespmem:v3+s18+$0x0] =	vst.idx.msk $0xffff, v0  }
0x65: {  	v3 =	vld [tilespmem:$0x2C0];
	_ =	sdelay $0x7  }
0x66: {  	[tilespmem:v3+s18+$0x0] =	vst.idx.msk $0xffff, v0  }
0x67: {  	v3 =	vld [tilespmem:$0x0]  }
0x68: {  	v4 =	vld [tilespmem:$0x1];
	_ =	sdelay $0x4  }
0x69: {  	vm0 =	vne.s32 v3, v4;
	vm1 =	vgt.s32 v3, $0xFFFFFFFF  }
0x6a: {  	vm0 =	vmand vm1, vm0  }
0x6b: {  	v26 =	vld [tilespmem:$0x100];
	v3 =	vand.u32 $0x3FFF, v3;
	_ =	sdelay $0x4  }
0x6c: {  	[tilespmem:v3+s18+$0x0] =	vst.idx.msk vm0, v26  }
0x6d: {  	v4 =	vld [tilespmem:$0x10]  }
0x6e: {  	v5 =	vld [tilespmem:$0x11];
	_ =	sdelay $0x4  }
0x6f: {  	vm14 =	vne.s32 v4, v5;
	vm15 =	vgt.s32 v4, $0xFFFFFFFF  }
0x70: {  	vm0 =	vmand vm15, vm14  }
0x71: {  	v27 =	vld [tilespmem:$0x110];
	v4 =	vand.u32 $0x3FFF, v4;
	_ =	sdelay $0x3  }
0x72: {  	[tilespmem:$0x200] =	vst v3  }
0x73: {  	[tilespmem:v4+s18+$0x0] =	vst.idx.msk vm0, v27  }
0x74: {  	v3 =	vld [tilespmem:$0x20]  }
0x75: {  	v5 =	vld [tilespmem:$0x21];
	_ =	sdelay $0x4  }
0x76: {  	vm4 =	vne.s32 v3, v5;
	vm5 =	vgt.s32 v3, $0xFFFFFFFF  }
0x77: {  	vm0 =	vmand vm5, vm4  }
0x78: {  	v28 =	vld [tilespmem:$0x120];
	v3 =	vand.u32 $0x3FFF, v3;
	_ =	sdelay $0x3  }
0x79: {  	[tilespmem:$0x210] =	vst v4  }
0x7a: {  	[tilespmem:v3+s18+$0x0] =	vst.idx.msk vm0, v28  }
0x7b: {  	v29 =	vld [tilespmem:$0x30]  }
0x7c: {  	v5 =	vld [tilespmem:$0x31];
	_ =	sdelay $0x4  }
0x7d: {  	vm6 =	vne.s32 v29, v5;
	vm7 =	vgt.s32 v29, $0xFFFFFFFF  }
0x7e: {  	vm0 =	vmand vm7, vm6  }
0x7f: {  	v30 =	vld [tilespmem:$0x130];
	v4 =	vand.u32 $0x3FFF, v29;
	_ =	sdelay $0x3  }
0x80: {  	[tilespmem:$0x220] =	vst v3  }
0x81: {  	[tilespmem:v4+s18+$0x0] =	vst.idx.msk vm0, v30  }
0x82: {  	v3 =	vld [tilespmem:$0x40]  }
0x83: {  	v5 =	vld [tilespmem:$0x41];
	_ =	sdelay $0x4  }
0x84: {  	vm8 =	vne.s32 v3, v5;
	vm9 =	vgt.s32 v3, $0xFFFFFFFF  }
0x85: {  	vm0 =	vmand vm9, vm8  }
0x86: {  	v31 =	vld [tilespmem:$0x140];
	v3 =	vand.u32 $0x3FFF, v3;
	_ =	sdelay $0x3  }
0x87: {  	[tilespmem:$0x230] =	vst v4  }
0x88: {  	[tilespmem:v3+s18+$0x0] =	vst.idx.msk vm0, v31  }
0x89: {  	v32 =	vld [tilespmem:$0x50]  }
0x8a: {  	v5 =	vld [tilespmem:$0x51];
	_ =	sdelay $0x4  }
0x8b: {  	vm10 =	vne.s32 v32, v5;
	vm11 =	vgt.s32 v32, $0xFFFFFFFF  }
0x8c: {  	vm0 =	vmand vm11, vm10  }
0x8d: {  	v33 =	vld [tilespmem:$0x150];
	v4 =	vand.u32 $0x3FFF, v32;
	_ =	sdelay $0x3  }
0x8e: {  	[tilespmem:$0x240] =	vst v3  }
0x8f: {  	[tilespmem:v4+s18+$0x0] =	vst.idx.msk vm0, v33  }
0x90: {  	v3 =	vld [tilespmem:$0x60]  }
0x91: {  	v5 =	vld [tilespmem:$0x61];
	_ =	sdelay $0x4  }
0x92: {  	vm12 =	vne.s32 v3, v5;
	vm13 =	vgt.s32 v3, $0xFFFFFFFF  }
0x93: {  	vm0 =	vmand vm13, vm12  }
0x94: {  	v34 =	vld [tilespmem:$0x160];
	v3 =	vand.u32 $0x3FFF, v3;
	_ =	sdelay $0x3  }
0x95: {  	[tilespmem:$0x250] =	vst v4  }
0x96: {  	[tilespmem:v3+s18+$0x0] =	vst.idx.msk vm0, v34  }
0x97: {  	v35 =	vld [tilespmem:$0x70]  }
0x98: {  	v5 =	vld [tilespmem:$0x71];
	_ =	sdelay $0x4  }
0x99: {  	vm14 =	vne.s32 v35, v5;
	vm15 =	vgt.s32 v35, $0xFFFFFFFF  }
0x9a: {  	vm0 =	vmand vm15, vm14  }
0x9b: {  	v36 =	vld [tilespmem:$0x170];
	v4 =	vand.u32 $0x3FFF, v35;
	_ =	sdelay $0x3  }
0x9c: {  	[tilespmem:$0x260] =	vst v3  }
0x9d: {  	[tilespmem:v4+s18+$0x0] =	vst.idx.msk vm0, v36  }
0x9e: {  	v3 =	vld [tilespmem:$0x80]  }
0x9f: {  	v5 =	vld [tilespmem:$0x81];
	_ =	sdelay $0x4  }
0xa0: {  	vm4 =	vne.s32 v3, v5;
	vm5 =	vgt.s32 v3, $0xFFFFFFFF  }
0xa1: {  	vm0 =	vmand vm5, vm4  }
0xa2: {  	v37 =	vld [tilespmem:$0x180];
	v3 =	vand.u32 $0x3FFF, v3;
	_ =	sdelay $0x3  }
0xa3: {  	[tilespmem:$0x270] =	vst v4  }
0xa4: {  	[tilespmem:v3+s18+$0x0] =	vst.idx.msk vm0, v37  }
0xa5: {  	v38 =	vld [tilespmem:$0x90]  }
0xa6: {  	v5 =	vld [tilespmem:$0x91];
	_ =	sdelay $0x4  }
0xa7: {  	vm6 =	vne.s32 v38, v5;
	vm7 =	vgt.s32 v38, $0xFFFFFFFF  }
0xa8: {  	vm0 =	vmand vm7, vm6  }
0xa9: {  	v39 =	vld [tilespmem:$0x190];
	v4 =	vand.u32 $0x3FFF, v38;
	_ =	sdelay $0x3  }
0xaa: {  	[tilespmem:$0x280] =	vst v3  }
0xab: {  	[tilespmem:v4+s18+$0x0] =	vst.idx.msk vm0, v39  }
0xac: {  	v3 =	vld [tilespmem:$0xA0]  }
0xad: {  	v5 =	vld [tilespmem:$0xA1];
	_ =	sdelay $0x4  }
0xae: {  	vm8 =	vne.s32 v3, v5;
	vm9 =	vgt.s32 v3, $0xFFFFFFFF  }
0xaf: {  	vm0 =	vmand vm9, vm8  }
0xb0: {  	v40 =	vld [tilespmem:$0x1A0];
	v3 =	vand.u32 $0x3FFF, v3;
	_ =	sdelay $0x3  }
0xb1: {  	[tilespmem:$0x290] =	vst v4  }
0xb2: {  	[tilespmem:v3+s18+$0x0] =	vst.idx.msk vm0, v40  }
0xb3: {  	v41 =	vld [tilespmem:$0xB0]  }
0xb4: {  	v5 =	vld [tilespmem:$0xB1];
	_ =	sdelay $0x4  }
0xb5: {  	vm10 =	vne.s32 v41, v5;
	vm11 =	vgt.s32 v41, $0xFFFFFFFF  }
0xb6: {  	vm0 =	vmand vm11, vm10  }
0xb7: {  	v42 =	vld [tilespmem:$0x1B0];
	v4 =	vand.u32 $0x3FFF, v41;
	_ =	sdelay $0x3  }
0xb8: {  	[tilespmem:$0x2A0] =	vst v3  }
0xb9: {  	[tilespmem:v4+s18+$0x0] =	vst.idx.msk vm0, v42  }
0xba: {  	v3 =	vld [tilespmem:$0xC0]  }
0xbb: {  	v5 =	vld [tilespmem:$0xC1];
	_ =	sdelay $0x4  }
0xbc: {  	vm12 =	vne.s32 v3, v5;
	vm13 =	vgt.s32 v3, $0xFFFFFFFF  }
0xbd: {  	vm0 =	vmand vm13, vm12  }
0xbe: {  	v43 =	vld [tilespmem:$0x1C0];
	v3 =	vand.u32 $0x3FFF, v3;
	_ =	sdelay $0x3  }
0xbf: {  	s0 =	sand.u32 $0x60, s29;
	[tilespmem:$0x2B0] =	vst v4  }
0xc0: {  	s31 =	sand.u32 $0xFFFC000, s28;
	s30 =	sadd.s32 s3, s0;
	[tilespmem:v3+s18+$0x0] =	vst.idx.msk vm0, v43  }
0xc1: {  	p1 =	seq.s32 s26, $0x60E;
	s30 =	sadd.s32 s31, s30;
	[tilespmem:$0x2C0] =	vst v3  }
0xc2: {  	[hbm4b:s30+s19] =	stream.strided.scatter [tilespmem:s18], [sflag:$0x2], $0x4000, s20, s19, $0x38;
	[tilespmem:$0x8600] =	vst v63  }
0xc3: {  	s31 =	simm.s32 @!p1 $0x0;
	s30 =	sadd.s32 @!p1 s26, s11  }
0xc4: {  	[tilespmem:s31], [sflag:$0x1] =	stream.linear.gather @!p1 [hbm4b:s30+s31], $0xC8, $0x38;
	[tilespmem:$0x8600] =	vst v63  }
0xc5: {  	s0 =	simm.s32 @!p1 $0x100;
	s30 =	sadd.s32 @!p1 s26, s10  }
0xc6: {  	[tilespmem:s0], [sflag:$0x1] =	stream.linear.gather @!p1 [hbm4b:s30+s31], $0xC8, $0x38;
	[tilespmem:$0x8600] =	vst v63  }
0xc7: {  	_ =	swait.ge [sflag:s21], $0xC8  }
0xc8: {  	[sflag:s21] =	ssyncset.done $0x0  }
0xc9: {  	[sflag:s21] =	ssyncadd.s32 $0xFFFFFF38  }
0xca: {  	_ =	swait.ge [sflag:s21], $0xC8  }
0xcb: {  	[sflag:s21] =	ssyncset.done $0x0  }
0xcc: {  	s0 =	simm.s32 @!p0 $0x4;
	[sflag:s21] =	ssyncadd.s32 $0xFFFFFF38  }
0xcd: {  	_ =	swait.ge @!p0 [sflag:s0], $0x4000  }
0xce: {  	[sflag:s0] =	ssyncset.done @!p0 $0x0  }
0xcf: {  	[sflag:s0] =	ssyncadd.s32 @!p0 $0xFFFFC000  }
0xd0: {  	v3 =	vld [tilespmem:$0x4500];
	_ =	sdelay $0x7  }
0xd1: {  	[tilespmem:v3+s22+$0x0] =	vst.idx.msk $0xffff, v0  }
0xd2: {  	v3 =	vld [tilespmem:$0x4510];
	_ =	sdelay $0x7  }
0xd3: {  	[tilespmem:v3+s22+$0x0] =	vst.idx.msk $0xffff, v0  }
0xd4: {  	v3 =	vld [tilespmem:$0x4520];
	_ =	sdelay $0x7  }
0xd5: {  	[tilespmem:v3+s22+$0x0] =	vst.idx.msk $0xffff, v0  }
0xd6: {  	v3 =	vld [tilespmem:$0x4530];
	_ =	sdelay $0x7  }
0xd7: {  	[tilespmem:v3+s22+$0x0] =	vst.idx.msk $0xffff, v0  }
0xd8: {  	v3 =	vld [tilespmem:$0x4540];
	_ =	sdelay $0x7  }
0xd9: {  	[tilespmem:v3+s22+$0x0] =	vst.idx.msk $0xffff, v0  }
0xda: {  	v3 =	vld [tilespmem:$0x4550];
	_ =	sdelay $0x7  }
0xdb: {  	[tilespmem:v3+s22+$0x0] =	vst.idx.msk $0xffff, v0  }
0xdc: {  	v3 =	vld [tilespmem:$0x4560];
	_ =	sdelay $0x7  }
0xdd: {  	[tilespmem:v3+s22+$0x0] =	vst.idx.msk $0xffff, v0  }
0xde: {  	v3 =	vld [tilespmem:$0x4570];
	_ =	sdelay $0x7  }
0xdf: {  	[tilespmem:v3+s22+$0x0] =	vst.idx.msk $0xffff, v0  }
0xe0: {  	v3 =	vld [tilespmem:$0x4580];
	_ =	sdelay $0x7  }
0xe1: {  	[tilespmem:v3+s22+$0x0] =	vst.idx.msk $0xffff, v0  }
0xe2: {  	v3 =	vld [tilespmem:$0x4590];
	_ =	sdelay $0x7  }
0xe3: {  	[tilespmem:v3+s22+$0x0] =	vst.idx.msk $0xffff, v0  }
0xe4: {  	v3 =	vld [tilespmem:$0x45A0];
	_ =	sdelay $0x7  }
0xe5: {  	[tilespmem:v3+s22+$0x0] =	vst.idx.msk $0xffff, v0  }
0xe6: {  	v3 =	vld [tilespmem:$0x45B0];
	_ =	sdelay $0x7  }
0xe7: {  	[tilespmem:v3+s22+$0x0] =	vst.idx.msk $0xffff, v0  }
0xe8: {  	v3 =	vld [tilespmem:$0x45C0];
	_ =	sdelay $0x7  }
0xe9: {  	[tilespmem:v3+s22+$0x0] =	vst.idx.msk $0xffff, v0  }
0xea: {  	v3 =	vld [tilespmem:$0x4300]  }
0xeb: {  	v44 =	vld [tilespmem:$0x4301];
	_ =	sdelay $0x4  }
0xec: {  	vm14 =	vne.s32 v3, v44;
	vm15 =	vgt.s32 v3, $0xFFFFFFFF  }
0xed: {  	vm0 =	vmand vm15, vm14  }
0xee: {  	v45 =	vld [tilespmem:$0x4400];
	v3 =	vand.u32 $0x3FFF, v3;
	_ =	sdelay $0x4  }
0xef: {  	[tilespmem:v3+s22+$0x0] =	vst.idx.msk vm0, v45  }
0xf0: {  	v4 =	vld [tilespmem:$0x4310]  }
0xf1: {  	v46 =	vld [tilespmem:$0x4311];
	_ =	sdelay $0x4  }
0xf2: {  	vm4 =	vne.s32 v4, v46;
	vm5 =	vgt.s32 v4, $0xFFFFFFFF  }
0xf3: {  	vm0 =	vmand vm5, vm4  }
0xf4: {  	v47 =	vld [tilespmem:$0x4410];
	v4 =	vand.u32 $0x3FFF, v4;
	_ =	sdelay $0x3  }
0xf5: {  	[tilespmem:$0x4500] =	vst v3  }
0xf6: {  	[tilespmem:v4+s22+$0x0] =	vst.idx.msk vm0, v47  }
0xf7: {  	v3 =	vld [tilespmem:$0x4320]  }
0xf8: {  	v5 =	vld [tilespmem:$0x4321];
	_ =	sdelay $0x4  }
0xf9: {  	vm6 =	vne.s32 v3, v5;
	vm7 =	vgt.s32 v3, $0xFFFFFFFF  }
0xfa: {  	vm0 =	vmand vm7, vm6  }
0xfb: {  	v48 =	vld [tilespmem:$0x4420];
	v3 =	vand.u32 $0x3FFF, v3;
	_ =	sdelay $0x3  }
0xfc: {  	[tilespmem:$0x4510] =	vst v4  }
0xfd: {  	[tilespmem:v3+s22+$0x0] =	vst.idx.msk vm0, v48  }
0xfe: {  	v49 =	vld [tilespmem:$0x4330]  }
0xff: {  	v5 =	vld [tilespmem:$0x4331];
	_ =	sdelay $0x4  }
0x100: {  	vm8 =	vne.s32 v49, v5;
	vm9 =	vgt.s32 v49, $0xFFFFFFFF  }
0x101: {  	vm0 =	vmand vm9, vm8  }
0x102: {  	v50 =	vld [tilespmem:$0x4430];
	v4 =	vand.u32 $0x3FFF, v49;
	_ =	sdelay $0x3  }
0x103: {  	[tilespmem:$0x4520] =	vst v3  }
0x104: {  	[tilespmem:v4+s22+$0x0] =	vst.idx.msk vm0, v50  }
0x105: {  	v3 =	vld [tilespmem:$0x4340]  }
0x106: {  	v5 =	vld [tilespmem:$0x4341];
	_ =	sdelay $0x4  }
0x107: {  	vm10 =	vne.s32 v3, v5;
	vm11 =	vgt.s32 v3, $0xFFFFFFFF  }
0x108: {  	vm0 =	vmand vm11, vm10  }
0x109: {  	v51 =	vld [tilespmem:$0x4440];
	v3 =	vand.u32 $0x3FFF, v3;
	_ =	sdelay $0x3  }
0x10a: {  	[tilespmem:$0x4530] =	vst v4  }
0x10b: {  	[tilespmem:v3+s22+$0x0] =	vst.idx.msk vm0, v51  }
0x10c: {  	v52 =	vld [tilespmem:$0x4350]  }
0x10d: {  	v5 =	vld [tilespmem:$0x4351];
	_ =	sdelay $0x4  }
0x10e: {  	vm12 =	vne.s32 v52, v5;
	vm13 =	vgt.s32 v52, $0xFFFFFFFF  }
0x10f: {  	vm0 =	vmand vm13, vm12  }
0x110: {  	v53 =	vld [tilespmem:$0x4450];
	v4 =	vand.u32 $0x3FFF, v52;
	_ =	sdelay $0x3  }
0x111: {  	[tilespmem:$0x4540] =	vst v3  }
0x112: {  	[tilespmem:v4+s22+$0x0] =	vst.idx.msk vm0, v53  }
0x113: {  	v3 =	vld [tilespmem:$0x4360]  }
0x114: {  	v5 =	vld [tilespmem:$0x4361];
	_ =	sdelay $0x4  }
0x115: {  	vm14 =	vne.s32 v3, v5;
	vm15 =	vgt.s32 v3, $0xFFFFFFFF  }
0x116: {  	vm0 =	vmand vm15, vm14  }
0x117: {  	v54 =	vld [tilespmem:$0x4460];
	v3 =	vand.u32 $0x3FFF, v3;
	_ =	sdelay $0x3  }
0x118: {  	[tilespmem:$0x4550] =	vst v4  }
0x119: {  	[tilespmem:v3+s22+$0x0] =	vst.idx.msk vm0, v54  }
0x11a: {  	v55 =	vld [tilespmem:$0x4370]  }
0x11b: {  	v5 =	vld [tilespmem:$0x4371];
	_ =	sdelay $0x4  }
0x11c: {  	vm4 =	vne.s32 v55, v5;
	vm5 =	vgt.s32 v55, $0xFFFFFFFF  }
0x11d: {  	vm0 =	vmand vm5, vm4  }
0x11e: {  	v56 =	vld [tilespmem:$0x4470];
	v4 =	vand.u32 $0x3FFF, v55;
	_ =	sdelay $0x3  }
0x11f: {  	[tilespmem:$0x4560] =	vst v3  }
0x120: {  	[tilespmem:v4+s22+$0x0] =	vst.idx.msk vm0, v56  }
0x121: {  	v3 =	vld [tilespmem:$0x4380]  }
0x122: {  	v5 =	vld [tilespmem:$0x4381];
	_ =	sdelay $0x4  }
0x123: {  	vm6 =	vne.s32 v3, v5;
	vm7 =	vgt.s32 v3, $0xFFFFFFFF  }
0x124: {  	vm0 =	vmand vm7, vm6  }
0x125: {  	v57 =	vld [tilespmem:$0x4480];
	v3 =	vand.u32 $0x3FFF, v3;
	_ =	sdelay $0x3  }
0x126: {  	[tilespmem:$0x4570] =	vst v4  }
0x127: {  	[tilespmem:v3+s22+$0x0] =	vst.idx.msk vm0, v57  }
0x128: {  	v58 =	vld [tilespmem:$0x4390]  }
0x129: {  	v5 =	vld [tilespmem:$0x4391];
	_ =	sdelay $0x4  }
0x12a: {  	vm8 =	vne.s32 v58, v5;
	vm9 =	vgt.s32 v58, $0xFFFFFFFF  }
0x12b: {  	vm0 =	vmand vm9, vm8  }
0x12c: {  	v59 =	vld [tilespmem:$0x4490];
	v4 =	vand.u32 $0x3FFF, v58;
	_ =	sdelay $0x3  }
0x12d: {  	[tilespmem:$0x4580] =	vst v3  }
0x12e: {  	[tilespmem:v4+s22+$0x0] =	vst.idx.msk vm0, v59  }
0x12f: {  	v3 =	vld [tilespmem:$0x43A0]  }
0x130: {  	v5 =	vld [tilespmem:$0x43A1];
	_ =	sdelay $0x4  }
0x131: {  	vm10 =	vne.s32 v3, v5;
	vm11 =	vgt.s32 v3, $0xFFFFFFFF  }
0x132: {  	vm0 =	vmand vm11, vm10  }
0x133: {  	v60 =	vld [tilespmem:$0x44A0];
	v3 =	vand.u32 $0x3FFF, v3;
	_ =	sdelay $0x3  }
0x134: {  	[tilespmem:$0x4590] =	vst v4  }
0x135: {  	[tilespmem:v3+s22+$0x0] =	vst.idx.msk vm0, v60  }
0x136: {  	v61 =	vld [tilespmem:$0x43B0]  }
0x137: {  	v5 =	vld [tilespmem:$0x43B1];
	_ =	sdelay $0x4  }
0x138: {  	vm12 =	vne.s32 v61, v5;
	vm13 =	vgt.s32 v61, $0xFFFFFFFF  }
0x139: {  	vm0 =	vmand vm13, vm12  }
0x13a: {  	v62 =	vld [tilespmem:$0x44B0];
	v4 =	vand.u32 $0x3FFF, v61;
	_ =	sdelay $0x3  }
0x13b: {  	[tilespmem:$0x45A0] =	vst v3  }
0x13c: {  	[tilespmem:v4+s22+$0x0] =	vst.idx.msk vm0, v62  }
0x13d: {  	v3 =	vld [tilespmem:$0x43C0]  }
0x13e: {  	v5 =	vld [tilespmem:$0x43C1];
	_ =	sdelay $0x4  }
0x13f: {  	vm14 =	vne.s32 v3, v5;
	vm15 =	vgt.s32 v3, $0xFFFFFFFF  }
0x140: {  	vm0 =	vmand vm15, vm14  }
0x141: {  	v63 =	vld [tilespmem:$0x44C0];
	v3 =	vand.u32 $0x3FFF, v3;
	_ =	sdelay $0x2  }
.Ltmp3:
0x142: {  	s0 =	sadd.s32 $0x10, s29;
	(pc) =	sbr.rel @p1 .LBB2_6-.Ltmp3, $4  }
0x143: {  	s31 =	sadd.s32 $0x800, s28;
	s0 =	sand.u32 $0x70, s0;
	[tilespmem:$0x45B0] =	vst v4  }
0x144: {  	s30 =	sand.u32 $0xFFFC000, s31;
	s0 =	sadd.s32 s3, s0;
	[tilespmem:v3+s22+$0x0] =	vst.idx.msk vm0, v63  }
0x145: {  	s0 =	sadd.s32 s30, s0;
	[tilespmem:$0x45C0] =	vst v3  }
0x146: {  	[hbm4b:s0+s19] =	stream.strided.scatter [tilespmem:s22], [sflag:$0x4], $0x4000, s20, s19, $0x38;
	[tilespmem:$0x8600] =	vst v63  }
.Ltmp4:
0x147: {  	(pc) =	sbr.rel .LBB2_4-.Ltmp4, $4  }
0x148: {  	s0 =	sadd.s32 s26, s13;
	s31 =	sadd.s32 s26, s12  }
0x149: {  	[tilespmem:s15], [sflag:$0x3] =	stream.linear.gather [hbm4b:s0+s2], $0xC8, $0x38;
	[tilespmem:$0x8600] =	vst v63  }
0x14a: {  	s29 =	sadd.s32 $0x20, s29;
	s28 =	sadd.s32 $0x1000, s28;
	s26 =	sadd.s32 $0x32, s26  }
0x14b: {  	[tilespmem:s16], [sflag:$0x3] =	stream.linear.gather [hbm4b:s31+s2], $0xC8, $0x38;
	[tilespmem:$0x8600] =	vst v63  }
.LBB2_7:
0x14c: {  	_ =	sfence.sel $0x180000  }
0x14d: {  	[bflag:$0x0] =	sbarrier.arrive $0xFFFF  }
0x14e: {  	_ =	strace $0x9000004A  }
0x14f: {  	[bflag:$0x2] =	sbarrier.arrive $0xFFFF  }
0x150: {  	p0 =	sne.s32 s1, $0x0;
	s0 =	rddreg [dreg:$0x2]  }
0x151: {  	s0 =	sadd.s32 @!p0 $0x100000, s0  }
0x152: {  	[sflag:s0] =	ssyncadd.tile.s32 @!p0 $0x1;
	_ =	shalt  }
.Lfunc_end2:
_tile_overlayer_lowered:
.L_overlay_start_2:
0x153: {  	(tag) =	ssettag $0x2  }
0x154: {  	s0 =	rddreg [dreg:$0x0];
	s2 =	stileid.u32  }
0x155: {  	s1 =	rddreg [dreg:$0x1];
	p0 =	sne.s32 s2, $0x0  }
0x156: {  	s3 =	rddreg [dreg:$0x2];
	[bflag:$0x3] =	sbarrier.arrive $0xFFFF;
	s2 =	simm.s32 @!p0 $0x1C05  }
0x157: {  	[timem:s3], [sflag:s2] =	dma.local @!p0 [hbm:s0], s1  }
0x158: {  	s0 =	simm.s32 @!p0 $0x5  }
0x159: {  	_ =	swait.ge @!p0 [sflag:s0], s1  }
0x15a: {  	s1 =	ssub.s32 @!p0 $0x0, s1;
	[sflag:s0] =	ssyncset.done @!p0 $0x0  }
0x15b: {  	[sflag:s0] =	ssyncadd.s32 @!p0 s1  }
0x15c: {  	[bflag:$0x3] =	sbarrier.arrive $0xFFFF  }
0x15d: {  	_ =	shalt  }

</sc_bundles>
